<compile_context>
chip_gen: v7x
topology: tpu7x:2x2x1
jax: 0.10.2.dev20260603
libtpu: 0.0.44.dev20260713+nightly
codegen_flags: <defaults>
</compile_context>

<pallas_src>
import jax
import jax.numpy as jnp
from jax import lax
from jax.experimental import pallas as pl
from jax.experimental.pallas import tpu as pltpu
from jax.experimental.pallas import tpu_sc as plsc
from jax._src.pallas import mpmd as _mpmd

NUM_NODES = 100000
HIDDEN = 64
INPUT_DIM = 128
BATCH = 16384
PADW = 128

NW = 32
LANES = 16
B_PER_W = BATCH // NW
NVREG = BATCH // LANES
LOCAL_PAD = 3136
NLOCV = LOCAL_PAD // LANES
POS_BITS = 14
POS_MASK = (1 << POS_BITS) - 1
SENTINEL = 2**31 - 1
CHUNK = 128
NBUF = 4
GROUP = NBUF * CHUNK
NCH_MAX = 32
CAP = NCH_MAX * CHUNK


def _shift_up(v):
  ii = lax.iota(jnp.int32, LANES)
  ind = jnp.minimum(ii + 1, LANES - 1)
  return lax.gather(
      v, ind[:, None],
      dimension_numbers=lax.GatherDimensionNumbers(
          offset_dims=(), collapsed_slice_dims=(0,), start_index_map=(0,)),
      slice_sizes=(1,),
      mode=lax.GatherScatterMode.PROMISE_IN_BOUNDS)


_SC_PARAMS = pltpu.CompilerParams(needs_layout_passes=False,
                                  use_tc_tiling_on_sc=True)


def _mesh():
  return plsc.VectorSubcoreMesh(core_axis_name="c", subcore_axis_name="s",
                                num_cores=2, num_subcores=16)


def _k0_body(idx_hbm, lv_hbm, tv_hbm, nn_hbm,
             idx_all, s_tbl, l_v, t_v, nv):
  wid = lax.axis_index("s") * 2 + lax.axis_index("c")
  ii = lax.iota(jnp.int32, LANES)

  pltpu.sync_copy(idx_hbm, idx_all)

  neg1 = jnp.full((LANES,), -1, jnp.int32)
  def init_body(k, _):
    s_tbl[pl.ds(k * LANES, LANES)] = neg1
    return 0
  lax.fori_loop(0, NLOCV, init_body, 0, unroll=8)

  def scan_body(j, _):
    v = idx_all[pl.ds(j * LANES, LANES)]
    mask = (v & (NW - 1)) == wid
    local = lax.shift_right_logical(v, 5)
    pos = j * LANES + ii
    comb = jnp.where(mask, (local << POS_BITS) | pos, SENTINEL)
    csort, _ = plsc.sort_key_val(comb, comb)
    nxt = _shift_up(csort)
    loc_s = lax.shift_right_logical(csort, POS_BITS)
    nxt_s = lax.shift_right_logical(nxt, POS_BITS)
    win = ((loc_s != nxt_s) | (ii == LANES - 1)) & (csort != SENTINEL)
    plsc.store_scatter(s_tbl, [loc_s], csort, mask=win)
    return 0
  lax.fori_loop(0, NVREG, scan_body, 0, unroll=4)

  def ext_body(k, off):
    sv = s_tbl[pl.ds(k * LANES, LANES)]
    m = sv >= 0
    mi = m.astype(jnp.int32)
    cs = plsc.cumsum(mi)
    tgt = off + cs - mi
    pos = sv & POS_MASK
    node = (lax.shift_right_logical(sv, POS_BITS) << 5) | wid
    plsc.store_scatter(l_v, [tgt], pos, mask=m)
    plsc.store_scatter(t_v, [lax.shift_right_logical(tgt, 7), tgt & 127],
                       node, mask=m)
    return off + jnp.max(cs)
  n = lax.fori_loop(0, NLOCV, ext_body, jnp.int32(0), unroll=4)

  @pl.when(n > 0)
  def _():
    l0 = jnp.full((LANES,), l_v[pl.ds(0, LANES)][0], jnp.int32)
    t0 = jnp.full((LANES,), t_v[0, pl.ds(0, LANES)][0], jnp.int32)
    def pad_body(p, _):
      at = n + p * LANES + ii
      plsc.store_scatter(l_v, [at], l0)
      plsc.store_scatter(t_v, [lax.shift_right_logical(at, 7), at & 127], t0)
      return 0
    lax.fori_loop(0, GROUP // LANES, pad_body, 0, unroll=8)

  nv[...] = n + jnp.zeros((LANES,), jnp.int32)
  pltpu.sync_copy(nv, nn_hbm.at[pl.ds(wid * CHUNK, LANES)])
  pltpu.sync_copy(l_v, lv_hbm.at[pl.ds(wid * CAP, CAP)])
  pltpu.sync_copy(t_v, tv_hbm.at[pl.ds(wid * NCH_MAX, NCH_MAX)])


def _k0(idx):
  return pl.kernel(
      _k0_body,
      out_type=[
          jax.ShapeDtypeStruct((NW * CAP,), jnp.int32),
          jax.ShapeDtypeStruct((NW * NCH_MAX, CHUNK), jnp.int32),
          jax.ShapeDtypeStruct((NW * CHUNK,), jnp.int32),
      ],
      mesh=_mesh(),
      compiler_params=_SC_PARAMS,
      scratch_types=[
          pltpu.VMEM((BATCH,), jnp.int32),
          pltpu.VMEM((LOCAL_PAD,), jnp.int32),
          pltpu.VMEM((CAP,), jnp.int32),
          pltpu.VMEM((NCH_MAX, CHUNK), jnp.int32),
          pltpu.VMEM((LANES,), jnp.int32),
      ],
  )(idx)


def _k1_body(idx_hbm, tbl_hbm, nn_hbm, m1g_hbm, idxv, rows, gsem):
  del nn_hbm
  wid = lax.axis_index("s") * 2 + lax.axis_index("c")
  pltpu.sync_copy(idx_hbm.at[pl.ds(wid * B_PER_W, B_PER_W)], idxv)
  descs = []
  for k in range(B_PER_W // CHUNK):
    descs.append(pltpu.async_copy(
        tbl_hbm.at[idxv.at[pl.ds(k * CHUNK, CHUNK)]],
        rows.at[pl.ds(k * CHUNK, CHUNK)], gsem))
  for d in descs:
    d.wait()
  pltpu.sync_copy(rows, m1g_hbm.at[pl.ds(wid * B_PER_W, B_PER_W)])


def _k1(idx, tbl, nn):
  return pl.kernel(
      _k1_body,
      out_type=jax.ShapeDtypeStruct((BATCH, PADW), jnp.float32),
      mesh=_mesh(),
      compiler_params=_SC_PARAMS,
      scratch_types=[
          pltpu.VMEM((B_PER_W,), jnp.int32),
          pltpu.VMEM((B_PER_W, PADW), jnp.float32),
          pltpu.SemaphoreType.DMA,
      ],
  )(idx, tbl, nn)


TB = 5120


def _kpad_body(mt_ref, out_ref):
  out_ref[:, :HIDDEN] = mt_ref[...].T
  out_ref[:, HIDDEN:] = jnp.zeros((TB, PADW - HIDDEN), jnp.float32)


def _kpad(m1_vec):
  return pl.pallas_call(
      _kpad_body,
      grid=(pl.cdiv(NUM_NODES, TB),),
      in_specs=[pl.BlockSpec((HIDDEN, TB), lambda i: (0, i))],
      out_specs=pl.BlockSpec((TB, PADW), lambda i: (i, 0)),
      out_shape=jax.ShapeDtypeStruct((NUM_NODES, PADW), jnp.float32),
  )(m1_vec.T)


TBO = 5120


def _kout_body(in_ref, out_ref):
  out_ref[...] = in_ref[...][:, :HIDDEN].T


def _kout(out_p):
  return pl.pallas_call(
      _kout_body,
      grid=(pl.cdiv(NUM_NODES, TBO),),
      in_specs=[pl.BlockSpec((TBO, PADW), lambda i: (i, 0))],
      out_specs=pl.BlockSpec((HIDDEN, TBO), lambda i: (0, i)),
      out_shape=jax.ShapeDtypeStruct((HIDDEN, NUM_NODES), jnp.float32),
  )(out_p)


BB = 2048


def _k2_body(x_ref, dt_ref, m1_ref, wtune_ref, btune_ref, scale_ref,
             wdt_ref, bdt_ref, alog_ref, wb1_ref, bb1_ref, out_ref):
  x = x_ref[...]
  m1 = m1_ref[...][:, :HIDDEN]
  wt = wtune_ref[...][:, :INPUT_DIM]
  msg = lax.dot_general(x, wt, (((1,), (1,)), ((), ())),
                        preferred_element_type=jnp.float32) + btune_ref[...]
  upd = lax.dot_general(msg, wb1_ref[...], (((1,), (1,)), ((), ())),
                        preferred_element_type=jnp.float32) + bb1_ref[...]
  norm = jnp.sqrt(jnp.sum(m1 * m1, axis=-1, keepdims=True))
  rms = norm / (HIDDEN ** 0.5)
  h = scale_ref[...] * (m1 / (rms + 1e-8))
  z = jnp.sum(h * wdt_ref[...], axis=-1, keepdims=True) + bdt_ref[0, 0]
  dt = jax.nn.softplus(z) * dt_ref[...]
  decay = jnp.exp(-jnp.exp(alog_ref[...]) * dt)
  out_ref[:, :HIDDEN] = decay * m1 + dt * upd


def _k2(x, delta_t, m1g, W_tune, b_tune, scale, W_dt, b_dt, A_log_1,
        W_B1, b_B1):
  grid = (BATCH // BB,)
  bs_b = lambda shape: pl.BlockSpec(shape, lambda i: (i, 0))
  bs_w = lambda shape: pl.BlockSpec(shape, lambda i: (0, 0))
  return pl.pallas_call(
      _k2_body,
      grid=grid,
      in_specs=[
          bs_b((BB, INPUT_DIM)),
          bs_b((BB, 1)),
          bs_b((BB, PADW)),
          bs_w((HIDDEN, INPUT_DIM + 2)),
          bs_w((1, HIDDEN)),
          bs_w((1, HIDDEN)),
          bs_w((1, HIDDEN)),
          bs_w((1, 1)),
          bs_w((1, HIDDEN)),
          bs_w((HIDDEN, HIDDEN)),
          bs_w((1, HIDDEN)),
      ],
      out_specs=bs_b((BB, PADW)),
      out_shape=jax.ShapeDtypeStruct((BATCH, PADW), jnp.float32),
  )(x, delta_t.reshape(BATCH, 1), m1g, W_tune, b_tune.reshape(1, HIDDEN),
    scale.reshape(1, HIDDEN), W_dt, b_dt.reshape(1, 1),
    A_log_1.reshape(1, HIDDEN), W_B1, b_B1.reshape(1, HIDDEN))


def _k3_body(tbl_hbm, newm1_hbm, lv_hbm, tv_hbm, nn_hbm, out_hbm,
             l_v, t_v, nv, b0, b1, b2, b3, g0, g1, g2, g3, ssem):
  del tbl_hbm
  wid = lax.axis_index("s") * 2 + lax.axis_index("c")

  pltpu.sync_copy(lv_hbm.at[pl.ds(wid * CAP, CAP)], l_v)
  pltpu.sync_copy(tv_hbm.at[pl.ds(wid * NCH_MAX, NCH_MAX)], t_v)
  pltpu.sync_copy(nn_hbm.at[pl.ds(wid * CHUNK, LANES)], nv)
  n = nv[pl.ds(0, LANES)][0]

  bufs = (b0, b1, b2, b3)
  gsems = (g0, g1, g2, g3)
  nrounds = (n + GROUP - 1) // GROUP

  def round_body(q, _):
    gds = []
    for b in range(NBUF):
      c = q * NBUF + b
      gds.append(pltpu.async_copy(
          newm1_hbm.at[l_v.at[pl.ds(c * CHUNK, CHUNK)]], bufs[b], gsems[b]))
    sds = []
    for b in range(NBUF):
      gds[b].wait()
      sds.append(pltpu.async_copy(bufs[b], out_hbm.at[t_v.at[q * NBUF + b]],
                                  ssem))
    for b in range(NBUF):
      sds[b].wait()
    return 0
  lax.fori_loop(0, nrounds, round_body, 0)


def _k3(tbl, new_m1, lv, tv, nn):
  return _mpmd._mpmd_map(
      [(_mesh(), _k3_body)],
      jax.ShapeDtypeStruct((NUM_NODES, PADW), jnp.float32),
      input_output_aliases={0: 0},
      compiler_params=_SC_PARAMS,
      scratch_types=[
          pltpu.VMEM((CAP,), jnp.int32),
          pltpu.VMEM((NCH_MAX, CHUNK), jnp.int32),
          pltpu.VMEM((LANES,), jnp.int32),
          pltpu.VMEM((CHUNK, PADW), jnp.float32),
          pltpu.VMEM((CHUNK, PADW), jnp.float32),
          pltpu.VMEM((CHUNK, PADW), jnp.float32),
          pltpu.VMEM((CHUNK, PADW), jnp.float32),
          pltpu.SemaphoreType.DMA,
          pltpu.SemaphoreType.DMA,
          pltpu.SemaphoreType.DMA,
          pltpu.SemaphoreType.DMA,
          pltpu.SemaphoreType.DMA,
      ],
  )(tbl, new_m1, lv, tv, nn)


def kernel(x, delta_t, idx, m1_vec, W_tune, b_tune, scale, W_dt, b_dt,
           A_log_1, W_B1, b_B1):
  idx = idx.astype(jnp.int32)
  lv, tv, nn = _k0(idx)
  padded = _kpad(m1_vec)
  m1g = _k1(idx, padded, nn)
  new_m1 = _k2(x, delta_t, m1g, W_tune, b_tune, scale, W_dt, b_dt,
               A_log_1, W_B1, b_B1)
  out_p = _k3(padded, new_m1, lv, tv, nn)
  return _kout(out_p).T

# --- scband reference (transcript-rebuilt; emitter-appended) ---
"""Pipeline reference for scband-memory-model-66159676228023 (READ-ONLY COPY).

The authoritative reference and input builder live on the scoring server;
editing this copy changes nothing except your own understanding.
"""

import jax, jax.numpy as jnp
import numpy as np

NUM_NODES = 100000
HIDDEN = 64
INPUT_DIM = 128
BATCH = 16384
EMBD = 1  # static_embedding typ='Nil' -> dims=1


def setup_inputs(seed: int = 0) -> dict:
    key = jax.random.key(seed)
    ks = jax.random.split(key, 12)
    idx = jax.random.randint(ks[0], (BATCH,), 0, NUM_NODES)
    x = jax.random.normal(ks[1], (BATCH, INPUT_DIM), dtype=jnp.float32)
    delta_t = jax.random.uniform(ks[2], (BATCH,), dtype=jnp.float32)
    # persistent per-node memory (scatter target)
    m1_vec = jnp.zeros((NUM_NODES, HIDDEN), dtype=jnp.float32)
    # TuneInput: Linear(input_dim + 2*embd_dims -> hidden_dim)
    W_tune = jax.random.normal(ks[3], (HIDDEN, INPUT_DIM + 2 * EMBD), dtype=jnp.float32) * 0.02
    b_tune = jnp.zeros((HIDDEN,), dtype=jnp.float32)
    # RMSNorm scale
    scale = jnp.ones((HIDDEN,), dtype=jnp.float32)
    # dt_proj_a: Linear(hidden_dim -> 1)
    W_dt = jax.random.normal(ks[4], (1, HIDDEN), dtype=jnp.float32) * 0.02
    b_dt = jnp.full((1,), -3.0, dtype=jnp.float32)  # softplus(-3) ~ 0.049, matches _init_dt_bias range
    # mamba-style decay params
    A_log_1 = jax.random.normal(ks[5], (HIDDEN,), dtype=jnp.float32)
    # B1: Linear(hidden_dim -> hidden_dim)
    W_B1 = jax.random.normal(ks[6], (HIDDEN, HIDDEN), dtype=jnp.float32) * 0.02
    b_B1 = jnp.zeros((HIDDEN,), dtype=jnp.float32)
    return {
        'x': x, 'delta_t': delta_t, 'idx': idx, 'm1_vec': m1_vec,
        'W_tune': W_tune, 'b_tune': b_tune, 'scale': scale,
        'W_dt': W_dt, 'b_dt': b_dt, 'A_log_1': A_log_1,
        'W_B1': W_B1, 'b_B1': b_B1,
    }


def _rmsnorm(x, scale, eps=1e-8):
    norm = jnp.sqrt(jnp.sum(x * x, axis=-1, keepdims=True))
    rms = norm / (x.shape[-1] ** 0.5)
    return scale * (x / (rms + eps))


def reference(x, delta_t, idx, m1_vec, W_tune, b_tune, scale, W_dt, b_dt, A_log_1, W_B1, b_B1):
    B = x.shape[0]
    # static_embedding typ='Nil' -> zeros [B, 1] for src and dst
    emb = jnp.zeros((B, EMBD), dtype=x.dtype)
    msg_in = jnp.concatenate([x, emb, emb], axis=1)
    msg = msg_in @ W_tune.T + b_tune                        # TuneInput
    m1 = jnp.take(m1_vec, idx, axis=0)                      # gather per-node memory
    h = _rmsnorm(m1, scale)                                 # rms_1
    dt = jax.nn.softplus(h @ W_dt.T + b_dt) * delta_t[:, None]  # dt_proj_a with event time gap
    decay = jnp.exp(-jnp.exp(A_log_1)[None, :] * dt)        # mamba-style decay via A_log_1
    upd = msg @ W_B1.T + b_B1                               # B1 input projection
    new_m1 = decay * m1 + dt * upd                          # selective state update
    new_mem = m1_vec.at[idx].set(new_m1)                    # scatter-overwrite memory rows
    return new_mem

if __name__ == "__main__":
    import jax
    _d = setup_inputs()
    print(jax.jit(kernel)(*tuple(_d.values())))

</pallas_src>

<mosaic_0001>
#map = affine_map<(d0, d1) -> (0)>
#map1 = affine_map<(d0, d1) -> (0, 0)>
module attributes {stable_mosaic.version = 14 : i64} {
  func.func @_k0_body(%arg0: i32, %arg1: i32, %arg2: memref<16384xi32, #tpu.memory_space<hbm>>, %arg3: memref<131072xi32, #tpu.memory_space<hbm>>, %arg4: memref<1024x128xi32, #tpu.memory_space<hbm>>, %arg5: memref<4096xi32, #tpu.memory_space<hbm>>, %arg6: memref<16384xi32, #tpu.memory_space<vmem>>, %arg7: memref<3136xi32, #tpu.memory_space<vmem>>, %arg8: memref<4096xi32, #tpu.memory_space<vmem>>, %arg9: memref<32x128xi32, #tpu.memory_space<vmem>>, %arg10: memref<16xi32, #tpu.memory_space<vmem>>) attributes {dimension_semantics = [#tpu.dimension_semantics<core_parallel>, #tpu.dimension_semantics<subcore_parallel>], iteration_bounds = array<i64: 2, 16>, scalar_prefetch = 0 : i64, scratch_operands = 5 : i64, tpu.core_type = #tpu.core_type<sc_vector_subcore>, window_params = [{transform_indices = #map}, {transform_indices = #map}, {transform_indices = #map1}, {transform_indices = #map}]} {
    %mul3A = arith.constant 2 : i32
    %mul3A_0 = arith.muli %arg1, %mul3A : i32
    %add3A = arith.addi %mul3A_0, %arg0 : i32
    %iota3A = tpu.iota {dimensions = array<i32: 0>} : vector<16xi32>
    "tpu.region"() ({
      %run_scoped3A = tpu.sem_alloc : memref<!tpu.dma_semaphore, #tpu.memory_space<semaphore_mem>>
      tpu.enqueue_dma source(%arg2 : memref<16384xi32, #tpu.memory_space<hbm>>) target(%arg6 : memref<16384xi32, #tpu.memory_space<vmem>>) target_semaphore(%run_scoped3A : memref<!tpu.dma_semaphore, #tpu.memory_space<semaphore_mem>>)
      tpu.wait_dma2 semaphore(%run_scoped3A : memref<!tpu.dma_semaphore, #tpu.memory_space<semaphore_mem>>) src(%arg2 : memref<16384xi32, #tpu.memory_space<hbm>>) dst(%arg6 : memref<16384xi32, #tpu.memory_space<vmem>>)
      tpu.yield
    }) : () -> ()
    %broadcast_in_dim3A = arith.constant -1 : i32
    %broadcast_in_dim3A_1 = vector.broadcast %broadcast_in_dim3A : i32 to vector<16xi32>
    %scan3A = arith.constant 0 : i32
    %scan3A_2 = arith.constant 0 : i32
    %scan3A_3 = arith.constant 192 : i32
    %scan3A_4 = arith.addi %scan3A_2, %scan3A_3 : i32
    %scan3A_5 = arith.constant 8 : i32
    %scan3A_6 = scf.for %scan3A_63 = %scan3A_2 to %scan3A_4 step %scan3A_5 iter_args(%scan3A_64 = %scan3A) -> (i32)  : i32 {
      %mul3A_65 = arith.constant 16 : i32
      %mul3A_66 = arith.muli %scan3A_63, %mul3A_65 : i32
      %swap3A_67 = arith.index_cast %mul3A_66 : i32 to index
      %swap3A_68 = tpu.vector_load %arg7[%swap3A_67] {strides = array<i32>} : memref<3136xi32, #tpu.memory_space<vmem>>, vector<16xi32>,
      tpu.vector_store %arg7[%swap3A_67], %broadcast_in_dim3A_1 {strides = array<i32>} : memref<3136xi32, #tpu.memory_space<vmem>>, vector<16xi32>,
      %scan3A_69 = arith.constant 0 : i32
      %scan3A_70 = arith.constant 1 : i32
      %scan3A_71 = arith.addi %scan3A_63, %scan3A_70 : i32
      %mul3A_72 = arith.constant 16 : i32
      %mul3A_73 = arith.muli %scan3A_71, %mul3A_72 : i32
      %swap3A_74 = arith.index_cast %mul3A_73 : i32 to index
      %swap3A_75 = tpu.vector_load %arg7[%swap3A_74] {strides = array<i32>} : memref<3136xi32, #tpu.memory_space<vmem>>, vector<16xi32>,
      tpu.vector_store %arg7[%swap3A_74], %broadcast_in_dim3A_1 {strides = array<i32>} : memref<3136xi32, #tpu.memory_space<vmem>>, vector<16xi32>,
      %scan3A_76 = arith.constant 0 : i32
      %scan3A_77 = arith.constant 2 : i32
      %scan3A_78 = arith.addi %scan3A_63, %scan3A_77 : i32
      %mul3A_79 = arith.constant 16 : i32
      %mul3A_80 = arith.muli %scan3A_78, %mul3A_79 : i32
      %swap3A_81 = arith.index_cast %mul3A_80 : i32 to index
      %swap3A_82 = tpu.vector_load %arg7[%swap3A_81] {strides = array<i32>} : memref<3136xi32, #tpu.memory_space<vmem>>, vector<16xi32>,
      tpu.vector_store %arg7[%swap3A_81], %broadcast_in_dim3A_1 {strides = array<i32>} : memref<3136xi32, #tpu.memory_space<vmem>>, vector<16xi32>,
      %scan3A_83 = arith.constant 0 : i32
      %scan3A_84 = arith.constant 3 : i32
      %scan3A_85 = arith.addi %scan3A_63, %scan3A_84 : i32
      %mul3A_86 = arith.constant 16 : i32
      %mul3A_87 = arith.muli %scan3A_85, %mul3A_86 : i32
      %swap3A_88 = arith.index_cast %mul3A_87 : i32 to index
      %swap3A_89 = tpu.vector_load %arg7[%swap3A_88] {strides = array<i32>} : memref<3136xi32, #tpu.memory_space<vmem>>, vector<16xi32>,
      tpu.vector_store %arg7[%swap3A_88], %broadcast_in_dim3A_1 {strides = array<i32>} : memref<3136xi32, #tpu.memory_space<vmem>>, vector<16xi32>,
      %scan3A_90 = arith.constant 0 : i32
      %scan3A_91 = arith.constant 4 : i32
      %scan3A_92 = arith.addi %scan3A_63, %scan3A_91 : i32
      %mul3A_93 = arith.constant 16 : i32
      %mul3A_94 = arith.muli %scan3A_92, %mul3A_93 : i32
      %swap3A_95 = arith.index_cast %mul3A_94 : i32 to index
      %swap3A_96 = tpu.vector_load %arg7[%swap3A_95] {strides = array<i32>} : memref<3136xi32, #tpu.memory_space<vmem>>, vector<16xi32>,
      tpu.vector_store %arg7[%swap3A_95], %broadcast_in_dim3A_1 {strides = array<i32>} : memref<3136xi32, #tpu.memory_space<vmem>>, vector<16xi32>,
      %scan3A_97 = arith.constant 0 : i32
      %scan3A_98 = arith.constant 5 : i32
      %scan3A_99 = arith.addi %scan3A_63, %scan3A_98 : i32
      %mul3A_100 = arith.constant 16 : i32
      %mul3A_101 = arith.muli %scan3A_99, %mul3A_100 : i32
      %swap3A_102 = arith.index_cast %mul3A_101 : i32 to index
      %swap3A_103 = tpu.vector_load %arg7[%swap3A_102] {strides = array<i32>} : memref<3136xi32, #tpu.memory_space<vmem>>, vector<16xi32>,
      tpu.vector_store %arg7[%swap3A_102], %broadcast_in_dim3A_1 {strides = array<i32>} : memref<3136xi32, #tpu.memory_space<vmem>>, vector<16xi32>,
      %scan3A_104 = arith.constant 0 : i32
      %scan3A_105 = arith.constant 6 : i32
      %scan3A_106 = arith.addi %scan3A_63, %scan3A_105 : i32
      %mul3A_107 = arith.constant 16 : i32
      %mul3A_108 = arith.muli %scan3A_106, %mul3A_107 : i32
      %swap3A_109 = arith.index_cast %mul3A_108 : i32 to index
      %swap3A_110 = tpu.vector_load %arg7[%swap3A_109] {strides = array<i32>} : memref<3136xi32, #tpu.memory_space<vmem>>, vector<16xi32>,
      tpu.vector_store %arg7[%swap3A_109], %broadcast_in_dim3A_1 {strides = array<i32>} : memref<3136xi32, #tpu.memory_space<vmem>>, vector<16xi32>,
      %scan3A_111 = arith.constant 0 : i32
      %scan3A_112 = arith.constant 7 : i32
      %scan3A_113 = arith.addi %scan3A_63, %scan3A_112 : i32
      %mul3A_114 = arith.constant 16 : i32
      %mul3A_115 = arith.muli %scan3A_113, %mul3A_114 : i32
      %swap3A_116 = arith.index_cast %mul3A_115 : i32 to index
      %swap3A_117 = tpu.vector_load %arg7[%swap3A_116] {strides = array<i32>} : memref<3136xi32, #tpu.memory_space<vmem>>, vector<16xi32>,
      tpu.vector_store %arg7[%swap3A_116], %broadcast_in_dim3A_1 {strides = array<i32>} : memref<3136xi32, #tpu.memory_space<vmem>>, vector<16xi32>,
      %scan3A_118 = arith.constant 0 : i32
      scf.yield %scan3A_118 : i32
    }
    %scan3A_7 = arith.constant 192 : i32
    %scan3A_8 = arith.addi %scan3A_2, %scan3A_7 : i32
    %mul3A_9 = arith.constant 16 : i32
    %mul3A_10 = arith.muli %scan3A_8, %mul3A_9 : i32
    %swap3A = arith.index_cast %mul3A_10 : i32 to index
    %swap3A_11 = tpu.vector_load %arg7[%swap3A] {strides = array<i32>} : memref<3136xi32, #tpu.memory_space<vmem>>, vector<16xi32>,
    tpu.vector_store %arg7[%swap3A], %broadcast_in_dim3A_1 {strides = array<i32>} : memref<3136xi32, #tpu.memory_space<vmem>>, vector<16xi32>,
    %scan3A_12 = arith.constant 0 : i32
    %scan3A_13 = arith.constant 193 : i32
    %scan3A_14 = arith.addi %scan3A_2, %scan3A_13 : i32
    %mul3A_15 = arith.constant 16 : i32
    %mul3A_16 = arith.muli %scan3A_14, %mul3A_15 : i32
    %swap3A_17 = arith.index_cast %mul3A_16 : i32 to index
    %swap3A_18 = tpu.vector_load %arg7[%swap3A_17] {strides = array<i32>} : memref<3136xi32, #tpu.memory_space<vmem>>, vector<16xi32>,
    tpu.vector_store %arg7[%swap3A_17], %broadcast_in_dim3A_1 {strides = array<i32>} : memref<3136xi32, #tpu.memory_space<vmem>>, vector<16xi32>,
    %scan3A_19 = arith.constant 0 : i32
    %scan3A_20 = arith.constant 194 : i32
    %scan3A_21 = arith.addi %scan3A_2, %scan3A_20 : i32
    %mul3A_22 = arith.constant 16 : i32
    %mul3A_23 = arith.muli %scan3A_21, %mul3A_22 : i32
    %swap3A_24 = arith.index_cast %mul3A_23 : i32 to index
    %swap3A_25 = tpu.vector_load %arg7[%swap3A_24] {strides = array<i32>} : memref<3136xi32, #tpu.memory_space<vmem>>, vector<16xi32>,
    tpu.vector_store %arg7[%swap3A_24], %broadcast_in_dim3A_1 {strides = array<i32>} : memref<3136xi32, #tpu.memory_space<vmem>>, vector<16xi32>,
    %scan3A_26 = arith.constant 0 : i32
    %scan3A_27 = arith.constant 195 : i32
    %scan3A_28 = arith.addi %scan3A_2, %scan3A_27 : i32
    %mul3A_29 = arith.constant 16 : i32
    %mul3A_30 = arith.muli %scan3A_28, %mul3A_29 : i32
    %swap3A_31 = arith.index_cast %mul3A_30 : i32 to index
    %swap3A_32 = tpu.vector_load %arg7[%swap3A_31] {strides = array<i32>} : memref<3136xi32, #tpu.memory_space<vmem>>, vector<16xi32>,
    tpu.vector_store %arg7[%swap3A_31], %broadcast_in_dim3A_1 {strides = array<i32>} : memref<3136xi32, #tpu.memory_space<vmem>>, vector<16xi32>,
    %scan3A_33 = arith.constant 0 : i32
    %scan3A_34 = arith.constant 196 : i32
    %scan3A_35 = arith.constant 0 : i32
    %scan3A_36 = arith.constant 0 : i32
    %scan3A_37 = arith.constant 1024 : i32
    %scan3A_38 = arith.addi %scan3A_36, %scan3A_37 : i32
    %scan3A_39 = arith.constant 4 : i32
    %scan3A_40 = scf.for %scan3A_63 = %scan3A_36 to %scan3A_38 step %scan3A_39 iter_args(%scan3A_64 = %scan3A_35) -> (i32)  : i32 {
      %mul3A_65 = arith.constant 16 : i32
      %mul3A_66 = arith.muli %scan3A_63, %mul3A_65 : i32
      %get3A = arith.index_cast %mul3A_66 : i32 to index
      %get3A_67 = tpu.vector_load %arg6[%get3A] {strides = array<i32>} : memref<16384xi32, #tpu.memory_space<vmem>>, vector<16xi32>,
      %and3A = arith.constant 31 : i32
      %and3A_68 = vector.broadcast %and3A : i32 to vector<16xi32>
      %and3A_69 = arith.andi %get3A_67, %and3A_68 : vector<16xi32>
      %eq3A = vector.broadcast %add3A : i32 to vector<16xi32>
      %eq3A_70 = arith.cmpi eq, %and3A_69, %eq3A : vector<16xi32>
      %shift_right_logical3A = arith.constant 5 : i32
      %shift_right_logical3A_71 = vector.broadcast %shift_right_logical3A : i32 to vector<16xi32>
      %shift_right_logical3A_72 = arith.shrui %get3A_67, %shift_right_logical3A_71 : vector<16xi32>
      %mul3A_73 = arith.constant 16 : i32
      %mul3A_74 = arith.muli %scan3A_63, %mul3A_73 : i32
      %add3A_75 = vector.broadcast %mul3A_74 : i32 to vector<16xi32>
      %add3A_76 = arith.addi %add3A_75, %iota3A : vector<16xi32>
      %shift_left3A = arith.constant 14 : i32
      %shift_left3A_77 = vector.broadcast %shift_left3A : i32 to vector<16xi32>
      %shift_left3A_78 = arith.shli %shift_right_logical3A_72, %shift_left3A_77 : vector<16xi32>
      %or3A = arith.ori %shift_left3A_78, %add3A_76 : vector<16xi32>
      %jit3A = arith.constant 2147483647 : i32
      %broadcast_in_dim3A_79 = vector.broadcast %jit3A : i32 to vector<16xi32>
      %select_n3A = arith.select %eq3A_70, %or3A, %broadcast_in_dim3A_79 : vector<16xi1>, vector<16xi32>
      %masked_sort3A = arith.constant dense<true> : vector<16xi1>
      %masked_sort3A_80 = arith.constant -2147483648 : i32
      %masked_sort3A_81 = vector.broadcast %masked_sort3A_80 : i32 to vector<16xi32>
      %masked_sort3A_82 = arith.xori %select_n3A, %masked_sort3A_81 : vector<16xi32>
      %masked_sort3A_83, %masked_sort3A_84, %masked_sort3A_85 = tpu.sort %masked_sort3A_82, %select_n3A masked %masked_sort3A : (vector<16xi32>, vector<16xi32>, vector<16xi1>) -> (vector<16xi1>, vector<16xi32>, vector<16xi32>)
      %masked_sort3A_86 = arith.xori %masked_sort3A_84, %masked_sort3A_81 : vector<16xi32>
      %iota3A_87 = tpu.iota {dimensions = array<i32: 0>} : vector<16xi32>
      %add3A_88 = arith.constant 1 : i32
      %add3A_89 = vector.broadcast %add3A_88 : i32 to vector<16xi32>
      %add3A_90 = arith.addi %iota3A_87, %add3A_89 : vector<16xi32>
      %min3A = arith.constant 15 : i32
      %min3A_91 = vector.broadcast %min3A : i32 to vector<16xi32>
      %min3A_92 = arith.minsi %add3A_90, %min3A_91 : vector<16xi32>
      %broadcast_in_dim3A_93 = vector.shape_cast %min3A_92 : vector<16xi32> to vector<16x1xi32>
      %gather3A = vector.shape_cast %broadcast_in_dim3A_93 : vector<16x1xi32> to vector<16xi32>
      %gather3A_94 = tpu.dynamic_gather %masked_sort3A_86[%gather3A] in [0] : vector<16xi32>, vector<16xi32> -> vector<16xi32>
      %shift_right_logical3A_95 = arith.constant 14 : i32
      %shift_right_logical3A_96 = vector.broadcast %shift_right_logical3A_95 : i32 to vector<16xi32>
      %shift_right_logical3A_97 = arith.shrui %masked_sort3A_86, %shift_right_logical3A_96 : vector<16xi32>
      %shift_right_logical3A_98 = arith.constant 14 : i32
      %shift_right_logical3A_99 = vector.broadcast %shift_right_logical3A_98 : i32 to vector<16xi32>
      %shift_right_logical3A_100 = arith.shrui %gather3A_94, %shift_right_logical3A_99 : vector<16xi32>
      %ne3A = arith.cmpi ne, %shift_right_logical3A_97, %shift_right_logical3A_100 : vector<16xi32>
      %eq3A_101 = arith.constant 15 : i32
      %eq3A_102 = vector.broadcast %eq3A_101 : i32 to vector<16xi32>
      %eq3A_103 = arith.cmpi eq, %iota3A, %eq3A_102 : vector<16xi32>
      %or3A_104 = arith.ori %ne3A, %eq3A_103 : vector<16xi1>
      %ne3A_105 = arith.constant 2147483647 : i32
      %ne3A_106 = vector.broadcast %ne3A_105 : i32 to vector<16xi32>
      %ne3A_107 = arith.cmpi ne, %masked_sort3A_86, %ne3A_106 : vector<16xi32>
      %and3A_108 = arith.andi %or3A_104, %ne3A_107 : vector<16xi1>
      tpu.vector_store_idx %arg7[%shift_right_logical3A_97], %masked_sort3A_86 masked %and3A_108 : memref<3136xi32, #tpu.memory_space<vmem>>[vector<16xi32>], vector<16xi32>, vector<16xi1>
      %scan3A_109 = arith.constant 0 : i32
      %scan3A_110 = arith.constant 1 : i32
      %scan3A_111 = arith.addi %scan3A_63, %scan3A_110 : i32
      %mul3A_112 = arith.constant 16 : i32
      %mul3A_113 = arith.muli %scan3A_111, %mul3A_112 : i32
      %get3A_114 = arith.index_cast %mul3A_113 : i32 to index
      %get3A_115 = tpu.vector_load %arg6[%get3A_114] {strides = array<i32>} : memref<16384xi32, #tpu.memory_space<vmem>>, vector<16xi32>,
      %and3A_116 = arith.constant 31 : i32
      %and3A_117 = vector.broadcast %and3A_116 : i32 to vector<16xi32>
      %and3A_118 = arith.andi %get3A_115, %and3A_117 : vector<16xi32>
      %eq3A_119 = vector.broadcast %add3A : i32 to vector<16xi32>
      %eq3A_120 = arith.cmpi eq, %and3A_118, %eq3A_119 : vector<16xi32>
      %shift_right_logical3A_121 = arith.constant 5 : i32
      %shift_right_logical3A_122 = vector.broadcast %shift_right_logical3A_121 : i32 to vector<16xi32>
      %shift_right_logical3A_123 = arith.shrui %get3A_115, %shift_right_logical3A_122 : vector<16xi32>
      %mul3A_124 = arith.constant 16 : i32
      %mul3A_125 = arith.muli %scan3A_111, %mul3A_124 : i32
      %add3A_126 = vector.broadcast %mul3A_125 : i32 to vector<16xi32>
      %add3A_127 = arith.addi %add3A_126, %iota3A : vector<16xi32>
      %shift_left3A_128 = arith.constant 14 : i32
      %shift_left3A_129 = vector.broadcast %shift_left3A_128 : i32 to vector<16xi32>
      %shift_left3A_130 = arith.shli %shift_right_logical3A_123, %shift_left3A_129 : vector<16xi32>
      %or3A_131 = arith.ori %shift_left3A_130, %add3A_127 : vector<16xi32>
      %jit3A_132 = arith.constant 2147483647 : i32
      %broadcast_in_dim3A_133 = vector.broadcast %jit3A_132 : i32 to vector<16xi32>
      %select_n3A_134 = arith.select %eq3A_120, %or3A_131, %broadcast_in_dim3A_133 : vector<16xi1>, vector<16xi32>
      %masked_sort3A_135 = arith.constant dense<true> : vector<16xi1>
      %masked_sort3A_136 = arith.constant -2147483648 : i32
      %masked_sort3A_137 = vector.broadcast %masked_sort3A_136 : i32 to vector<16xi32>
      %masked_sort3A_138 = arith.xori %select_n3A_134, %masked_sort3A_137 : vector<16xi32>
      %masked_sort3A_139, %masked_sort3A_140, %masked_sort3A_141 = tpu.sort %masked_sort3A_138, %select_n3A_134 masked %masked_sort3A_135 : (vector<16xi32>, vector<16xi32>, vector<16xi1>) -> (vector<16xi1>, vector<16xi32>, vector<16xi32>)
      %masked_sort3A_142 = arith.xori %masked_sort3A_140, %masked_sort3A_137 : vector<16xi32>
      %iota3A_143 = tpu.iota {dimensions = array<i32: 0>} : vector<16xi32>
      %add3A_144 = arith.constant 1 : i32
      %add3A_145 = vector.broadcast %add3A_144 : i32 to vector<16xi32>
      %add3A_146 = arith.addi %iota3A_143, %add3A_145 : vector<16xi32>
      %min3A_147 = arith.constant 15 : i32
      %min3A_148 = vector.broadcast %min3A_147 : i32 to vector<16xi32>
      %min3A_149 = arith.minsi %add3A_146, %min3A_148 : vector<16xi32>
      %broadcast_in_dim3A_150 = vector.shape_cast %min3A_149 : vector<16xi32> to vector<16x1xi32>
      %gather3A_151 = vector.shape_cast %broadcast_in_dim3A_150 : vector<16x1xi32> to vector<16xi32>
      %gather3A_152 = tpu.dynamic_gather %masked_sort3A_142[%gather3A_151] in [0] : vector<16xi32>, vector<16xi32> -> vector<16xi32>
      %shift_right_logical3A_153 = arith.constant 14 : i32
      %shift_right_logical3A_154 = vector.broadcast %shift_right_logical3A_153 : i32 to vector<16xi32>
      %shift_right_logical3A_155 = arith.shrui %masked_sort3A_142, %shift_right_logical3A_154 : vector<16xi32>
      %shift_right_logical3A_156 = arith.constant 14 : i32
      %shift_right_logical3A_157 = vector.broadcast %shift_right_logical3A_156 : i32 to vector<16xi32>
      %shift_right_logical3A_158 = arith.shrui %gather3A_152, %shift_right_logical3A_157 : vector<16xi32>
      %ne3A_159 = arith.cmpi ne, %shift_right_logical3A_155, %shift_right_logical3A_158 : vector<16xi32>
      %eq3A_160 = arith.constant 15 : i32
      %eq3A_161 = vector.broadcast %eq3A_160 : i32 to vector<16xi32>
      %eq3A_162 = arith.cmpi eq, %iota3A, %eq3A_161 : vector<16xi32>
      %or3A_163 = arith.ori %ne3A_159, %eq3A_162 : vector<16xi1>
      %ne3A_164 = arith.constant 2147483647 : i32
      %ne3A_165 = vector.broadcast %ne3A_164 : i32 to vector<16xi32>
      %ne3A_166 = arith.cmpi ne, %masked_sort3A_142, %ne3A_165 : vector<16xi32>
      %and3A_167 = arith.andi %or3A_163, %ne3A_166 : vector<16xi1>
      tpu.vector_store_idx %arg7[%shift_right_logical3A_155], %masked_sort3A_142 masked %and3A_167 : memref<3136xi32, #tpu.memory_space<vmem>>[vector<16xi32>], vector<16xi32>, vector<16xi1>
      %scan3A_168 = arith.constant 0 : i32
      %scan3A_169 = arith.constant 2 : i32
      %scan3A_170 = arith.addi %scan3A_63, %scan3A_169 : i32
      %mul3A_171 = arith.constant 16 : i32
      %mul3A_172 = arith.muli %scan3A_170, %mul3A_171 : i32
      %get3A_173 = arith.index_cast %mul3A_172 : i32 to index
      %get3A_174 = tpu.vector_load %arg6[%get3A_173] {strides = array<i32>} : memref<16384xi32, #tpu.memory_space<vmem>>, vector<16xi32>,
      %and3A_175 = arith.constant 31 : i32
      %and3A_176 = vector.broadcast %and3A_175 : i32 to vector<16xi32>
      %and3A_177 = arith.andi %get3A_174, %and3A_176 : vector<16xi32>
      %eq3A_178 = vector.broadcast %add3A : i32 to vector<16xi32>
      %eq3A_179 = arith.cmpi eq, %and3A_177, %eq3A_178 : vector<16xi32>
      %shift_right_logical3A_180 = arith.constant 5 : i32
      %shift_right_logical3A_181 = vector.broadcast %shift_right_logical3A_180 : i32 to vector<16xi32>
      %shift_right_logical3A_182 = arith.shrui %get3A_174, %shift_right_logical3A_181 : vector<16xi32>
      %mul3A_183 = arith.constant 16 : i32
      %mul3A_184 = arith.muli %scan3A_170, %mul3A_183 : i32
      %add3A_185 = vector.broadcast %mul3A_184 : i32 to vector<16xi32>
      %add3A_186 = arith.addi %add3A_185, %iota3A : vector<16xi32>
      %shift_left3A_187 = arith.constant 14 : i32
      %shift_left3A_188 = vector.broadcast %shift_left3A_187 : i32 to vector<16xi32>
      %shift_left3A_189 = arith.shli %shift_right_logical3A_182, %shift_left3A_188 : vector<16xi32>
      %or3A_190 = arith.ori %shift_left3A_189, %add3A_186 : vector<16xi32>
      %jit3A_191 = arith.constant 2147483647 : i32
      %broadcast_in_dim3A_192 = vector.broadcast %jit3A_191 : i32 to vector<16xi32>
      %select_n3A_193 = arith.select %eq3A_179, %or3A_190, %broadcast_in_dim3A_192 : vector<16xi1>, vector<16xi32>
      %masked_sort3A_194 = arith.constant dense<true> : vector<16xi1>
      %masked_sort3A_195 = arith.constant -2147483648 : i32
      %masked_sort3A_196 = vector.broadcast %masked_sort3A_195 : i32 to vector<16xi32>
      %masked_sort3A_197 = arith.xori %select_n3A_193, %masked_sort3A_196 : vector<16xi32>
      %masked_sort3A_198, %masked_sort3A_199, %masked_sort3A_200 = tpu.sort %masked_sort3A_197, %select_n3A_193 masked %masked_sort3A_194 : (vector<16xi32>, vector<16xi32>, vector<16xi1>) -> (vector<16xi1>, vector<16xi32>, vector<16xi32>)
      %masked_sort3A_201 = arith.xori %masked_sort3A_199, %masked_sort3A_196 : vector<16xi32>
      %iota3A_202 = tpu.iota {dimensions = array<i32: 0>} : vector<16xi32>
      %add3A_203 = arith.constant 1 : i32
      %add3A_204 = vector.broadcast %add3A_203 : i32 to vector<16xi32>
      %add3A_205 = arith.addi %iota3A_202, %add3A_204 : vector<16xi32>
      %min3A_206 = arith.constant 15 : i32
      %min3A_207 = vector.broadcast %min3A_206 : i32 to vector<16xi32>
      %min3A_208 = arith.minsi %add3A_205, %min3A_207 : vector<16xi32>
      %broadcast_in_dim3A_209 = vector.shape_cast %min3A_208 : vector<16xi32> to vector<16x1xi32>
      %gather3A_210 = vector.shape_cast %broadcast_in_dim3A_209 : vector<16x1xi32> to vector<16xi32>
      %gather3A_211 = tpu.dynamic_gather %masked_sort3A_201[%gather3A_210] in [0] : vector<16xi32>, vector<16xi32> -> vector<16xi32>
      %shift_right_logical3A_212 = arith.constant 14 : i32
      %shift_right_logical3A_213 = vector.broadcast %shift_right_logical3A_212 : i32 to vector<16xi32>
      %shift_right_logical3A_214 = arith.shrui %masked_sort3A_201, %shift_right_logical3A_213 : vector<16xi32>
      %shift_right_logical3A_215 = arith.constant 14 : i32
      %shift_right_logical3A_216 = vector.broadcast %shift_right_logical3A_215 : i32 to vector<16xi32>
      %shift_right_logical3A_217 = arith.shrui %gather3A_211, %shift_right_logical3A_216 : vector<16xi32>
      %ne3A_218 = arith.cmpi ne, %shift_right_logical3A_214, %shift_right_logical3A_217 : vector<16xi32>
      %eq3A_219 = arith.constant 15 : i32
      %eq3A_220 = vector.broadcast %eq3A_219 : i32 to vector<16xi32>
      %eq3A_221 = arith.cmpi eq, %iota3A, %eq3A_220 : vector<16xi32>
      %or3A_222 = arith.ori %ne3A_218, %eq3A_221 : vector<16xi1>
      %ne3A_223 = arith.constant 2147483647 : i32
      %ne3A_224 = vector.broadcast %ne3A_223 : i32 to vector<16xi32>
      %ne3A_225 = arith.cmpi ne, %masked_sort3A_201, %ne3A_224 : vector<16xi32>
      %and3A_226 = arith.andi %or3A_222, %ne3A_225 : vector<16xi1>
      tpu.vector_store_idx %arg7[%shift_right_logical3A_214], %masked_sort3A_201 masked %and3A_226 : memref<3136xi32, #tpu.memory_space<vmem>>[vector<16xi32>], vector<16xi32>, vector<16xi1>
      %scan3A_227 = arith.constant 0 : i32
      %scan3A_228 = arith.constant 3 : i32
      %scan3A_229 = arith.addi %scan3A_63, %scan3A_228 : i32
      %mul3A_230 = arith.constant 16 : i32
      %mul3A_231 = arith.muli %scan3A_229, %mul3A_230 : i32
      %get3A_232 = arith.index_cast %mul3A_231 : i32 to index
      %get3A_233 = tpu.vector_load %arg6[%get3A_232] {strides = array<i32>} : memref<16384xi32, #tpu.memory_space<vmem>>, vector<16xi32>,
      %and3A_234 = arith.constant 31 : i32
      %and3A_235 = vector.broadcast %and3A_234 : i32 to vector<16xi32>
      %and3A_236 = arith.andi %get3A_233, %and3A_235 : vector<16xi32>
      %eq3A_237 = vector.broadcast %add3A : i32 to vector<16xi32>
      %eq3A_238 = arith.cmpi eq, %and3A_236, %eq3A_237 : vector<16xi32>
      %shift_right_logical3A_239 = arith.constant 5 : i32
      %shift_right_logical3A_240 = vector.broadcast %shift_right_logical3A_239 : i32 to vector<16xi32>
      %shift_right_logical3A_241 = arith.shrui %get3A_233, %shift_right_logical3A_240 : vector<16xi32>
      %mul3A_242 = arith.constant 16 : i32
      %mul3A_243 = arith.muli %scan3A_229, %mul3A_242 : i32
      %add3A_244 = vector.broadcast %mul3A_243 : i32 to vector<16xi32>
      %add3A_245 = arith.addi %add3A_244, %iota3A : vector<16xi32>
      %shift_left3A_246 = arith.constant 14 : i32
      %shift_left3A_247 = vector.broadcast %shift_left3A_246 : i32 to vector<16xi32>
      %shift_left3A_248 = arith.shli %shift_right_logical3A_241, %shift_left3A_247 : vector<16xi32>
      %or3A_249 = arith.ori %shift_left3A_248, %add3A_245 : vector<16xi32>
      %jit3A_250 = arith.constant 2147483647 : i32
      %broadcast_in_dim3A_251 = vector.broadcast %jit3A_250 : i32 to vector<16xi32>
      %select_n3A_252 = arith.select %eq3A_238, %or3A_249, %broadcast_in_dim3A_251 : vector<16xi1>, vector<16xi32>
      %masked_sort3A_253 = arith.constant dense<true> : vector<16xi1>
      %masked_sort3A_254 = arith.constant -2147483648 : i32
      %masked_sort3A_255 = vector.broadcast %masked_sort3A_254 : i32 to vector<16xi32>
      %masked_sort3A_256 = arith.xori %select_n3A_252, %masked_sort3A_255 : vector<16xi32>
      %masked_sort3A_257, %masked_sort3A_258, %masked_sort3A_259 = tpu.sort %masked_sort3A_256, %select_n3A_252 masked %masked_sort3A_253 : (vector<16xi32>, vector<16xi32>, vector<16xi1>) -> (vector<16xi1>, vector<16xi32>, vector<16xi32>)
      %masked_sort3A_260 = arith.xori %masked_sort3A_258, %masked_sort3A_255 : vector<16xi32>
      %iota3A_261 = tpu.iota {dimensions = array<i32: 0>} : vector<16xi32>
      %add3A_262 = arith.constant 1 : i32
      %add3A_263 = vector.broadcast %add3A_262 : i32 to vector<16xi32>
      %add3A_264 = arith.addi %iota3A_261, %add3A_263 : vector<16xi32>
      %min3A_265 = arith.constant 15 : i32
      %min3A_266 = vector.broadcast %min3A_265 : i32 to vector<16xi32>
      %min3A_267 = arith.minsi %add3A_264, %min3A_266 : vector<16xi32>
      %broadcast_in_dim3A_268 = vector.shape_cast %min3A_267 : vector<16xi32> to vector<16x1xi32>
      %gather3A_269 = vector.shape_cast %broadcast_in_dim3A_268 : vector<16x1xi32> to vector<16xi32>
      %gather3A_270 = tpu.dynamic_gather %masked_sort3A_260[%gather3A_269] in [0] : vector<16xi32>, vector<16xi32> -> vector<16xi32>
      %shift_right_logical3A_271 = arith.constant 14 : i32
      %shift_right_logical3A_272 = vector.broadcast %shift_right_logical3A_271 : i32 to vector<16xi32>
      %shift_right_logical3A_273 = arith.shrui %masked_sort3A_260, %shift_right_logical3A_272 : vector<16xi32>
      %shift_right_logical3A_274 = arith.constant 14 : i32
      %shift_right_logical3A_275 = vector.broadcast %shift_right_logical3A_274 : i32 to vector<16xi32>
      %shift_right_logical3A_276 = arith.shrui %gather3A_270, %shift_right_logical3A_275 : vector<16xi32>
      %ne3A_277 = arith.cmpi ne, %shift_right_logical3A_273, %shift_right_logical3A_276 : vector<16xi32>
      %eq3A_278 = arith.constant 15 : i32
      %eq3A_279 = vector.broadcast %eq3A_278 : i32 to vector<16xi32>
      %eq3A_280 = arith.cmpi eq, %iota3A, %eq3A_279 : vector<16xi32>
      %or3A_281 = arith.ori %ne3A_277, %eq3A_280 : vector<16xi1>
      %ne3A_282 = arith.constant 2147483647 : i32
      %ne3A_283 = vector.broadcast %ne3A_282 : i32 to vector<16xi32>
      %ne3A_284 = arith.cmpi ne, %masked_sort3A_260, %ne3A_283 : vector<16xi32>
      %and3A_285 = arith.andi %or3A_281, %ne3A_284 : vector<16xi1>
      tpu.vector_store_idx %arg7[%shift_right_logical3A_273], %masked_sort3A_260 masked %and3A_285 : memref<3136xi32, #tpu.memory_space<vmem>>[vector<16xi32>], vector<16xi32>, vector<16xi1>
      %scan3A_286 = arith.constant 0 : i32
      scf.yield %scan3A_286 : i32
    }
    %scan3A_41 = arith.constant 1024 : i32
    %scan3A_42 = arith.constant 0 : i32
    %scan3A_43 = arith.constant 0 : i32
    %scan3A_44 = arith.constant 196 : i32
    %scan3A_45 = arith.addi %scan3A_43, %scan3A_44 : i32
    %scan3A_46 = arith.constant 4 : i32
    %scan3A_47 = scf.for %scan3A_63 = %scan3A_43 to %scan3A_45 step %scan3A_46 iter_args(%scan3A_64 = %scan3A_42) -> (i32)  : i32 {
      %mul3A_65 = arith.constant 16 : i32
      %mul3A_66 = arith.muli %scan3A_63, %mul3A_65 : i32
      %get3A = arith.index_cast %mul3A_66 : i32 to index
      %get3A_67 = tpu.vector_load %arg7[%get3A] {strides = array<i32>} : memref<3136xi32, #tpu.memory_space<vmem>>, vector<16xi32>,
      %ge3A = arith.constant 0 : i32
      %ge3A_68 = vector.broadcast %ge3A : i32 to vector<16xi32>
      %ge3A_69 = arith.cmpi sge, %get3A_67, %ge3A_68 : vector<16xi32>
      %convert_element_type3A_70 = arith.extui %ge3A_69 : vector<16xi1> to vector<16xi32>
      %broadcast_in_dim3A_71 = arith.constant true
      %broadcast_in_dim3A_72 = vector.broadcast %broadcast_in_dim3A_71 : i1 to vector<16xi1>
      %masked_cumsum3A = tpu.scan <sum>, %convert_element_type3A_70 masked %broadcast_in_dim3A_72 : vector<16xi32>, vector<16xi1> -> vector<16xi32>
      %add3A_73 = vector.broadcast %scan3A_64 : i32 to vector<16xi32>
      %add3A_74 = arith.addi %add3A_73, %masked_cumsum3A : vector<16xi32>
      %sub3A = arith.subi %add3A_74, %convert_element_type3A_70 : vector<16xi32>
      %and3A = arith.constant 16383 : i32
      %and3A_75 = vector.broadcast %and3A : i32 to vector<16xi32>
      %and3A_76 = arith.andi %get3A_67, %and3A_75 : vector<16xi32>
      %shift_right_logical3A = arith.constant 14 : i32
      %shift_right_logical3A_77 = vector.broadcast %shift_right_logical3A : i32 to vector<16xi32>
      %shift_right_logical3A_78 = arith.shrui %get3A_67, %shift_right_logical3A_77 : vector<16xi32>
      %shift_left3A = arith.constant 5 : i32
      %shift_left3A_79 = vector.broadcast %shift_left3A : i32 to vector<16xi32>
      %shift_left3A_80 = arith.shli %shift_right_logical3A_78, %shift_left3A_79 : vector<16xi32>
      %or3A = vector.broadcast %add3A : i32 to vector<16xi32>
      %or3A_81 = arith.ori %shift_left3A_80, %or3A : vector<16xi32>
      tpu.vector_store_idx %arg8[%sub3A], %and3A_76 masked %ge3A_69 : memref<4096xi32, #tpu.memory_space<vmem>>[vector<16xi32>], vector<16xi32>, vector<16xi1>
      %shift_right_logical3A_82 = arith.constant 7 : i32
      %shift_right_logical3A_83 = vector.broadcast %shift_right_logical3A_82 : i32 to vector<16xi32>
      %shift_right_logical3A_84 = arith.shrui %sub3A, %shift_right_logical3A_83 : vector<16xi32>
      %and3A_85 = arith.constant 127 : i32
      %and3A_86 = vector.broadcast %and3A_85 : i32 to vector<16xi32>
      %and3A_87 = arith.andi %sub3A, %and3A_86 : vector<16xi32>
      tpu.vector_store_idx %arg9[%shift_right_logical3A_84, %and3A_87], %or3A_81 masked %ge3A_69 : memref<32x128xi32, #tpu.memory_space<vmem>>[vector<16xi32>, vector<16xi32>], vector<16xi32>, vector<16xi1>
      %reduce_max3A = arith.constant true
      %reduce_max3A_88 = vector.broadcast %reduce_max3A : i1 to vector<16xi1>
      %reduce_max3A_89 = arith.constant -2147483648 : i32
      %reduce_max3A_90 = vector.broadcast %reduce_max3A_89 : i32 to vector<16xi32>
      %reduce_max3A_91 = arith.xori %masked_cumsum3A, %reduce_max3A_90 : vector<16xi32>
      %reduce_max3A_92 = tpu.scan <max>, %reduce_max3A_91 masked %reduce_max3A_88 : vector<16xi32>, vector<16xi1> -> vector<16xi32>
      %reduce_max3A_93 = arith.xori %reduce_max3A_92, %reduce_max3A_90 : vector<16xi32>
      %reduce_max3A_94 = vector.extract %reduce_max3A_93[15] : i32 from vector<16xi32>
      %add3A_95 = arith.addi %scan3A_64, %reduce_max3A_94 : i32
      %scan3A_96 = arith.constant 1 : i32
      %scan3A_97 = arith.addi %scan3A_63, %scan3A_96 : i32
      %mul3A_98 = arith.constant 16 : i32
      %mul3A_99 = arith.muli %scan3A_97, %mul3A_98 : i32
      %get3A_100 = arith.index_cast %mul3A_99 : i32 to index
      %get3A_101 = tpu.vector_load %arg7[%get3A_100] {strides = array<i32>} : memref<3136xi32, #tpu.memory_space<vmem>>, vector<16xi32>,
      %ge3A_102 = arith.constant 0 : i32
      %ge3A_103 = vector.broadcast %ge3A_102 : i32 to vector<16xi32>
      %ge3A_104 = arith.cmpi sge, %get3A_101, %ge3A_103 : vector<16xi32>
      %convert_element_type3A_105 = arith.extui %ge3A_104 : vector<16xi1> to vector<16xi32>
      %broadcast_in_dim3A_106 = arith.constant true
      %broadcast_in_dim3A_107 = vector.broadcast %broadcast_in_dim3A_106 : i1 to vector<16xi1>
      %masked_cumsum3A_108 = tpu.scan <sum>, %convert_element_type3A_105 masked %broadcast_in_dim3A_107 : vector<16xi32>, vector<16xi1> -> vector<16xi32>
      %add3A_109 = vector.broadcast %add3A_95 : i32 to vector<16xi32>
      %add3A_110 = arith.addi %add3A_109, %masked_cumsum3A_108 : vector<16xi32>
      %sub3A_111 = arith.subi %add3A_110, %convert_element_type3A_105 : vector<16xi32>
      %and3A_112 = arith.constant 16383 : i32
      %and3A_113 = vector.broadcast %and3A_112 : i32 to vector<16xi32>
      %and3A_114 = arith.andi %get3A_101, %and3A_113 : vector<16xi32>
      %shift_right_logical3A_115 = arith.constant 14 : i32
      %shift_right_logical3A_116 = vector.broadcast %shift_right_logical3A_115 : i32 to vector<16xi32>
      %shift_right_logical3A_117 = arith.shrui %get3A_101, %shift_right_logical3A_116 : vector<16xi32>
      %shift_left3A_118 = arith.constant 5 : i32
      %shift_left3A_119 = vector.broadcast %shift_left3A_118 : i32 to vector<16xi32>
      %shift_left3A_120 = arith.shli %shift_right_logical3A_117, %shift_left3A_119 : vector<16xi32>
      %or3A_121 = vector.broadcast %add3A : i32 to vector<16xi32>
      %or3A_122 = arith.ori %shift_left3A_120, %or3A_121 : vector<16xi32>
      tpu.vector_store_idx %arg8[%sub3A_111], %and3A_114 masked %ge3A_104 : memref<4096xi32, #tpu.memory_space<vmem>>[vector<16xi32>], vector<16xi32>, vector<16xi1>
      %shift_right_logical3A_123 = arith.constant 7 : i32
      %shift_right_logical3A_124 = vector.broadcast %shift_right_logical3A_123 : i32 to vector<16xi32>
      %shift_right_logical3A_125 = arith.shrui %sub3A_111, %shift_right_logical3A_124 : vector<16xi32>
      %and3A_126 = arith.constant 127 : i32
      %and3A_127 = vector.broadcast %and3A_126 : i32 to vector<16xi32>
      %and3A_128 = arith.andi %sub3A_111, %and3A_127 : vector<16xi32>
      tpu.vector_store_idx %arg9[%shift_right_logical3A_125, %and3A_128], %or3A_122 masked %ge3A_104 : memref<32x128xi32, #tpu.memory_space<vmem>>[vector<16xi32>, vector<16xi32>], vector<16xi32>, vector<16xi1>
      %reduce_max3A_129 = arith.constant true
      %reduce_max3A_130 = vector.broadcast %reduce_max3A_129 : i1 to vector<16xi1>
      %reduce_max3A_131 = arith.constant -2147483648 : i32
      %reduce_max3A_132 = vector.broadcast %reduce_max3A_131 : i32 to vector<16xi32>
      %reduce_max3A_133 = arith.xori %masked_cumsum3A_108, %reduce_max3A_132 : vector<16xi32>
      %reduce_max3A_134 = tpu.scan <max>, %reduce_max3A_133 masked %reduce_max3A_130 : vector<16xi32>, vector<16xi1> -> vector<16xi32>
      %reduce_max3A_135 = arith.xori %reduce_max3A_134, %reduce_max3A_132 : vector<16xi32>
      %reduce_max3A_136 = vector.extract %reduce_max3A_135[15] : i32 from vector<16xi32>
      %add3A_137 = arith.addi %add3A_95, %reduce_max3A_136 : i32
      %scan3A_138 = arith.constant 2 : i32
      %scan3A_139 = arith.addi %scan3A_63, %scan3A_138 : i32
      %mul3A_140 = arith.constant 16 : i32
      %mul3A_141 = arith.muli %scan3A_139, %mul3A_140 : i32
      %get3A_142 = arith.index_cast %mul3A_141 : i32 to index
      %get3A_143 = tpu.vector_load %arg7[%get3A_142] {strides = array<i32>} : memref<3136xi32, #tpu.memory_space<vmem>>, vector<16xi32>,
      %ge3A_144 = arith.constant 0 : i32
      %ge3A_145 = vector.broadcast %ge3A_144 : i32 to vector<16xi32>
      %ge3A_146 = arith.cmpi sge, %get3A_143, %ge3A_145 : vector<16xi32>
      %convert_element_type3A_147 = arith.extui %ge3A_146 : vector<16xi1> to vector<16xi32>
      %broadcast_in_dim3A_148 = arith.constant true
      %broadcast_in_dim3A_149 = vector.broadcast %broadcast_in_dim3A_148 : i1 to vector<16xi1>
      %masked_cumsum3A_150 = tpu.scan <sum>, %convert_element_type3A_147 masked %broadcast_in_dim3A_149 : vector<16xi32>, vector<16xi1> -> vector<16xi32>
      %add3A_151 = vector.broadcast %add3A_137 : i32 to vector<16xi32>
      %add3A_152 = arith.addi %add3A_151, %masked_cumsum3A_150 : vector<16xi32>
      %sub3A_153 = arith.subi %add3A_152, %convert_element_type3A_147 : vector<16xi32>
      %and3A_154 = arith.constant 16383 : i32
      %and3A_155 = vector.broadcast %and3A_154 : i32 to vector<16xi32>
      %and3A_156 = arith.andi %get3A_143, %and3A_155 : vector<16xi32>
      %shift_right_logical3A_157 = arith.constant 14 : i32
      %shift_right_logical3A_158 = vector.broadcast %shift_right_logical3A_157 : i32 to vector<16xi32>
      %shift_right_logical3A_159 = arith.shrui %get3A_143, %shift_right_logical3A_158 : vector<16xi32>
      %shift_left3A_160 = arith.constant 5 : i32
      %shift_left3A_161 = vector.broadcast %shift_left3A_160 : i32 to vector<16xi32>
      %shift_left3A_162 = arith.shli %shift_right_logical3A_159, %shift_left3A_161 : vector<16xi32>
      %or3A_163 = vector.broadcast %add3A : i32 to vector<16xi32>
      %or3A_164 = arith.ori %shift_left3A_162, %or3A_163 : vector<16xi32>
      tpu.vector_store_idx %arg8[%sub3A_153], %and3A_156 masked %ge3A_146 : memref<4096xi32, #tpu.memory_space<vmem>>[vector<16xi32>], vector<16xi32>, vector<16xi1>
      %shift_right_logical3A_165 = arith.constant 7 : i32
      %shift_right_logical3A_166 = vector.broadcast %shift_right_logical3A_165 : i32 to vector<16xi32>
      %shift_right_logical3A_167 = arith.shrui %sub3A_153, %shift_right_logical3A_166 : vector<16xi32>
      %and3A_168 = arith.constant 127 : i32
      %and3A_169 = vector.broadcast %and3A_168 : i32 to vector<16xi32>
      %and3A_170 = arith.andi %sub3A_153, %and3A_169 : vector<16xi32>
      tpu.vector_store_idx %arg9[%shift_right_logical3A_167, %and3A_170], %or3A_164 masked %ge3A_146 : memref<32x128xi32, #tpu.memory_space<vmem>>[vector<16xi32>, vector<16xi32>], vector<16xi32>, vector<16xi1>
      %reduce_max3A_171 = arith.constant true
      %reduce_max3A_172 = vector.broadcast %reduce_max3A_171 : i1 to vector<16xi1>
      %reduce_max3A_173 = arith.constant -2147483648 : i32
      %reduce_max3A_174 = vector.broadcast %reduce_max3A_173 : i32 to vector<16xi32>
      %reduce_max3A_175 = arith.xori %masked_cumsum3A_150, %reduce_max3A_174 : vector<16xi32>
      %reduce_max3A_176 = tpu.scan <max>, %reduce_max3A_175 masked %reduce_max3A_172 : vector<16xi32>, vector<16xi1> -> vector<16xi32>
      %reduce_max3A_177 = arith.xori %reduce_max3A_176, %reduce_max3A_174 : vector<16xi32>
      %reduce_max3A_178 = vector.extract %reduce_max3A_177[15] : i32 from vector<16xi32>
      %add3A_179 = arith.addi %add3A_137, %reduce_max3A_178 : i32
      %scan3A_180 = arith.constant 3 : i32
      %scan3A_181 = arith.addi %scan3A_63, %scan3A_180 : i32
      %mul3A_182 = arith.constant 16 : i32
      %mul3A_183 = arith.muli %scan3A_181, %mul3A_182 : i32
      %get3A_184 = arith.index_cast %mul3A_183 : i32 to index
      %get3A_185 = tpu.vector_load %arg7[%get3A_184] {strides = array<i32>} : memref<3136xi32, #tpu.memory_space<vmem>>, vector<16xi32>,
      %ge3A_186 = arith.constant 0 : i32
      %ge3A_187 = vector.broadcast %ge3A_186 : i32 to vector<16xi32>
      %ge3A_188 = arith.cmpi sge, %get3A_185, %ge3A_187 : vector<16xi32>
      %convert_element_type3A_189 = arith.extui %ge3A_188 : vector<16xi1> to vector<16xi32>
      %broadcast_in_dim3A_190 = arith.constant true
      %broadcast_in_dim3A_191 = vector.broadcast %broadcast_in_dim3A_190 : i1 to vector<16xi1>
      %masked_cumsum3A_192 = tpu.scan <sum>, %convert_element_type3A_189 masked %broadcast_in_dim3A_191 : vector<16xi32>, vector<16xi1> -> vector<16xi32>
      %add3A_193 = vector.broadcast %add3A_179 : i32 to vector<16xi32>
      %add3A_194 = arith.addi %add3A_193, %masked_cumsum3A_192 : vector<16xi32>
      %sub3A_195 = arith.subi %add3A_194, %convert_element_type3A_189 : vector<16xi32>
      %and3A_196 = arith.constant 16383 : i32
      %and3A_197 = vector.broadcast %and3A_196 : i32 to vector<16xi32>
      %and3A_198 = arith.andi %get3A_185, %and3A_197 : vector<16xi32>
      %shift_right_logical3A_199 = arith.constant 14 : i32
      %shift_right_logical3A_200 = vector.broadcast %shift_right_logical3A_199 : i32 to vector<16xi32>
      %shift_right_logical3A_201 = arith.shrui %get3A_185, %shift_right_logical3A_200 : vector<16xi32>
      %shift_left3A_202 = arith.constant 5 : i32
      %shift_left3A_203 = vector.broadcast %shift_left3A_202 : i32 to vector<16xi32>
      %shift_left3A_204 = arith.shli %shift_right_logical3A_201, %shift_left3A_203 : vector<16xi32>
      %or3A_205 = vector.broadcast %add3A : i32 to vector<16xi32>
      %or3A_206 = arith.ori %shift_left3A_204, %or3A_205 : vector<16xi32>
      tpu.vector_store_idx %arg8[%sub3A_195], %and3A_198 masked %ge3A_188 : memref<4096xi32, #tpu.memory_space<vmem>>[vector<16xi32>], vector<16xi32>, vector<16xi1>
      %shift_right_logical3A_207 = arith.constant 7 : i32
      %shift_right_logical3A_208 = vector.broadcast %shift_right_logical3A_207 : i32 to vector<16xi32>
      %shift_right_logical3A_209 = arith.shrui %sub3A_195, %shift_right_logical3A_208 : vector<16xi32>
      %and3A_210 = arith.constant 127 : i32
      %and3A_211 = vector.broadcast %and3A_210 : i32 to vector<16xi32>
      %and3A_212 = arith.andi %sub3A_195, %and3A_211 : vector<16xi32>
      tpu.vector_store_idx %arg9[%shift_right_logical3A_209, %and3A_212], %or3A_206 masked %ge3A_188 : memref<32x128xi32, #tpu.memory_space<vmem>>[vector<16xi32>, vector<16xi32>], vector<16xi32>, vector<16xi1>
      %reduce_max3A_213 = arith.constant true
      %reduce_max3A_214 = vector.broadcast %reduce_max3A_213 : i1 to vector<16xi1>
      %reduce_max3A_215 = arith.constant -2147483648 : i32
      %reduce_max3A_216 = vector.broadcast %reduce_max3A_215 : i32 to vector<16xi32>
      %reduce_max3A_217 = arith.xori %masked_cumsum3A_192, %reduce_max3A_216 : vector<16xi32>
      %reduce_max3A_218 = tpu.scan <max>, %reduce_max3A_217 masked %reduce_max3A_214 : vector<16xi32>, vector<16xi1> -> vector<16xi32>
      %reduce_max3A_219 = arith.xori %reduce_max3A_218, %reduce_max3A_216 : vector<16xi32>
      %reduce_max3A_220 = vector.extract %reduce_max3A_219[15] : i32 from vector<16xi32>
      %add3A_221 = arith.addi %add3A_179, %reduce_max3A_220 : i32
      scf.yield %add3A_221 : i32
    }
    %scan3A_48 = arith.constant 196 : i32
    %gt3A = arith.constant 0 : i32
    %gt3A_49 = arith.cmpi sgt, %scan3A_47, %gt3A : i32
    %convert_element_type3A = arith.extui %gt3A_49 : i1 to i32
    %cond3A = arith.constant 0 : i32
    %cond3A_50 = arith.cmpi ne, %convert_element_type3A, %cond3A : i32
    scf.if %cond3A_50 {
      %get3A = arith.constant 0 : index
      %get3A_63 = tpu.vector_load %arg8[%get3A] {strides = array<i32>} : memref<4096xi32, #tpu.memory_space<vmem>>, vector<16xi32>,
      %slice3A = vector.extract_strided_slice %get3A_63 {offsets = [0], sizes = [1], strides = [1]} : vector<16xi32> to vector<1xi32>
      %squeeze3A = vector.extract %slice3A[0] : i32 from vector<1xi32>
      %broadcast_in_dim3A_64 = vector.broadcast %squeeze3A : i32 to vector<16xi32>
      %get3A_65 = arith.constant 0 : i32
      %get3A_66 = arith.index_cast %get3A_65 : i32 to index
      %get3A_67 = arith.constant 0 : index
      %get3A_68 = tpu.vector_load %arg9[%get3A_66, %get3A_67] {strides = array<i32>} : memref<32x128xi32, #tpu.memory_space<vmem>>, vector<16xi32>,
      %slice3A_69 = vector.extract_strided_slice %get3A_68 {offsets = [0], sizes = [1], strides = [1]} : vector<16xi32> to vector<1xi32>
      %squeeze3A_70 = vector.extract %slice3A_69[0] : i32 from vector<1xi32>
      %broadcast_in_dim3A_71 = vector.broadcast %squeeze3A_70 : i32 to vector<16xi32>
      %scan3A_72 = arith.constant 0 : i32
      %scan3A_73 = arith.constant 0 : i32
      %scan3A_74 = arith.constant 32 : i32
      %scan3A_75 = arith.addi %scan3A_73, %scan3A_74 : i32
      %scan3A_76 = arith.constant 8 : i32
      %scan3A_77 = scf.for %scan3A_79 = %scan3A_73 to %scan3A_75 step %scan3A_76 iter_args(%scan3A_80 = %scan3A_72) -> (i32)  : i32 {
        %mul3A_81 = arith.constant 16 : i32
        %mul3A_82 = arith.muli %scan3A_79, %mul3A_81 : i32
        %add3A_83 = arith.addi %scan3A_47, %mul3A_82 : i32
        %add3A_84 = vector.broadcast %add3A_83 : i32 to vector<16xi32>
        %add3A_85 = arith.addi %add3A_84, %iota3A : vector<16xi32>
        tpu.vector_store_idx %arg8[%add3A_85], %broadcast_in_dim3A_64 : memref<4096xi32, #tpu.memory_space<vmem>>[vector<16xi32>], vector<16xi32>,
        %shift_right_logical3A = arith.constant 7 : i32
        %shift_right_logical3A_86 = vector.broadcast %shift_right_logical3A : i32 to vector<16xi32>
        %shift_right_logical3A_87 = arith.shrui %add3A_85, %shift_right_logical3A_86 : vector<16xi32>
        %and3A = arith.constant 127 : i32
        %and3A_88 = vector.broadcast %and3A : i32 to vector<16xi32>
        %and3A_89 = arith.andi %add3A_85, %and3A_88 : vector<16xi32>
        tpu.vector_store_idx %arg9[%shift_right_logical3A_87, %and3A_89], %broadcast_in_dim3A_71 : memref<32x128xi32, #tpu.memory_space<vmem>>[vector<16xi32>, vector<16xi32>], vector<16xi32>,
        %scan3A_90 = arith.constant 0 : i32
        %scan3A_91 = arith.constant 1 : i32
        %scan3A_92 = arith.addi %scan3A_79, %scan3A_91 : i32
        %mul3A_93 = arith.constant 16 : i32
        %mul3A_94 = arith.muli %scan3A_92, %mul3A_93 : i32
        %add3A_95 = arith.addi %scan3A_47, %mul3A_94 : i32
        %add3A_96 = vector.broadcast %add3A_95 : i32 to vector<16xi32>
        %add3A_97 = arith.addi %add3A_96, %iota3A : vector<16xi32>
        tpu.vector_store_idx %arg8[%add3A_97], %broadcast_in_dim3A_64 : memref<4096xi32, #tpu.memory_space<vmem>>[vector<16xi32>], vector<16xi32>,
        %shift_right_logical3A_98 = arith.constant 7 : i32
        %shift_right_logical3A_99 = vector.broadcast %shift_right_logical3A_98 : i32 to vector<16xi32>
        %shift_right_logical3A_100 = arith.shrui %add3A_97, %shift_right_logical3A_99 : vector<16xi32>
        %and3A_101 = arith.constant 127 : i32
        %and3A_102 = vector.broadcast %and3A_101 : i32 to vector<16xi32>
        %and3A_103 = arith.andi %add3A_97, %and3A_102 : vector<16xi32>
        tpu.vector_store_idx %arg9[%shift_right_logical3A_100, %and3A_103], %broadcast_in_dim3A_71 : memref<32x128xi32, #tpu.memory_space<vmem>>[vector<16xi32>, vector<16xi32>], vector<16xi32>,
        %scan3A_104 = arith.constant 0 : i32
        %scan3A_105 = arith.constant 2 : i32
        %scan3A_106 = arith.addi %scan3A_79, %scan3A_105 : i32
        %mul3A_107 = arith.constant 16 : i32
        %mul3A_108 = arith.muli %scan3A_106, %mul3A_107 : i32
        %add3A_109 = arith.addi %scan3A_47, %mul3A_108 : i32
        %add3A_110 = vector.broadcast %add3A_109 : i32 to vector<16xi32>
        %add3A_111 = arith.addi %add3A_110, %iota3A : vector<16xi32>
        tpu.vector_store_idx %arg8[%add3A_111], %broadcast_in_dim3A_64 : memref<4096xi32, #tpu.memory_space<vmem>>[vector<16xi32>], vector<16xi32>,
        %shift_right_logical3A_112 = arith.constant 7 : i32
        %shift_right_logical3A_113 = vector.broadcast %shift_right_logical3A_112 : i32 to vector<16xi32>
        %shift_right_logical3A_114 = arith.shrui %add3A_111, %shift_right_logical3A_113 : vector<16xi32>
        %and3A_115 = arith.constant 127 : i32
        %and3A_116 = vector.broadcast %and3A_115 : i32 to vector<16xi32>
        %and3A_117 = arith.andi %add3A_111, %and3A_116 : vector<16xi32>
        tpu.vector_store_idx %arg9[%shift_right_logical3A_114, %and3A_117], %broadcast_in_dim3A_71 : memref<32x128xi32, #tpu.memory_space<vmem>>[vector<16xi32>, vector<16xi32>], vector<16xi32>,
        %scan3A_118 = arith.constant 0 : i32
        %scan3A_119 = arith.constant 3 : i32
        %scan3A_120 = arith.addi %scan3A_79, %scan3A_119 : i32
        %mul3A_121 = arith.constant 16 : i32
        %mul3A_122 = arith.muli %scan3A_120, %mul3A_121 : i32
        %add3A_123 = arith.addi %scan3A_47, %mul3A_122 : i32
        %add3A_124 = vector.broadcast %add3A_123 : i32 to vector<16xi32>
        %add3A_125 = arith.addi %add3A_124, %iota3A : vector<16xi32>
        tpu.vector_store_idx %arg8[%add3A_125], %broadcast_in_dim3A_64 : memref<4096xi32, #tpu.memory_space<vmem>>[vector<16xi32>], vector<16xi32>,
        %shift_right_logical3A_126 = arith.constant 7 : i32
        %shift_right_logical3A_127 = vector.broadcast %shift_right_logical3A_126 : i32 to vector<16xi32>
        %shift_right_logical3A_128 = arith.shrui %add3A_125, %shift_right_logical3A_127 : vector<16xi32>
        %and3A_129 = arith.constant 127 : i32
        %and3A_130 = vector.broadcast %and3A_129 : i32 to vector<16xi32>
        %and3A_131 = arith.andi %add3A_125, %and3A_130 : vector<16xi32>
        tpu.vector_store_idx %arg9[%shift_right_logical3A_128, %and3A_131], %broadcast_in_dim3A_71 : memref<32x128xi32, #tpu.memory_space<vmem>>[vector<16xi32>, vector<16xi32>], vector<16xi32>,
        %scan3A_132 = arith.constant 0 : i32
        %scan3A_133 = arith.constant 4 : i32
        %scan3A_134 = arith.addi %scan3A_79, %scan3A_133 : i32
        %mul3A_135 = arith.constant 16 : i32
        %mul3A_136 = arith.muli %scan3A_134, %mul3A_135 : i32
        %add3A_137 = arith.addi %scan3A_47, %mul3A_136 : i32
        %add3A_138 = vector.broadcast %add3A_137 : i32 to vector<16xi32>
        %add3A_139 = arith.addi %add3A_138, %iota3A : vector<16xi32>
        tpu.vector_store_idx %arg8[%add3A_139], %broadcast_in_dim3A_64 : memref<4096xi32, #tpu.memory_space<vmem>>[vector<16xi32>], vector<16xi32>,
        %shift_right_logical3A_140 = arith.constant 7 : i32
        %shift_right_logical3A_141 = vector.broadcast %shift_right_logical3A_140 : i32 to vector<16xi32>
        %shift_right_logical3A_142 = arith.shrui %add3A_139, %shift_right_logical3A_141 : vector<16xi32>
        %and3A_143 = arith.constant 127 : i32
        %and3A_144 = vector.broadcast %and3A_143 : i32 to vector<16xi32>
        %and3A_145 = arith.andi %add3A_139, %and3A_144 : vector<16xi32>
        tpu.vector_store_idx %arg9[%shift_right_logical3A_142, %and3A_145], %broadcast_in_dim3A_71 : memref<32x128xi32, #tpu.memory_space<vmem>>[vector<16xi32>, vector<16xi32>], vector<16xi32>,
        %scan3A_146 = arith.constant 0 : i32
        %scan3A_147 = arith.constant 5 : i32
        %scan3A_148 = arith.addi %scan3A_79, %scan3A_147 : i32
        %mul3A_149 = arith.constant 16 : i32
        %mul3A_150 = arith.muli %scan3A_148, %mul3A_149 : i32
        %add3A_151 = arith.addi %scan3A_47, %mul3A_150 : i32
        %add3A_152 = vector.broadcast %add3A_151 : i32 to vector<16xi32>
        %add3A_153 = arith.addi %add3A_152, %iota3A : vector<16xi32>
        tpu.vector_store_idx %arg8[%add3A_153], %broadcast_in_dim3A_64 : memref<4096xi32, #tpu.memory_space<vmem>>[vector<16xi32>], vector<16xi32>,
        %shift_right_logical3A_154 = arith.constant 7 : i32
        %shift_right_logical3A_155 = vector.broadcast %shift_right_logical3A_154 : i32 to vector<16xi32>
        %shift_right_logical3A_156 = arith.shrui %add3A_153, %shift_right_logical3A_155 : vector<16xi32>
        %and3A_157 = arith.constant 127 : i32
        %and3A_158 = vector.broadcast %and3A_157 : i32 to vector<16xi32>
        %and3A_159 = arith.andi %add3A_153, %and3A_158 : vector<16xi32>
        tpu.vector_store_idx %arg9[%shift_right_logical3A_156, %and3A_159], %broadcast_in_dim3A_71 : memref<32x128xi32, #tpu.memory_space<vmem>>[vector<16xi32>, vector<16xi32>], vector<16xi32>,
        %scan3A_160 = arith.constant 0 : i32
        %scan3A_161 = arith.constant 6 : i32
        %scan3A_162 = arith.addi %scan3A_79, %scan3A_161 : i32
        %mul3A_163 = arith.constant 16 : i32
        %mul3A_164 = arith.muli %scan3A_162, %mul3A_163 : i32
        %add3A_165 = arith.addi %scan3A_47, %mul3A_164 : i32
        %add3A_166 = vector.broadcast %add3A_165 : i32 to vector<16xi32>
        %add3A_167 = arith.addi %add3A_166, %iota3A : vector<16xi32>
        tpu.vector_store_idx %arg8[%add3A_167], %broadcast_in_dim3A_64 : memref<4096xi32, #tpu.memory_space<vmem>>[vector<16xi32>], vector<16xi32>,
        %shift_right_logical3A_168 = arith.constant 7 : i32
        %shift_right_logical3A_169 = vector.broadcast %shift_right_logical3A_168 : i32 to vector<16xi32>
        %shift_right_logical3A_170 = arith.shrui %add3A_167, %shift_right_logical3A_169 : vector<16xi32>
        %and3A_171 = arith.constant 127 : i32
        %and3A_172 = vector.broadcast %and3A_171 : i32 to vector<16xi32>
        %and3A_173 = arith.andi %add3A_167, %and3A_172 : vector<16xi32>
        tpu.vector_store_idx %arg9[%shift_right_logical3A_170, %and3A_173], %broadcast_in_dim3A_71 : memref<32x128xi32, #tpu.memory_space<vmem>>[vector<16xi32>, vector<16xi32>], vector<16xi32>,
        %scan3A_174 = arith.constant 0 : i32
        %scan3A_175 = arith.constant 7 : i32
        %scan3A_176 = arith.addi %scan3A_79, %scan3A_175 : i32
        %mul3A_177 = arith.constant 16 : i32
        %mul3A_178 = arith.muli %scan3A_176, %mul3A_177 : i32
        %add3A_179 = arith.addi %scan3A_47, %mul3A_178 : i32
        %add3A_180 = vector.broadcast %add3A_179 : i32 to vector<16xi32>
        %add3A_181 = arith.addi %add3A_180, %iota3A : vector<16xi32>
        tpu.vector_store_idx %arg8[%add3A_181], %broadcast_in_dim3A_64 : memref<4096xi32, #tpu.memory_space<vmem>>[vector<16xi32>], vector<16xi32>,
        %shift_right_logical3A_182 = arith.constant 7 : i32
        %shift_right_logical3A_183 = vector.broadcast %shift_right_logical3A_182 : i32 to vector<16xi32>
        %shift_right_logical3A_184 = arith.shrui %add3A_181, %shift_right_logical3A_183 : vector<16xi32>
        %and3A_185 = arith.constant 127 : i32
        %and3A_186 = vector.broadcast %and3A_185 : i32 to vector<16xi32>
        %and3A_187 = arith.andi %add3A_181, %and3A_186 : vector<16xi32>
        tpu.vector_store_idx %arg9[%shift_right_logical3A_184, %and3A_187], %broadcast_in_dim3A_71 : memref<32x128xi32, #tpu.memory_space<vmem>>[vector<16xi32>, vector<16xi32>], vector<16xi32>,
        %scan3A_188 = arith.constant 0 : i32
        scf.yield %scan3A_188 : i32
      }
      %scan3A_78 = arith.constant 32 : i32
    } else {
    }
    %broadcast_in_dim3A_51 = arith.constant 0 : i32
    %broadcast_in_dim3A_52 = vector.broadcast %broadcast_in_dim3A_51 : i32 to vector<16xi32>
    %add3A_53 = vector.broadcast %scan3A_47 : i32 to vector<16xi32>
    %add3A_54 = arith.addi %add3A_53, %broadcast_in_dim3A_52 : vector<16xi32>
    %swap3A_55 = arith.constant 0 : index
    %swap3A_56 = tpu.vector_load %arg10[%swap3A_55] {strides = array<i32>} : memref<16xi32, #tpu.memory_space<vmem>>, vector<16xi32>,
    tpu.vector_store %arg10[%swap3A_55], %add3A_54 {strides = array<i32>} : memref<16xi32, #tpu.memory_space<vmem>>, vector<16xi32>,
    %mul3A_57 = arith.constant 128 : i32
    %mul3A_58 = arith.muli %add3A, %mul3A_57 : i32
    "tpu.region"() ({
      %run_scoped3A = tpu.sem_alloc : memref<!tpu.dma_semaphore, #tpu.memory_space<semaphore_mem>>
      %dma_start3A = tpu.memref_slice %arg5[%mul3A_58] : memref<4096xi32, #tpu.memory_space<hbm>> -> memref<16xi32, #tpu.memory_space<hbm>>
      %dma_start3A_63 = tpu.memref_slice %arg5[%mul3A_58] : memref<4096xi32, #tpu.memory_space<hbm>> -> memref<16xi32, #tpu.memory_space<hbm>>
      tpu.enqueue_dma source(%arg10 : memref<16xi32, #tpu.memory_space<vmem>>) target(%dma_start3A_63 : memref<16xi32, #tpu.memory_space<hbm>>) target_semaphore(%run_scoped3A : memref<!tpu.dma_semaphore, #tpu.memory_space<semaphore_mem>>)
      %dma_wait3A = tpu.memref_slice %arg5[%mul3A_58] : memref<4096xi32, #tpu.memory_space<hbm>> -> memref<16xi32, #tpu.memory_space<hbm>>
      %dma_wait3A_64 = tpu.memref_slice %arg5[%mul3A_58] : memref<4096xi32, #tpu.memory_space<hbm>> -> memref<16xi32, #tpu.memory_space<hbm>>
      tpu.wait_dma2 semaphore(%run_scoped3A : memref<!tpu.dma_semaphore, #tpu.memory_space<semaphore_mem>>) src(%arg10 : memref<16xi32, #tpu.memory_space<vmem>>) dst(%dma_wait3A_64 : memref<16xi32, #tpu.memory_space<hbm>>)
      tpu.yield
    }) : () -> ()
    %mul3A_59 = arith.constant 4096 : i32
    %mul3A_60 = arith.muli %add3A, %mul3A_59 : i32
    "tpu.region"() ({
      %run_scoped3A = tpu.sem_alloc : memref<!tpu.dma_semaphore, #tpu.memory_space<semaphore_mem>>
      %dma_start3A = tpu.memref_slice %arg3[%mul3A_60] : memref<131072xi32, #tpu.memory_space<hbm>> -> memref<4096xi32, #tpu.memory_space<hbm>>
      %dma_start3A_63 = tpu.memref_slice %arg3[%mul3A_60] : memref<131072xi32, #tpu.memory_space<hbm>> -> memref<4096xi32, #tpu.memory_space<hbm>>
      tpu.enqueue_dma source(%arg8 : memref<4096xi32, #tpu.memory_space<vmem>>) target(%dma_start3A_63 : memref<4096xi32, #tpu.memory_space<hbm>>) target_semaphore(%run_scoped3A : memref<!tpu.dma_semaphore, #tpu.memory_space<semaphore_mem>>)
      %dma_wait3A = tpu.memref_slice %arg3[%mul3A_60] : memref<131072xi32, #tpu.memory_space<hbm>> -> memref<4096xi32, #tpu.memory_space<hbm>>
      %dma_wait3A_64 = tpu.memref_slice %arg3[%mul3A_60] : memref<131072xi32, #tpu.memory_space<hbm>> -> memref<4096xi32, #tpu.memory_space<hbm>>
      tpu.wait_dma2 semaphore(%run_scoped3A : memref<!tpu.dma_semaphore, #tpu.memory_space<semaphore_mem>>) src(%arg8 : memref<4096xi32, #tpu.memory_space<vmem>>) dst(%dma_wait3A_64 : memref<4096xi32, #tpu.memory_space<hbm>>)
      tpu.yield
    }) : () -> ()
    %mul3A_61 = arith.constant 32 : i32
    %mul3A_62 = arith.muli %add3A, %mul3A_61 : i32
    "tpu.region"() ({
      %run_scoped3A = tpu.sem_alloc : memref<!tpu.dma_semaphore, #tpu.memory_space<semaphore_mem>>
      %dma_start3A = arith.constant 0 : i32
      %dma_start3A_63 = tpu.memref_slice %arg4[%mul3A_62, %dma_start3A] : memref<1024x128xi32, #tpu.memory_space<hbm>> -> memref<32x128xi32, #tpu.memory_space<hbm>>
      %dma_start3A_64 = arith.constant 0 : i32
      %dma_start3A_65 = tpu.memref_slice %arg4[%mul3A_62, %dma_start3A_64] : memref<1024x128xi32, #tpu.memory_space<hbm>> -> memref<32x128xi32, #tpu.memory_space<hbm>>
      tpu.enqueue_dma source(%arg9 : memref<32x128xi32, #tpu.memory_space<vmem>>) target(%dma_start3A_65 : memref<32x128xi32, #tpu.memory_space<hbm>>) target_semaphore(%run_scoped3A : memref<!tpu.dma_semaphore, #tpu.memory_space<semaphore_mem>>)
      %dma_wait3A = arith.constant 0 : i32
      %dma_wait3A_66 = tpu.memref_slice %arg4[%mul3A_62, %dma_wait3A] : memref<1024x128xi32, #tpu.memory_space<hbm>> -> memref<32x128xi32, #tpu.memory_space<hbm>>
      %dma_wait3A_67 = arith.constant 0 : i32
      %dma_wait3A_68 = tpu.memref_slice %arg4[%mul3A_62, %dma_wait3A_67] : memref<1024x128xi32, #tpu.memory_space<hbm>> -> memref<32x128xi32, #tpu.memory_space<hbm>>
      tpu.wait_dma2 semaphore(%run_scoped3A : memref<!tpu.dma_semaphore, #tpu.memory_space<semaphore_mem>>) src(%arg9 : memref<32x128xi32, #tpu.memory_space<vmem>>) dst(%dma_wait3A_68 : memref<32x128xi32, #tpu.memory_space<hbm>>)
      tpu.yield
    }) : () -> ()
    return
  }
}

#map = affine_map<(d0, d1) -> (0)>
#map1 = affine_map<(d0, d1) -> (0, 0)>
module attributes {stable_mosaic.version = 14 : i64} {
  func.func @_k1_body(%arg0: i32, %arg1: i32, %arg2: memref<16384xi32, #tpu.memory_space<hbm>>, %arg3: memref<100000x128xf32, #tpu.memory_space<hbm>>, %arg4: memref<4096xi32, #tpu.memory_space<hbm>>, %arg5: memref<16384x128xf32, #tpu.memory_space<hbm>>, %arg6: memref<512xi32, #tpu.memory_space<vmem>>, %arg7: memref<512x128xf32, #tpu.memory_space<vmem>>, %arg8: memref<!tpu.dma_semaphore, #tpu.memory_space<semaphore_mem>>) attributes {dimension_semantics = [#tpu.dimension_semantics<core_parallel>, #tpu.dimension_semantics<subcore_parallel>], iteration_bounds = array<i64: 2, 16>, scalar_prefetch = 0 : i64, scratch_operands = 3 : i64, tpu.core_type = #tpu.core_type<sc_vector_subcore>, window_params = [{transform_indices = #map}, {transform_indices = #map1}, {transform_indices = #map}, {transform_indices = #map1}]} {
    %mul3A = arith.constant 2 : i32
    %mul3A_0 = arith.muli %arg1, %mul3A : i32
    %add3A = arith.addi %mul3A_0, %arg0 : i32
    %mul3A_1 = arith.constant 512 : i32
    %mul3A_2 = arith.muli %add3A, %mul3A_1 : i32
    "tpu.region"() ({
      %run_scoped3A = tpu.sem_alloc : memref<!tpu.dma_semaphore, #tpu.memory_space<semaphore_mem>>
      %dma_start3A_67 = tpu.memref_slice %arg2[%mul3A_2] : memref<16384xi32, #tpu.memory_space<hbm>> -> memref<512xi32, #tpu.memory_space<hbm>>
      %dma_start3A_68 = tpu.memref_slice %arg2[%mul3A_2] : memref<16384xi32, #tpu.memory_space<hbm>> -> memref<512xi32, #tpu.memory_space<hbm>>
      tpu.enqueue_dma source(%dma_start3A_68 : memref<512xi32, #tpu.memory_space<hbm>>) target(%arg6 : memref<512xi32, #tpu.memory_space<vmem>>) target_semaphore(%run_scoped3A : memref<!tpu.dma_semaphore, #tpu.memory_space<semaphore_mem>>)
      %dma_wait3A_69 = tpu.memref_slice %arg2[%mul3A_2] : memref<16384xi32, #tpu.memory_space<hbm>> -> memref<512xi32, #tpu.memory_space<hbm>>
      %dma_wait3A_70 = tpu.memref_slice %arg2[%mul3A_2] : memref<16384xi32, #tpu.memory_space<hbm>> -> memref<512xi32, #tpu.memory_space<hbm>>
      tpu.wait_dma2 semaphore(%run_scoped3A : memref<!tpu.dma_semaphore, #tpu.memory_space<semaphore_mem>>) src(%dma_wait3A_70 : memref<512xi32, #tpu.memory_space<hbm>>) dst(%arg6 : memref<512xi32, #tpu.memory_space<vmem>>)
      tpu.yield
    }) : () -> ()
    %dma_start3A = arith.constant 0 : i32
    %dma_start3A_3 = arith.constant 0 : i32
    %dma_start3A_4 = tpu.memref_slice %arg7[%dma_start3A, %dma_start3A_3] : memref<512x128xf32, #tpu.memory_space<vmem>> -> memref<128x128xf32, #tpu.memory_space<vmem>>
    %dma_start3A_5 = arith.constant 0 : i32
    %dma_start3A_6 = tpu.memref_slice %arg6[%dma_start3A_5] : memref<512xi32, #tpu.memory_space<vmem>> -> memref<128xi32, #tpu.memory_space<vmem>>
    %dma_start3A_7 = arith.constant 0 : i32
    %dma_start3A_8 = arith.constant 0 : i32
    %dma_start3A_9 = tpu.memref_slice %arg3[%dma_start3A_7, %dma_start3A_8] : memref<100000x128xf32, #tpu.memory_space<hbm>> -> memref<100000x128xf32, #tpu.memory_space<hbm>>
    tpu.enqueue_indirect_dma source(%dma_start3A_9 : memref<100000x128xf32, #tpu.memory_space<hbm>>) target(%dma_start3A_4 : memref<128x128xf32, #tpu.memory_space<vmem>>) offsets(%dma_start3A_6 : memref<128xi32, #tpu.memory_space<vmem>>) semaphore(%arg8 : memref<!tpu.dma_semaphore, #tpu.memory_space<semaphore_mem>>)
    %dma_start3A_10 = arith.constant 128 : i32
    %dma_start3A_11 = arith.constant 0 : i32
    %dma_start3A_12 = tpu.memref_slice %arg7[%dma_start3A_10, %dma_start3A_11] : memref<512x128xf32, #tpu.memory_space<vmem>> -> memref<128x128xf32, #tpu.memory_space<vmem>>
    %dma_start3A_13 = arith.constant 128 : i32
    %dma_start3A_14 = tpu.memref_slice %arg6[%dma_start3A_13] : memref<512xi32, #tpu.memory_space<vmem>> -> memref<128xi32, #tpu.memory_space<vmem>>
    %dma_start3A_15 = arith.constant 0 : i32
    %dma_start3A_16 = arith.constant 0 : i32
    %dma_start3A_17 = tpu.memref_slice %arg3[%dma_start3A_15, %dma_start3A_16] : memref<100000x128xf32, #tpu.memory_space<hbm>> -> memref<100000x128xf32, #tpu.memory_space<hbm>>
    tpu.enqueue_indirect_dma source(%dma_start3A_17 : memref<100000x128xf32, #tpu.memory_space<hbm>>) target(%dma_start3A_12 : memref<128x128xf32, #tpu.memory_space<vmem>>) offsets(%dma_start3A_14 : memref<128xi32, #tpu.memory_space<vmem>>) semaphore(%arg8 : memref<!tpu.dma_semaphore, #tpu.memory_space<semaphore_mem>>)
    %dma_start3A_18 = arith.constant 256 : i32
    %dma_start3A_19 = arith.constant 0 : i32
    %dma_start3A_20 = tpu.memref_slice %arg7[%dma_start3A_18, %dma_start3A_19] : memref<512x128xf32, #tpu.memory_space<vmem>> -> memref<128x128xf32, #tpu.memory_space<vmem>>
    %dma_start3A_21 = arith.constant 256 : i32
    %dma_start3A_22 = tpu.memref_slice %arg6[%dma_start3A_21] : memref<512xi32, #tpu.memory_space<vmem>> -> memref<128xi32, #tpu.memory_space<vmem>>
    %dma_start3A_23 = arith.constant 0 : i32
    %dma_start3A_24 = arith.constant 0 : i32
    %dma_start3A_25 = tpu.memref_slice %arg3[%dma_start3A_23, %dma_start3A_24] : memref<100000x128xf32, #tpu.memory_space<hbm>> -> memref<100000x128xf32, #tpu.memory_space<hbm>>
    tpu.enqueue_indirect_dma source(%dma_start3A_25 : memref<100000x128xf32, #tpu.memory_space<hbm>>) target(%dma_start3A_20 : memref<128x128xf32, #tpu.memory_space<vmem>>) offsets(%dma_start3A_22 : memref<128xi32, #tpu.memory_space<vmem>>) semaphore(%arg8 : memref<!tpu.dma_semaphore, #tpu.memory_space<semaphore_mem>>)
    %dma_start3A_26 = arith.constant 384 : i32
    %dma_start3A_27 = arith.constant 0 : i32
    %dma_start3A_28 = tpu.memref_slice %arg7[%dma_start3A_26, %dma_start3A_27] : memref<512x128xf32, #tpu.memory_space<vmem>> -> memref<128x128xf32, #tpu.memory_space<vmem>>
    %dma_start3A_29 = arith.constant 384 : i32
    %dma_start3A_30 = tpu.memref_slice %arg6[%dma_start3A_29] : memref<512xi32, #tpu.memory_space<vmem>> -> memref<128xi32, #tpu.memory_space<vmem>>
    %dma_start3A_31 = arith.constant 0 : i32
    %dma_start3A_32 = arith.constant 0 : i32
    %dma_start3A_33 = tpu.memref_slice %arg3[%dma_start3A_31, %dma_start3A_32] : memref<100000x128xf32, #tpu.memory_space<hbm>> -> memref<100000x128xf32, #tpu.memory_space<hbm>>
    tpu.enqueue_indirect_dma source(%dma_start3A_33 : memref<100000x128xf32, #tpu.memory_space<hbm>>) target(%dma_start3A_28 : memref<128x128xf32, #tpu.memory_space<vmem>>) offsets(%dma_start3A_30 : memref<128xi32, #tpu.memory_space<vmem>>) semaphore(%arg8 : memref<!tpu.dma_semaphore, #tpu.memory_space<semaphore_mem>>)
    %dma_wait3A = arith.constant 0 : i32
    %dma_wait3A_34 = arith.constant 0 : i32
    %dma_wait3A_35 = tpu.memref_slice %arg7[%dma_wait3A, %dma_wait3A_34] : memref<512x128xf32, #tpu.memory_space<vmem>> -> memref<128x128xf32, #tpu.memory_space<vmem>>
    %dma_wait3A_36 = arith.constant 0 : i32
    %dma_wait3A_37 = tpu.memref_slice %arg6[%dma_wait3A_36] : memref<512xi32, #tpu.memory_space<vmem>> -> memref<128xi32, #tpu.memory_space<vmem>>
    %dma_wait3A_38 = arith.constant 0 : i32
    %dma_wait3A_39 = arith.constant 0 : i32
    %dma_wait3A_40 = tpu.memref_slice %arg3[%dma_wait3A_38, %dma_wait3A_39] : memref<100000x128xf32, #tpu.memory_space<hbm>> -> memref<100000x128xf32, #tpu.memory_space<hbm>>
    tpu.wait_indirect_dma semaphore(%arg8 : memref<!tpu.dma_semaphore, #tpu.memory_space<semaphore_mem>>) src(%dma_wait3A_40 : memref<100000x128xf32, #tpu.memory_space<hbm>>) dst(%dma_wait3A_35 : memref<128x128xf32, #tpu.memory_space<vmem>>)
    %dma_wait3A_41 = arith.constant 128 : i32
    %dma_wait3A_42 = arith.constant 0 : i32
    %dma_wait3A_43 = tpu.memref_slice %arg7[%dma_wait3A_41, %dma_wait3A_42] : memref<512x128xf32, #tpu.memory_space<vmem>> -> memref<128x128xf32, #tpu.memory_space<vmem>>
    %dma_wait3A_44 = arith.constant 128 : i32
    %dma_wait3A_45 = tpu.memref_slice %arg6[%dma_wait3A_44] : memref<512xi32, #tpu.memory_space<vmem>> -> memref<128xi32, #tpu.memory_space<vmem>>
    %dma_wait3A_46 = arith.constant 0 : i32
    %dma_wait3A_47 = arith.constant 0 : i32
    %dma_wait3A_48 = tpu.memref_slice %arg3[%dma_wait3A_46, %dma_wait3A_47] : memref<100000x128xf32, #tpu.memory_space<hbm>> -> memref<100000x128xf32, #tpu.memory_space<hbm>>
    tpu.wait_indirect_dma semaphore(%arg8 : memref<!tpu.dma_semaphore, #tpu.memory_space<semaphore_mem>>) src(%dma_wait3A_48 : memref<100000x128xf32, #tpu.memory_space<hbm>>) dst(%dma_wait3A_43 : memref<128x128xf32, #tpu.memory_space<vmem>>)
    %dma_wait3A_49 = arith.constant 256 : i32
    %dma_wait3A_50 = arith.constant 0 : i32
    %dma_wait3A_51 = tpu.memref_slice %arg7[%dma_wait3A_49, %dma_wait3A_50] : memref<512x128xf32, #tpu.memory_space<vmem>> -> memref<128x128xf32, #tpu.memory_space<vmem>>
    %dma_wait3A_52 = arith.constant 256 : i32
    %dma_wait3A_53 = tpu.memref_slice %arg6[%dma_wait3A_52] : memref<512xi32, #tpu.memory_space<vmem>> -> memref<128xi32, #tpu.memory_space<vmem>>
    %dma_wait3A_54 = arith.constant 0 : i32
    %dma_wait3A_55 = arith.constant 0 : i32
    %dma_wait3A_56 = tpu.memref_slice %arg3[%dma_wait3A_54, %dma_wait3A_55] : memref<100000x128xf32, #tpu.memory_space<hbm>> -> memref<100000x128xf32, #tpu.memory_space<hbm>>
    tpu.wait_indirect_dma semaphore(%arg8 : memref<!tpu.dma_semaphore, #tpu.memory_space<semaphore_mem>>) src(%dma_wait3A_56 : memref<100000x128xf32, #tpu.memory_space<hbm>>) dst(%dma_wait3A_51 : memref<128x128xf32, #tpu.memory_space<vmem>>)
    %dma_wait3A_57 = arith.constant 384 : i32
    %dma_wait3A_58 = arith.constant 0 : i32
    %dma_wait3A_59 = tpu.memref_slice %arg7[%dma_wait3A_57, %dma_wait3A_58] : memref<512x128xf32, #tpu.memory_space<vmem>> -> memref<128x128xf32, #tpu.memory_space<vmem>>
    %dma_wait3A_60 = arith.constant 384 : i32
    %dma_wait3A_61 = tpu.memref_slice %arg6[%dma_wait3A_60] : memref<512xi32, #tpu.memory_space<vmem>> -> memref<128xi32, #tpu.memory_space<vmem>>
    %dma_wait3A_62 = arith.constant 0 : i32
    %dma_wait3A_63 = arith.constant 0 : i32
    %dma_wait3A_64 = tpu.memref_slice %arg3[%dma_wait3A_62, %dma_wait3A_63] : memref<100000x128xf32, #tpu.memory_space<hbm>> -> memref<100000x128xf32, #tpu.memory_space<hbm>>
    tpu.wait_indirect_dma semaphore(%arg8 : memref<!tpu.dma_semaphore, #tpu.memory_space<semaphore_mem>>) src(%dma_wait3A_64 : memref<100000x128xf32, #tpu.memory_space<hbm>>) dst(%dma_wait3A_59 : memref<128x128xf32, #tpu.memory_space<vmem>>)
    %mul3A_65 = arith.constant 512 : i32
    %mul3A_66 = arith.muli %add3A, %mul3A_65 : i32
    "tpu.region"() ({
      %run_scoped3A = tpu.sem_alloc : memref<!tpu.dma_semaphore, #tpu.memory_space<semaphore_mem>>
      %dma_start3A_67 = arith.constant 0 : i32
      %dma_start3A_68 = tpu.memref_slice %arg5[%mul3A_66, %dma_start3A_67] : memref<16384x128xf32, #tpu.memory_space<hbm>> -> memref<512x128xf32, #tpu.memory_space<hbm>>
      %dma_start3A_69 = arith.constant 0 : i32
      %dma_start3A_70 = tpu.memref_slice %arg5[%mul3A_66, %dma_start3A_69] : memref<16384x128xf32, #tpu.memory_space<hbm>> -> memref<512x128xf32, #tpu.memory_space<hbm>>
      tpu.enqueue_dma source(%arg7 : memref<512x128xf32, #tpu.memory_space<vmem>>) target(%dma_start3A_70 : memref<512x128xf32, #tpu.memory_space<hbm>>) target_semaphore(%run_scoped3A : memref<!tpu.dma_semaphore, #tpu.memory_space<semaphore_mem>>)
      %dma_wait3A_71 = arith.constant 0 : i32
      %dma_wait3A_72 = tpu.memref_slice %arg5[%mul3A_66, %dma_wait3A_71] : memref<16384x128xf32, #tpu.memory_space<hbm>> -> memref<512x128xf32, #tpu.memory_space<hbm>>
      %dma_wait3A_73 = arith.constant 0 : i32
      %dma_wait3A_74 = tpu.memref_slice %arg5[%mul3A_66, %dma_wait3A_73] : memref<16384x128xf32, #tpu.memory_space<hbm>> -> memref<512x128xf32, #tpu.memory_space<hbm>>
      tpu.wait_dma2 semaphore(%run_scoped3A : memref<!tpu.dma_semaphore, #tpu.memory_space<semaphore_mem>>) src(%arg7 : memref<512x128xf32, #tpu.memory_space<vmem>>) dst(%dma_wait3A_74 : memref<512x128xf32, #tpu.memory_space<hbm>>)
      tpu.yield
    }) : () -> ()
    return
  }
}

#map = affine_map<(d0, d1) -> (0, 0)>
#map1 = affine_map<(d0, d1) -> (0)>
module attributes {stable_mosaic.version = 14 : i64} {
  func.func @_k3_body(%arg0: i32, %arg1: i32, %arg2: memref<100000x128xf32, #tpu.memory_space<hbm>>, %arg3: memref<16384x128xf32, #tpu.memory_space<hbm>>, %arg4: memref<131072xi32, #tpu.memory_space<hbm>>, %arg5: memref<1024x128xi32, #tpu.memory_space<hbm>>, %arg6: memref<4096xi32, #tpu.memory_space<hbm>>, %arg7: memref<100000x128xf32, #tpu.memory_space<hbm>>, %arg8: memref<4096xi32, #tpu.memory_space<vmem>>, %arg9: memref<32x128xi32, #tpu.memory_space<vmem>>, %arg10: memref<16xi32, #tpu.memory_space<vmem>>, %arg11: memref<128x128xf32, #tpu.memory_space<vmem>>, %arg12: memref<128x128xf32, #tpu.memory_space<vmem>>, %arg13: memref<128x128xf32, #tpu.memory_space<vmem>>, %arg14: memref<128x128xf32, #tpu.memory_space<vmem>>, %arg15: memref<!tpu.dma_semaphore, #tpu.memory_space<semaphore_mem>>, %arg16: memref<!tpu.dma_semaphore, #tpu.memory_space<semaphore_mem>>, %arg17: memref<!tpu.dma_semaphore, #tpu.memory_space<semaphore_mem>>, %arg18: memref<!tpu.dma_semaphore, #tpu.memory_space<semaphore_mem>>, %arg19: memref<!tpu.dma_semaphore, #tpu.memory_space<semaphore_mem>>) attributes {dimension_semantics = [#tpu.dimension_semantics<core_parallel>, #tpu.dimension_semantics<subcore_parallel>], iteration_bounds = array<i64: 2, 16>, scalar_prefetch = 0 : i64, scratch_operands = 12 : i64, tpu.core_type = #tpu.core_type<sc_vector_subcore>, window_params = [{transform_indices = #map}, {transform_indices = #map}, {transform_indices = #map1}, {transform_indices = #map}, {transform_indices = #map1}, {transform_indices = #map}]} {
    %mul3A = arith.constant 2 : i32
    %mul3A_0 = arith.muli %arg1, %mul3A : i32
    %add3A = arith.addi %mul3A_0, %arg0 : i32
    %mul3A_1 = arith.constant 4096 : i32
    %mul3A_2 = arith.muli %add3A, %mul3A_1 : i32
    "tpu.region"() ({
      %run_scoped3A = tpu.sem_alloc : memref<!tpu.dma_semaphore, #tpu.memory_space<semaphore_mem>>
      %dma_start3A = tpu.memref_slice %arg4[%mul3A_2] : memref<131072xi32, #tpu.memory_space<hbm>> -> memref<4096xi32, #tpu.memory_space<hbm>>
      %dma_start3A_39 = tpu.memref_slice %arg4[%mul3A_2] : memref<131072xi32, #tpu.memory_space<hbm>> -> memref<4096xi32, #tpu.memory_space<hbm>>
      tpu.enqueue_dma source(%dma_start3A_39 : memref<4096xi32, #tpu.memory_space<hbm>>) target(%arg8 : memref<4096xi32, #tpu.memory_space<vmem>>) target_semaphore(%run_scoped3A : memref<!tpu.dma_semaphore, #tpu.memory_space<semaphore_mem>>)
      %dma_wait3A = tpu.memref_slice %arg4[%mul3A_2] : memref<131072xi32, #tpu.memory_space<hbm>> -> memref<4096xi32, #tpu.memory_space<hbm>>
      %dma_wait3A_40 = tpu.memref_slice %arg4[%mul3A_2] : memref<131072xi32, #tpu.memory_space<hbm>> -> memref<4096xi32, #tpu.memory_space<hbm>>
      tpu.wait_dma2 semaphore(%run_scoped3A : memref<!tpu.dma_semaphore, #tpu.memory_space<semaphore_mem>>) src(%dma_wait3A_40 : memref<4096xi32, #tpu.memory_space<hbm>>) dst(%arg8 : memref<4096xi32, #tpu.memory_space<vmem>>)
      tpu.yield
    }) : () -> ()
    %mul3A_3 = arith.constant 32 : i32
    %mul3A_4 = arith.muli %add3A, %mul3A_3 : i32
    "tpu.region"() ({
      %run_scoped3A = tpu.sem_alloc : memref<!tpu.dma_semaphore, #tpu.memory_space<semaphore_mem>>
      %dma_start3A = arith.constant 0 : i32
      %dma_start3A_39 = tpu.memref_slice %arg5[%mul3A_4, %dma_start3A] : memref<1024x128xi32, #tpu.memory_space<hbm>> -> memref<32x128xi32, #tpu.memory_space<hbm>>
      %dma_start3A_40 = arith.constant 0 : i32
      %dma_start3A_41 = tpu.memref_slice %arg5[%mul3A_4, %dma_start3A_40] : memref<1024x128xi32, #tpu.memory_space<hbm>> -> memref<32x128xi32, #tpu.memory_space<hbm>>
      tpu.enqueue_dma source(%dma_start3A_41 : memref<32x128xi32, #tpu.memory_space<hbm>>) target(%arg9 : memref<32x128xi32, #tpu.memory_space<vmem>>) target_semaphore(%run_scoped3A : memref<!tpu.dma_semaphore, #tpu.memory_space<semaphore_mem>>)
      %dma_wait3A = arith.constant 0 : i32
      %dma_wait3A_42 = tpu.memref_slice %arg5[%mul3A_4, %dma_wait3A] : memref<1024x128xi32, #tpu.memory_space<hbm>> -> memref<32x128xi32, #tpu.memory_space<hbm>>
      %dma_wait3A_43 = arith.constant 0 : i32
      %dma_wait3A_44 = tpu.memref_slice %arg5[%mul3A_4, %dma_wait3A_43] : memref<1024x128xi32, #tpu.memory_space<hbm>> -> memref<32x128xi32, #tpu.memory_space<hbm>>
      tpu.wait_dma2 semaphore(%run_scoped3A : memref<!tpu.dma_semaphore, #tpu.memory_space<semaphore_mem>>) src(%dma_wait3A_44 : memref<32x128xi32, #tpu.memory_space<hbm>>) dst(%arg9 : memref<32x128xi32, #tpu.memory_space<vmem>>)
      tpu.yield
    }) : () -> ()
    %mul3A_5 = arith.constant 128 : i32
    %mul3A_6 = arith.muli %add3A, %mul3A_5 : i32
    "tpu.region"() ({
      %run_scoped3A = tpu.sem_alloc : memref<!tpu.dma_semaphore, #tpu.memory_space<semaphore_mem>>
      %dma_start3A = tpu.memref_slice %arg6[%mul3A_6] : memref<4096xi32, #tpu.memory_space<hbm>> -> memref<16xi32, #tpu.memory_space<hbm>>
      %dma_start3A_39 = tpu.memref_slice %arg6[%mul3A_6] : memref<4096xi32, #tpu.memory_space<hbm>> -> memref<16xi32, #tpu.memory_space<hbm>>
      tpu.enqueue_dma source(%dma_start3A_39 : memref<16xi32, #tpu.memory_space<hbm>>) target(%arg10 : memref<16xi32, #tpu.memory_space<vmem>>) target_semaphore(%run_scoped3A : memref<!tpu.dma_semaphore, #tpu.memory_space<semaphore_mem>>)
      %dma_wait3A = tpu.memref_slice %arg6[%mul3A_6] : memref<4096xi32, #tpu.memory_space<hbm>> -> memref<16xi32, #tpu.memory_space<hbm>>
      %dma_wait3A_40 = tpu.memref_slice %arg6[%mul3A_6] : memref<4096xi32, #tpu.memory_space<hbm>> -> memref<16xi32, #tpu.memory_space<hbm>>
      tpu.wait_dma2 semaphore(%run_scoped3A : memref<!tpu.dma_semaphore, #tpu.memory_space<semaphore_mem>>) src(%dma_wait3A_40 : memref<16xi32, #tpu.memory_space<hbm>>) dst(%arg10 : memref<16xi32, #tpu.memory_space<vmem>>)
      tpu.yield
    }) : () -> ()
    %get3A = arith.constant 0 : index
    %get3A_7 = tpu.vector_load %arg10[%get3A] {strides = array<i32>} : memref<16xi32, #tpu.memory_space<vmem>>, vector<16xi32>,
    %slice3A = vector.extract_strided_slice %get3A_7 {offsets = [0], sizes = [1], strides = [1]} : vector<16xi32> to vector<1xi32>
    %squeeze3A = vector.extract %slice3A[0] : i32 from vector<1xi32>
    %add3A_8 = arith.constant 512 : i32
    %add3A_9 = arith.addi %squeeze3A, %add3A_8 : i32
    %sub3A = arith.constant 1 : i32
    %sub3A_10 = arith.subi %add3A_9, %sub3A : i32
    %jit3A = arith.constant 512 : i32
    %div3A = arith.divsi %sub3A_10, %jit3A : i32
    %sign3A = arith.constant 0 : i32
    %sign3A_11 = arith.cmpi sgt, %sub3A_10, %sign3A : i32
    %sign3A_12 = arith.extui %sign3A_11 : i1 to i32
    %sign3A_13 = arith.constant 0 : i32
    %sign3A_14 = arith.cmpi slt, %sub3A_10, %sign3A_13 : i32
    %sign3A_15 = arith.extui %sign3A_14 : i1 to i32
    %sign3A_16 = arith.subi %sign3A_12, %sign3A_15 : i32
    %sign3A_17 = arith.constant 0 : i32
    %sign3A_18 = arith.cmpi sgt, %jit3A, %sign3A_17 : i32
    %sign3A_19 = arith.extui %sign3A_18 : i1 to i32
    %sign3A_20 = arith.constant 0 : i32
    %sign3A_21 = arith.cmpi slt, %jit3A, %sign3A_20 : i32
    %sign3A_22 = arith.extui %sign3A_21 : i1 to i32
    %sign3A_23 = arith.subi %sign3A_19, %sign3A_22 : i32
    %ne3A = arith.cmpi ne, %sign3A_16, %sign3A_23 : i32
    %rem3A = arith.remsi %sub3A_10, %jit3A : i32
    %ne3A_24 = arith.constant 0 : i32
    %ne3A_25 = arith.cmpi ne, %rem3A, %ne3A_24 : i32
    %and3A = arith.andi %ne3A, %ne3A_25 : i1
    %sub3A_26 = arith.constant 1 : i32
    %sub3A_27 = arith.subi %div3A, %sub3A_26 : i32
    %select_n3A = arith.select %and3A, %sub3A_27, %div3A : i32
    %while3A = arith.constant 0 : i32
    %while3A_28 = arith.constant 0 : i32
    %while3A_29 = arith.subi %select_n3A, %while3A : i32
    %while3A_30 = arith.addi %while3A, %while3A_29 : i32
    %while3A_31 = arith.constant 1 : i32
    %while3A_32 = arith.divsi %while3A_29, %while3A_31 : i32
    %while3A_33 = arith.muli %while3A_32, %while3A_31 : i32
    %while3A_34 = arith.addi %while3A, %while3A_33 : i32
    %while3A_35 = arith.constant 1 : i32
    %while3A_36 = scf.for %while3A_39 = %while3A to %while3A_34 step %while3A_35 iter_args(%while3A_40 = %while3A_28) -> (i32)  : i32 {
      %mul3A_41 = arith.constant 4 : i32
      %mul3A_42 = arith.muli %while3A_39, %mul3A_41 : i32
      %add3A_43 = arith.constant 0 : i32
      %add3A_44 = arith.addi %mul3A_42, %add3A_43 : i32
      %mul3A_45 = arith.constant 128 : i32
      %mul3A_46 = arith.muli %add3A_44, %mul3A_45 : i32
      %dma_start3A = tpu.memref_slice %arg8[%mul3A_46] : memref<4096xi32, #tpu.memory_space<vmem>> -> memref<128xi32, #tpu.memory_space<vmem>>
      %dma_start3A_47 = arith.constant 0 : i32
      %dma_start3A_48 = arith.constant 0 : i32
      %dma_start3A_49 = tpu.memref_slice %arg3[%dma_start3A_47, %dma_start3A_48] : memref<16384x128xf32, #tpu.memory_space<hbm>> -> memref<16384x128xf32, #tpu.memory_space<hbm>>
      tpu.enqueue_indirect_dma source(%dma_start3A_49 : memref<16384x128xf32, #tpu.memory_space<hbm>>) target(%arg11 : memref<128x128xf32, #tpu.memory_space<vmem>>) offsets(%dma_start3A : memref<128xi32, #tpu.memory_space<vmem>>) semaphore(%arg15 : memref<!tpu.dma_semaphore, #tpu.memory_space<semaphore_mem>>)
      %mul3A_50 = arith.constant 4 : i32
      %mul3A_51 = arith.muli %while3A_39, %mul3A_50 : i32
      %add3A_52 = arith.constant 1 : i32
      %add3A_53 = arith.addi %mul3A_51, %add3A_52 : i32
      %mul3A_54 = arith.constant 128 : i32
      %mul3A_55 = arith.muli %add3A_53, %mul3A_54 : i32
      %dma_start3A_56 = tpu.memref_slice %arg8[%mul3A_55] : memref<4096xi32, #tpu.memory_space<vmem>> -> memref<128xi32, #tpu.memory_space<vmem>>
      %dma_start3A_57 = arith.constant 0 : i32
      %dma_start3A_58 = arith.constant 0 : i32
      %dma_start3A_59 = tpu.memref_slice %arg3[%dma_start3A_57, %dma_start3A_58] : memref<16384x128xf32, #tpu.memory_space<hbm>> -> memref<16384x128xf32, #tpu.memory_space<hbm>>
      tpu.enqueue_indirect_dma source(%dma_start3A_59 : memref<16384x128xf32, #tpu.memory_space<hbm>>) target(%arg12 : memref<128x128xf32, #tpu.memory_space<vmem>>) offsets(%dma_start3A_56 : memref<128xi32, #tpu.memory_space<vmem>>) semaphore(%arg16 : memref<!tpu.dma_semaphore, #tpu.memory_space<semaphore_mem>>)
      %mul3A_60 = arith.constant 4 : i32
      %mul3A_61 = arith.muli %while3A_39, %mul3A_60 : i32
      %add3A_62 = arith.constant 2 : i32
      %add3A_63 = arith.addi %mul3A_61, %add3A_62 : i32
      %mul3A_64 = arith.constant 128 : i32
      %mul3A_65 = arith.muli %add3A_63, %mul3A_64 : i32
      %dma_start3A_66 = tpu.memref_slice %arg8[%mul3A_65] : memref<4096xi32, #tpu.memory_space<vmem>> -> memref<128xi32, #tpu.memory_space<vmem>>
      %dma_start3A_67 = arith.constant 0 : i32
      %dma_start3A_68 = arith.constant 0 : i32
      %dma_start3A_69 = tpu.memref_slice %arg3[%dma_start3A_67, %dma_start3A_68] : memref<16384x128xf32, #tpu.memory_space<hbm>> -> memref<16384x128xf32, #tpu.memory_space<hbm>>
      tpu.enqueue_indirect_dma source(%dma_start3A_69 : memref<16384x128xf32, #tpu.memory_space<hbm>>) target(%arg13 : memref<128x128xf32, #tpu.memory_space<vmem>>) offsets(%dma_start3A_66 : memref<128xi32, #tpu.memory_space<vmem>>) semaphore(%arg17 : memref<!tpu.dma_semaphore, #tpu.memory_space<semaphore_mem>>)
      %mul3A_70 = arith.constant 4 : i32
      %mul3A_71 = arith.muli %while3A_39, %mul3A_70 : i32
      %add3A_72 = arith.constant 3 : i32
      %add3A_73 = arith.addi %mul3A_71, %add3A_72 : i32
      %mul3A_74 = arith.constant 128 : i32
      %mul3A_75 = arith.muli %add3A_73, %mul3A_74 : i32
      %dma_start3A_76 = tpu.memref_slice %arg8[%mul3A_75] : memref<4096xi32, #tpu.memory_space<vmem>> -> memref<128xi32, #tpu.memory_space<vmem>>
      %dma_start3A_77 = arith.constant 0 : i32
      %dma_start3A_78 = arith.constant 0 : i32
      %dma_start3A_79 = tpu.memref_slice %arg3[%dma_start3A_77, %dma_start3A_78] : memref<16384x128xf32, #tpu.memory_space<hbm>> -> memref<16384x128xf32, #tpu.memory_space<hbm>>
      tpu.enqueue_indirect_dma source(%dma_start3A_79 : memref<16384x128xf32, #tpu.memory_space<hbm>>) target(%arg14 : memref<128x128xf32, #tpu.memory_space<vmem>>) offsets(%dma_start3A_76 : memref<128xi32, #tpu.memory_space<vmem>>) semaphore(%arg18 : memref<!tpu.dma_semaphore, #tpu.memory_space<semaphore_mem>>)
      %dma_wait3A = tpu.memref_slice %arg8[%mul3A_46] : memref<4096xi32, #tpu.memory_space<vmem>> -> memref<128xi32, #tpu.memory_space<vmem>>
      %dma_wait3A_80 = arith.constant 0 : i32
      %dma_wait3A_81 = arith.constant 0 : i32
      %dma_wait3A_82 = tpu.memref_slice %arg3[%dma_wait3A_80, %dma_wait3A_81] : memref<16384x128xf32, #tpu.memory_space<hbm>> -> memref<16384x128xf32, #tpu.memory_space<hbm>>
      tpu.wait_indirect_dma semaphore(%arg15 : memref<!tpu.dma_semaphore, #tpu.memory_space<semaphore_mem>>) src(%dma_wait3A_82 : memref<16384x128xf32, #tpu.memory_space<hbm>>) dst(%arg11 : memref<128x128xf32, #tpu.memory_space<vmem>>)
      %mul3A_83 = arith.constant 4 : i32
      %mul3A_84 = arith.muli %while3A_39, %mul3A_83 : i32
      %add3A_85 = arith.constant 0 : i32
      %add3A_86 = arith.addi %mul3A_84, %add3A_85 : i32
      %dma_start3A_87 = arith.constant 0 : i32
      %dma_start3A_88 = tpu.memref_slice %arg9[%add3A_86, %dma_start3A_87] : memref<32x128xi32, #tpu.memory_space<vmem>> -> memref<1x128xi32, #tpu.memory_space<vmem>>
      %dma_start3A_89 = tpu.memref_squeeze %dma_start3A_88 : memref<1x128xi32, #tpu.memory_space<vmem>> -> memref<128xi32, #tpu.memory_space<vmem>>
      %dma_start3A_90 = arith.constant 0 : i32
      %dma_start3A_91 = arith.constant 0 : i32
      %dma_start3A_92 = tpu.memref_slice %arg7[%dma_start3A_90, %dma_start3A_91] : memref<100000x128xf32, #tpu.memory_space<hbm>> -> memref<100000x128xf32, #tpu.memory_space<hbm>>
      tpu.enqueue_indirect_dma source(%arg11 : memref<128x128xf32, #tpu.memory_space<vmem>>) target(%dma_start3A_92 : memref<100000x128xf32, #tpu.memory_space<hbm>>) offsets(%dma_start3A_89 : memref<128xi32, #tpu.memory_space<vmem>>) semaphore(%arg19 : memref<!tpu.dma_semaphore, #tpu.memory_space<semaphore_mem>>)
      %dma_wait3A_93 = tpu.memref_slice %arg8[%mul3A_55] : memref<4096xi32, #tpu.memory_space<vmem>> -> memref<128xi32, #tpu.memory_space<vmem>>
      %dma_wait3A_94 = arith.constant 0 : i32
      %dma_wait3A_95 = arith.constant 0 : i32
      %dma_wait3A_96 = tpu.memref_slice %arg3[%dma_wait3A_94, %dma_wait3A_95] : memref<16384x128xf32, #tpu.memory_space<hbm>> -> memref<16384x128xf32, #tpu.memory_space<hbm>>
      tpu.wait_indirect_dma semaphore(%arg16 : memref<!tpu.dma_semaphore, #tpu.memory_space<semaphore_mem>>) src(%dma_wait3A_96 : memref<16384x128xf32, #tpu.memory_space<hbm>>) dst(%arg12 : memref<128x128xf32, #tpu.memory_space<vmem>>)
      %mul3A_97 = arith.constant 4 : i32
      %mul3A_98 = arith.muli %while3A_39, %mul3A_97 : i32
      %add3A_99 = arith.constant 1 : i32
      %add3A_100 = arith.addi %mul3A_98, %add3A_99 : i32
      %dma_start3A_101 = arith.constant 0 : i32
      %dma_start3A_102 = tpu.memref_slice %arg9[%add3A_100, %dma_start3A_101] : memref<32x128xi32, #tpu.memory_space<vmem>> -> memref<1x128xi32, #tpu.memory_space<vmem>>
      %dma_start3A_103 = tpu.memref_squeeze %dma_start3A_102 : memref<1x128xi32, #tpu.memory_space<vmem>> -> memref<128xi32, #tpu.memory_space<vmem>>
      %dma_start3A_104 = arith.constant 0 : i32
      %dma_start3A_105 = arith.constant 0 : i32
      %dma_start3A_106 = tpu.memref_slice %arg7[%dma_start3A_104, %dma_start3A_105] : memref<100000x128xf32, #tpu.memory_space<hbm>> -> memref<100000x128xf32, #tpu.memory_space<hbm>>
      tpu.enqueue_indirect_dma source(%arg12 : memref<128x128xf32, #tpu.memory_space<vmem>>) target(%dma_start3A_106 : memref<100000x128xf32, #tpu.memory_space<hbm>>) offsets(%dma_start3A_103 : memref<128xi32, #tpu.memory_space<vmem>>) semaphore(%arg19 : memref<!tpu.dma_semaphore, #tpu.memory_space<semaphore_mem>>)
      %dma_wait3A_107 = tpu.memref_slice %arg8[%mul3A_65] : memref<4096xi32, #tpu.memory_space<vmem>> -> memref<128xi32, #tpu.memory_space<vmem>>
      %dma_wait3A_108 = arith.constant 0 : i32
      %dma_wait3A_109 = arith.constant 0 : i32
      %dma_wait3A_110 = tpu.memref_slice %arg3[%dma_wait3A_108, %dma_wait3A_109] : memref<16384x128xf32, #tpu.memory_space<hbm>> -> memref<16384x128xf32, #tpu.memory_space<hbm>>
      tpu.wait_indirect_dma semaphore(%arg17 : memref<!tpu.dma_semaphore, #tpu.memory_space<semaphore_mem>>) src(%dma_wait3A_110 : memref<16384x128xf32, #tpu.memory_space<hbm>>) dst(%arg13 : memref<128x128xf32, #tpu.memory_space<vmem>>)
      %mul3A_111 = arith.constant 4 : i32
      %mul3A_112 = arith.muli %while3A_39, %mul3A_111 : i32
      %add3A_113 = arith.constant 2 : i32
      %add3A_114 = arith.addi %mul3A_112, %add3A_113 : i32
      %dma_start3A_115 = arith.constant 0 : i32
      %dma_start3A_116 = tpu.memref_slice %arg9[%add3A_114, %dma_start3A_115] : memref<32x128xi32, #tpu.memory_space<vmem>> -> memref<1x128xi32, #tpu.memory_space<vmem>>
      %dma_start3A_117 = tpu.memref_squeeze %dma_start3A_116 : memref<1x128xi32, #tpu.memory_space<vmem>> -> memref<128xi32, #tpu.memory_space<vmem>>
      %dma_start3A_118 = arith.constant 0 : i32
      %dma_start3A_119 = arith.constant 0 : i32
      %dma_start3A_120 = tpu.memref_slice %arg7[%dma_start3A_118, %dma_start3A_119] : memref<100000x128xf32, #tpu.memory_space<hbm>> -> memref<100000x128xf32, #tpu.memory_space<hbm>>
      tpu.enqueue_indirect_dma source(%arg13 : memref<128x128xf32, #tpu.memory_space<vmem>>) target(%dma_start3A_120 : memref<100000x128xf32, #tpu.memory_space<hbm>>) offsets(%dma_start3A_117 : memref<128xi32, #tpu.memory_space<vmem>>) semaphore(%arg19 : memref<!tpu.dma_semaphore, #tpu.memory_space<semaphore_mem>>)
      %dma_wait3A_121 = tpu.memref_slice %arg8[%mul3A_75] : memref<4096xi32, #tpu.memory_space<vmem>> -> memref<128xi32, #tpu.memory_space<vmem>>
      %dma_wait3A_122 = arith.constant 0 : i32
      %dma_wait3A_123 = arith.constant 0 : i32
      %dma_wait3A_124 = tpu.memref_slice %arg3[%dma_wait3A_122, %dma_wait3A_123] : memref<16384x128xf32, #tpu.memory_space<hbm>> -> memref<16384x128xf32, #tpu.memory_space<hbm>>
      tpu.wait_indirect_dma semaphore(%arg18 : memref<!tpu.dma_semaphore, #tpu.memory_space<semaphore_mem>>) src(%dma_wait3A_124 : memref<16384x128xf32, #tpu.memory_space<hbm>>) dst(%arg14 : memref<128x128xf32, #tpu.memory_space<vmem>>)
      %mul3A_125 = arith.constant 4 : i32
      %mul3A_126 = arith.muli %while3A_39, %mul3A_125 : i32
      %add3A_127 = arith.constant 3 : i32
      %add3A_128 = arith.addi %mul3A_126, %add3A_127 : i32
      %dma_start3A_129 = arith.constant 0 : i32
      %dma_start3A_130 = tpu.memref_slice %arg9[%add3A_128, %dma_start3A_129] : memref<32x128xi32, #tpu.memory_space<vmem>> -> memref<1x128xi32, #tpu.memory_space<vmem>>
      %dma_start3A_131 = tpu.memref_squeeze %dma_start3A_130 : memref<1x128xi32, #tpu.memory_space<vmem>> -> memref<128xi32, #tpu.memory_space<vmem>>
      %dma_start3A_132 = arith.constant 0 : i32
      %dma_start3A_133 = arith.constant 0 : i32
      %dma_start3A_134 = tpu.memref_slice %arg7[%dma_start3A_132, %dma_start3A_133] : memref<100000x128xf32, #tpu.memory_space<hbm>> -> memref<100000x128xf32, #tpu.memory_space<hbm>>
      tpu.enqueue_indirect_dma source(%arg14 : memref<128x128xf32, #tpu.memory_space<vmem>>) target(%dma_start3A_134 : memref<100000x128xf32, #tpu.memory_space<hbm>>) offsets(%dma_start3A_131 : memref<128xi32, #tpu.memory_space<vmem>>) semaphore(%arg19 : memref<!tpu.dma_semaphore, #tpu.memory_space<semaphore_mem>>)
      %dma_wait3A_135 = arith.constant 0 : i32
      %dma_wait3A_136 = tpu.memref_slice %arg9[%add3A_86, %dma_wait3A_135] : memref<32x128xi32, #tpu.memory_space<vmem>> -> memref<1x128xi32, #tpu.memory_space<vmem>>
      %dma_wait3A_137 = tpu.memref_squeeze %dma_wait3A_136 : memref<1x128xi32, #tpu.memory_space<vmem>> -> memref<128xi32, #tpu.memory_space<vmem>>
      %dma_wait3A_138 = arith.constant 0 : i32
      %dma_wait3A_139 = arith.constant 0 : i32
      %dma_wait3A_140 = tpu.memref_slice %arg7[%dma_wait3A_138, %dma_wait3A_139] : memref<100000x128xf32, #tpu.memory_space<hbm>> -> memref<100000x128xf32, #tpu.memory_space<hbm>>
      tpu.wait_indirect_dma semaphore(%arg19 : memref<!tpu.dma_semaphore, #tpu.memory_space<semaphore_mem>>) src(%arg11 : memref<128x128xf32, #tpu.memory_space<vmem>>) dst(%dma_wait3A_140 : memref<100000x128xf32, #tpu.memory_space<hbm>>)
      %dma_wait3A_141 = arith.constant 0 : i32
      %dma_wait3A_142 = tpu.memref_slice %arg9[%add3A_100, %dma_wait3A_141] : memref<32x128xi32, #tpu.memory_space<vmem>> -> memref<1x128xi32, #tpu.memory_space<vmem>>
      %dma_wait3A_143 = tpu.memref_squeeze %dma_wait3A_142 : memref<1x128xi32, #tpu.memory_space<vmem>> -> memref<128xi32, #tpu.memory_space<vmem>>
      %dma_wait3A_144 = arith.constant 0 : i32
      %dma_wait3A_145 = arith.constant 0 : i32
      %dma_wait3A_146 = tpu.memref_slice %arg7[%dma_wait3A_144, %dma_wait3A_145] : memref<100000x128xf32, #tpu.memory_space<hbm>> -> memref<100000x128xf32, #tpu.memory_space<hbm>>
      tpu.wait_indirect_dma semaphore(%arg19 : memref<!tpu.dma_semaphore, #tpu.memory_space<semaphore_mem>>) src(%arg12 : memref<128x128xf32, #tpu.memory_space<vmem>>) dst(%dma_wait3A_146 : memref<100000x128xf32, #tpu.memory_space<hbm>>)
      %dma_wait3A_147 = arith.constant 0 : i32
      %dma_wait3A_148 = tpu.memref_slice %arg9[%add3A_114, %dma_wait3A_147] : memref<32x128xi32, #tpu.memory_space<vmem>> -> memref<1x128xi32, #tpu.memory_space<vmem>>
      %dma_wait3A_149 = tpu.memref_squeeze %dma_wait3A_148 : memref<1x128xi32, #tpu.memory_space<vmem>> -> memref<128xi32, #tpu.memory_space<vmem>>
      %dma_wait3A_150 = arith.constant 0 : i32
      %dma_wait3A_151 = arith.constant 0 : i32
      %dma_wait3A_152 = tpu.memref_slice %arg7[%dma_wait3A_150, %dma_wait3A_151] : memref<100000x128xf32, #tpu.memory_space<hbm>> -> memref<100000x128xf32, #tpu.memory_space<hbm>>
      tpu.wait_indirect_dma semaphore(%arg19 : memref<!tpu.dma_semaphore, #tpu.memory_space<semaphore_mem>>) src(%arg13 : memref<128x128xf32, #tpu.memory_space<vmem>>) dst(%dma_wait3A_152 : memref<100000x128xf32, #tpu.memory_space<hbm>>)
      %dma_wait3A_153 = arith.constant 0 : i32
      %dma_wait3A_154 = tpu.memref_slice %arg9[%add3A_128, %dma_wait3A_153] : memref<32x128xi32, #tpu.memory_space<vmem>> -> memref<1x128xi32, #tpu.memory_space<vmem>>
      %dma_wait3A_155 = tpu.memref_squeeze %dma_wait3A_154 : memref<1x128xi32, #tpu.memory_space<vmem>> -> memref<128xi32, #tpu.memory_space<vmem>>
      %dma_wait3A_156 = arith.constant 0 : i32
      %dma_wait3A_157 = arith.constant 0 : i32
      %dma_wait3A_158 = tpu.memref_slice %arg7[%dma_wait3A_156, %dma_wait3A_157] : memref<100000x128xf32, #tpu.memory_space<hbm>> -> memref<100000x128xf32, #tpu.memory_space<hbm>>
      tpu.wait_indirect_dma semaphore(%arg19 : memref<!tpu.dma_semaphore, #tpu.memory_space<semaphore_mem>>) src(%arg14 : memref<128x128xf32, #tpu.memory_space<vmem>>) dst(%dma_wait3A_158 : memref<100000x128xf32, #tpu.memory_space<hbm>>)
      %while3A_159 = arith.constant 0 : i32
      scf.yield %while3A_159 : i32
    }
    %while3A_37 = arith.constant 1 : i32
    %while3A_38 = scf.for %while3A_39 = %while3A_34 to %while3A_30 step %while3A_37 iter_args(%while3A_40 = %while3A_36) -> (i32)  : i32 {
      %mul3A_41 = arith.constant 4 : i32
      %mul3A_42 = arith.muli %while3A_39, %mul3A_41 : i32
      %add3A_43 = arith.constant 0 : i32
      %add3A_44 = arith.addi %mul3A_42, %add3A_43 : i32
      %mul3A_45 = arith.constant 128 : i32
      %mul3A_46 = arith.muli %add3A_44, %mul3A_45 : i32
      %dma_start3A = tpu.memref_slice %arg8[%mul3A_46] : memref<4096xi32, #tpu.memory_space<vmem>> -> memref<128xi32, #tpu.memory_space<vmem>>
      %dma_start3A_47 = arith.constant 0 : i32
      %dma_start3A_48 = arith.constant 0 : i32
      %dma_start3A_49 = tpu.memref_slice %arg3[%dma_start3A_47, %dma_start3A_48] : memref<16384x128xf32, #tpu.memory_space<hbm>> -> memref<16384x128xf32, #tpu.memory_space<hbm>>
      tpu.enqueue_indirect_dma source(%dma_start3A_49 : memref<16384x128xf32, #tpu.memory_space<hbm>>) target(%arg11 : memref<128x128xf32, #tpu.memory_space<vmem>>) offsets(%dma_start3A : memref<128xi32, #tpu.memory_space<vmem>>) semaphore(%arg15 : memref<!tpu.dma_semaphore, #tpu.memory_space<semaphore_mem>>)
      %mul3A_50 = arith.constant 4 : i32
      %mul3A_51 = arith.muli %while3A_39, %mul3A_50 : i32
      %add3A_52 = arith.constant 1 : i32
      %add3A_53 = arith.addi %mul3A_51, %add3A_52 : i32
      %mul3A_54 = arith.constant 128 : i32
      %mul3A_55 = arith.muli %add3A_53, %mul3A_54 : i32
      %dma_start3A_56 = tpu.memref_slice %arg8[%mul3A_55] : memref<4096xi32, #tpu.memory_space<vmem>> -> memref<128xi32, #tpu.memory_space<vmem>>
      %dma_start3A_57 = arith.constant 0 : i32
      %dma_start3A_58 = arith.constant 0 : i32
      %dma_start3A_59 = tpu.memref_slice %arg3[%dma_start3A_57, %dma_start3A_58] : memref<16384x128xf32, #tpu.memory_space<hbm>> -> memref<16384x128xf32, #tpu.memory_space<hbm>>
      tpu.enqueue_indirect_dma source(%dma_start3A_59 : memref<16384x128xf32, #tpu.memory_space<hbm>>) target(%arg12 : memref<128x128xf32, #tpu.memory_space<vmem>>) offsets(%dma_start3A_56 : memref<128xi32, #tpu.memory_space<vmem>>) semaphore(%arg16 : memref<!tpu.dma_semaphore, #tpu.memory_space<semaphore_mem>>)
      %mul3A_60 = arith.constant 4 : i32
      %mul3A_61 = arith.muli %while3A_39, %mul3A_60 : i32
      %add3A_62 = arith.constant 2 : i32
      %add3A_63 = arith.addi %mul3A_61, %add3A_62 : i32
      %mul3A_64 = arith.constant 128 : i32
      %mul3A_65 = arith.muli %add3A_63, %mul3A_64 : i32
      %dma_start3A_66 = tpu.memref_slice %arg8[%mul3A_65] : memref<4096xi32, #tpu.memory_space<vmem>> -> memref<128xi32, #tpu.memory_space<vmem>>
      %dma_start3A_67 = arith.constant 0 : i32
      %dma_start3A_68 = arith.constant 0 : i32
      %dma_start3A_69 = tpu.memref_slice %arg3[%dma_start3A_67, %dma_start3A_68] : memref<16384x128xf32, #tpu.memory_space<hbm>> -> memref<16384x128xf32, #tpu.memory_space<hbm>>
      tpu.enqueue_indirect_dma source(%dma_start3A_69 : memref<16384x128xf32, #tpu.memory_space<hbm>>) target(%arg13 : memref<128x128xf32, #tpu.memory_space<vmem>>) offsets(%dma_start3A_66 : memref<128xi32, #tpu.memory_space<vmem>>) semaphore(%arg17 : memref<!tpu.dma_semaphore, #tpu.memory_space<semaphore_mem>>)
      %mul3A_70 = arith.constant 4 : i32
      %mul3A_71 = arith.muli %while3A_39, %mul3A_70 : i32
      %add3A_72 = arith.constant 3 : i32
      %add3A_73 = arith.addi %mul3A_71, %add3A_72 : i32
      %mul3A_74 = arith.constant 128 : i32
      %mul3A_75 = arith.muli %add3A_73, %mul3A_74 : i32
      %dma_start3A_76 = tpu.memref_slice %arg8[%mul3A_75] : memref<4096xi32, #tpu.memory_space<vmem>> -> memref<128xi32, #tpu.memory_space<vmem>>
      %dma_start3A_77 = arith.constant 0 : i32
      %dma_start3A_78 = arith.constant 0 : i32
      %dma_start3A_79 = tpu.memref_slice %arg3[%dma_start3A_77, %dma_start3A_78] : memref<16384x128xf32, #tpu.memory_space<hbm>> -> memref<16384x128xf32, #tpu.memory_space<hbm>>
      tpu.enqueue_indirect_dma source(%dma_start3A_79 : memref<16384x128xf32, #tpu.memory_space<hbm>>) target(%arg14 : memref<128x128xf32, #tpu.memory_space<vmem>>) offsets(%dma_start3A_76 : memref<128xi32, #tpu.memory_space<vmem>>) semaphore(%arg18 : memref<!tpu.dma_semaphore, #tpu.memory_space<semaphore_mem>>)
      %dma_wait3A = tpu.memref_slice %arg8[%mul3A_46] : memref<4096xi32, #tpu.memory_space<vmem>> -> memref<128xi32, #tpu.memory_space<vmem>>
      %dma_wait3A_80 = arith.constant 0 : i32
      %dma_wait3A_81 = arith.constant 0 : i32
      %dma_wait3A_82 = tpu.memref_slice %arg3[%dma_wait3A_80, %dma_wait3A_81] : memref<16384x128xf32, #tpu.memory_space<hbm>> -> memref<16384x128xf32, #tpu.memory_space<hbm>>
      tpu.wait_indirect_dma semaphore(%arg15 : memref<!tpu.dma_semaphore, #tpu.memory_space<semaphore_mem>>) src(%dma_wait3A_82 : memref<16384x128xf32, #tpu.memory_space<hbm>>) dst(%arg11 : memref<128x128xf32, #tpu.memory_space<vmem>>)
      %mul3A_83 = arith.constant 4 : i32
      %mul3A_84 = arith.muli %while3A_39, %mul3A_83 : i32
      %add3A_85 = arith.constant 0 : i32
      %add3A_86 = arith.addi %mul3A_84, %add3A_85 : i32
      %dma_start3A_87 = arith.constant 0 : i32
      %dma_start3A_88 = tpu.memref_slice %arg9[%add3A_86, %dma_start3A_87] : memref<32x128xi32, #tpu.memory_space<vmem>> -> memref<1x128xi32, #tpu.memory_space<vmem>>
      %dma_start3A_89 = tpu.memref_squeeze %dma_start3A_88 : memref<1x128xi32, #tpu.memory_space<vmem>> -> memref<128xi32, #tpu.memory_space<vmem>>
      %dma_start3A_90 = arith.constant 0 : i32
      %dma_start3A_91 = arith.constant 0 : i32
      %dma_start3A_92 = tpu.memref_slice %arg7[%dma_start3A_90, %dma_start3A_91] : memref<100000x128xf32, #tpu.memory_space<hbm>> -> memref<100000x128xf32, #tpu.memory_space<hbm>>
      tpu.enqueue_indirect_dma source(%arg11 : memref<128x128xf32, #tpu.memory_space<vmem>>) target(%dma_start3A_92 : memref<100000x128xf32, #tpu.memory_space<hbm>>) offsets(%dma_start3A_89 : memref<128xi32, #tpu.memory_space<vmem>>) semaphore(%arg19 : memref<!tpu.dma_semaphore, #tpu.memory_space<semaphore_mem>>)
      %dma_wait3A_93 = tpu.memref_slice %arg8[%mul3A_55] : memref<4096xi32, #tpu.memory_space<vmem>> -> memref<128xi32, #tpu.memory_space<vmem>>
      %dma_wait3A_94 = arith.constant 0 : i32
      %dma_wait3A_95 = arith.constant 0 : i32
      %dma_wait3A_96 = tpu.memref_slice %arg3[%dma_wait3A_94, %dma_wait3A_95] : memref<16384x128xf32, #tpu.memory_space<hbm>> -> memref<16384x128xf32, #tpu.memory_space<hbm>>
      tpu.wait_indirect_dma semaphore(%arg16 : memref<!tpu.dma_semaphore, #tpu.memory_space<semaphore_mem>>) src(%dma_wait3A_96 : memref<16384x128xf32, #tpu.memory_space<hbm>>) dst(%arg12 : memref<128x128xf32, #tpu.memory_space<vmem>>)
      %mul3A_97 = arith.constant 4 : i32
      %mul3A_98 = arith.muli %while3A_39, %mul3A_97 : i32
      %add3A_99 = arith.constant 1 : i32
      %add3A_100 = arith.addi %mul3A_98, %add3A_99 : i32
      %dma_start3A_101 = arith.constant 0 : i32
      %dma_start3A_102 = tpu.memref_slice %arg9[%add3A_100, %dma_start3A_101] : memref<32x128xi32, #tpu.memory_space<vmem>> -> memref<1x128xi32, #tpu.memory_space<vmem>>
      %dma_start3A_103 = tpu.memref_squeeze %dma_start3A_102 : memref<1x128xi32, #tpu.memory_space<vmem>> -> memref<128xi32, #tpu.memory_space<vmem>>
      %dma_start3A_104 = arith.constant 0 : i32
      %dma_start3A_105 = arith.constant 0 : i32
      %dma_start3A_106 = tpu.memref_slice %arg7[%dma_start3A_104, %dma_start3A_105] : memref<100000x128xf32, #tpu.memory_space<hbm>> -> memref<100000x128xf32, #tpu.memory_space<hbm>>
      tpu.enqueue_indirect_dma source(%arg12 : memref<128x128xf32, #tpu.memory_space<vmem>>) target(%dma_start3A_106 : memref<100000x128xf32, #tpu.memory_space<hbm>>) offsets(%dma_start3A_103 : memref<128xi32, #tpu.memory_space<vmem>>) semaphore(%arg19 : memref<!tpu.dma_semaphore, #tpu.memory_space<semaphore_mem>>)
      %dma_wait3A_107 = tpu.memref_slice %arg8[%mul3A_65] : memref<4096xi32, #tpu.memory_space<vmem>> -> memref<128xi32, #tpu.memory_space<vmem>>
      %dma_wait3A_108 = arith.constant 0 : i32
      %dma_wait3A_109 = arith.constant 0 : i32
      %dma_wait3A_110 = tpu.memref_slice %arg3[%dma_wait3A_108, %dma_wait3A_109] : memref<16384x128xf32, #tpu.memory_space<hbm>> -> memref<16384x128xf32, #tpu.memory_space<hbm>>
      tpu.wait_indirect_dma semaphore(%arg17 : memref<!tpu.dma_semaphore, #tpu.memory_space<semaphore_mem>>) src(%dma_wait3A_110 : memref<16384x128xf32, #tpu.memory_space<hbm>>) dst(%arg13 : memref<128x128xf32, #tpu.memory_space<vmem>>)
      %mul3A_111 = arith.constant 4 : i32
      %mul3A_112 = arith.muli %while3A_39, %mul3A_111 : i32
      %add3A_113 = arith.constant 2 : i32
      %add3A_114 = arith.addi %mul3A_112, %add3A_113 : i32
      %dma_start3A_115 = arith.constant 0 : i32
      %dma_start3A_116 = tpu.memref_slice %arg9[%add3A_114, %dma_start3A_115] : memref<32x128xi32, #tpu.memory_space<vmem>> -> memref<1x128xi32, #tpu.memory_space<vmem>>
      %dma_start3A_117 = tpu.memref_squeeze %dma_start3A_116 : memref<1x128xi32, #tpu.memory_space<vmem>> -> memref<128xi32, #tpu.memory_space<vmem>>
      %dma_start3A_118 = arith.constant 0 : i32
      %dma_start3A_119 = arith.constant 0 : i32
      %dma_start3A_120 = tpu.memref_slice %arg7[%dma_start3A_118, %dma_start3A_119] : memref<100000x128xf32, #tpu.memory_space<hbm>> -> memref<100000x128xf32, #tpu.memory_space<hbm>>
      tpu.enqueue_indirect_dma source(%arg13 : memref<128x128xf32, #tpu.memory_space<vmem>>) target(%dma_start3A_120 : memref<100000x128xf32, #tpu.memory_space<hbm>>) offsets(%dma_start3A_117 : memref<128xi32, #tpu.memory_space<vmem>>) semaphore(%arg19 : memref<!tpu.dma_semaphore, #tpu.memory_space<semaphore_mem>>)
      %dma_wait3A_121 = tpu.memref_slice %arg8[%mul3A_75] : memref<4096xi32, #tpu.memory_space<vmem>> -> memref<128xi32, #tpu.memory_space<vmem>>
      %dma_wait3A_122 = arith.constant 0 : i32
      %dma_wait3A_123 = arith.constant 0 : i32
      %dma_wait3A_124 = tpu.memref_slice %arg3[%dma_wait3A_122, %dma_wait3A_123] : memref<16384x128xf32, #tpu.memory_space<hbm>> -> memref<16384x128xf32, #tpu.memory_space<hbm>>
      tpu.wait_indirect_dma semaphore(%arg18 : memref<!tpu.dma_semaphore, #tpu.memory_space<semaphore_mem>>) src(%dma_wait3A_124 : memref<16384x128xf32, #tpu.memory_space<hbm>>) dst(%arg14 : memref<128x128xf32, #tpu.memory_space<vmem>>)
      %mul3A_125 = arith.constant 4 : i32
      %mul3A_126 = arith.muli %while3A_39, %mul3A_125 : i32
      %add3A_127 = arith.constant 3 : i32
      %add3A_128 = arith.addi %mul3A_126, %add3A_127 : i32
      %dma_start3A_129 = arith.constant 0 : i32
      %dma_start3A_130 = tpu.memref_slice %arg9[%add3A_128, %dma_start3A_129] : memref<32x128xi32, #tpu.memory_space<vmem>> -> memref<1x128xi32, #tpu.memory_space<vmem>>
      %dma_start3A_131 = tpu.memref_squeeze %dma_start3A_130 : memref<1x128xi32, #tpu.memory_space<vmem>> -> memref<128xi32, #tpu.memory_space<vmem>>
      %dma_start3A_132 = arith.constant 0 : i32
      %dma_start3A_133 = arith.constant 0 : i32
      %dma_start3A_134 = tpu.memref_slice %arg7[%dma_start3A_132, %dma_start3A_133] : memref<100000x128xf32, #tpu.memory_space<hbm>> -> memref<100000x128xf32, #tpu.memory_space<hbm>>
      tpu.enqueue_indirect_dma source(%arg14 : memref<128x128xf32, #tpu.memory_space<vmem>>) target(%dma_start3A_134 : memref<100000x128xf32, #tpu.memory_space<hbm>>) offsets(%dma_start3A_131 : memref<128xi32, #tpu.memory_space<vmem>>) semaphore(%arg19 : memref<!tpu.dma_semaphore, #tpu.memory_space<semaphore_mem>>)
      %dma_wait3A_135 = arith.constant 0 : i32
      %dma_wait3A_136 = tpu.memref_slice %arg9[%add3A_86, %dma_wait3A_135] : memref<32x128xi32, #tpu.memory_space<vmem>> -> memref<1x128xi32, #tpu.memory_space<vmem>>
      %dma_wait3A_137 = tpu.memref_squeeze %dma_wait3A_136 : memref<1x128xi32, #tpu.memory_space<vmem>> -> memref<128xi32, #tpu.memory_space<vmem>>
      %dma_wait3A_138 = arith.constant 0 : i32
      %dma_wait3A_139 = arith.constant 0 : i32
      %dma_wait3A_140 = tpu.memref_slice %arg7[%dma_wait3A_138, %dma_wait3A_139] : memref<100000x128xf32, #tpu.memory_space<hbm>> -> memref<100000x128xf32, #tpu.memory_space<hbm>>
      tpu.wait_indirect_dma semaphore(%arg19 : memref<!tpu.dma_semaphore, #tpu.memory_space<semaphore_mem>>) src(%arg11 : memref<128x128xf32, #tpu.memory_space<vmem>>) dst(%dma_wait3A_140 : memref<100000x128xf32, #tpu.memory_space<hbm>>)
      %dma_wait3A_141 = arith.constant 0 : i32
      %dma_wait3A_142 = tpu.memref_slice %arg9[%add3A_100, %dma_wait3A_141] : memref<32x128xi32, #tpu.memory_space<vmem>> -> memref<1x128xi32, #tpu.memory_space<vmem>>
      %dma_wait3A_143 = tpu.memref_squeeze %dma_wait3A_142 : memref<1x128xi32, #tpu.memory_space<vmem>> -> memref<128xi32, #tpu.memory_space<vmem>>
      %dma_wait3A_144 = arith.constant 0 : i32
      %dma_wait3A_145 = arith.constant 0 : i32
      %dma_wait3A_146 = tpu.memref_slice %arg7[%dma_wait3A_144, %dma_wait3A_145] : memref<100000x128xf32, #tpu.memory_space<hbm>> -> memref<100000x128xf32, #tpu.memory_space<hbm>>
      tpu.wait_indirect_dma semaphore(%arg19 : memref<!tpu.dma_semaphore, #tpu.memory_space<semaphore_mem>>) src(%arg12 : memref<128x128xf32, #tpu.memory_space<vmem>>) dst(%dma_wait3A_146 : memref<100000x128xf32, #tpu.memory_space<hbm>>)
      %dma_wait3A_147 = arith.constant 0 : i32
      %dma_wait3A_148 = tpu.memref_slice %arg9[%add3A_114, %dma_wait3A_147] : memref<32x128xi32, #tpu.memory_space<vmem>> -> memref<1x128xi32, #tpu.memory_space<vmem>>
      %dma_wait3A_149 = tpu.memref_squeeze %dma_wait3A_148 : memref<1x128xi32, #tpu.memory_space<vmem>> -> memref<128xi32, #tpu.memory_space<vmem>>
      %dma_wait3A_150 = arith.constant 0 : i32
      %dma_wait3A_151 = arith.constant 0 : i32
      %dma_wait3A_152 = tpu.memref_slice %arg7[%dma_wait3A_150, %dma_wait3A_151] : memref<100000x128xf32, #tpu.memory_space<hbm>> -> memref<100000x128xf32, #tpu.memory_space<hbm>>
      tpu.wait_indirect_dma semaphore(%arg19 : memref<!tpu.dma_semaphore, #tpu.memory_space<semaphore_mem>>) src(%arg13 : memref<128x128xf32, #tpu.memory_space<vmem>>) dst(%dma_wait3A_152 : memref<100000x128xf32, #tpu.memory_space<hbm>>)
      %dma_wait3A_153 = arith.constant 0 : i32
      %dma_wait3A_154 = tpu.memref_slice %arg9[%add3A_128, %dma_wait3A_153] : memref<32x128xi32, #tpu.memory_space<vmem>> -> memref<1x128xi32, #tpu.memory_space<vmem>>
      %dma_wait3A_155 = tpu.memref_squeeze %dma_wait3A_154 : memref<1x128xi32, #tpu.memory_space<vmem>> -> memref<128xi32, #tpu.memory_space<vmem>>
      %dma_wait3A_156 = arith.constant 0 : i32
      %dma_wait3A_157 = arith.constant 0 : i32
      %dma_wait3A_158 = tpu.memref_slice %arg7[%dma_wait3A_156, %dma_wait3A_157] : memref<100000x128xf32, #tpu.memory_space<hbm>> -> memref<100000x128xf32, #tpu.memory_space<hbm>>
      tpu.wait_indirect_dma semaphore(%arg19 : memref<!tpu.dma_semaphore, #tpu.memory_space<semaphore_mem>>) src(%arg14 : memref<128x128xf32, #tpu.memory_space<vmem>>) dst(%dma_wait3A_158 : memref<100000x128xf32, #tpu.memory_space<hbm>>)
      %while3A_159 = arith.constant 0 : i32
      scf.yield %while3A_159 : i32
    }
    return
  }
}

module attributes {stable_mosaic.version = 14 : i64} {
  func.func @_kpad_body(%arg0: i32, %arg1: memref<64x5120xf32, #tpu.memory_space<vmem>>, %arg2: memref<5120x128xf32, #tpu.memory_space<vmem>>) attributes {dimension_semantics = [#tpu.dimension_semantics<arbitrary>], iteration_bounds = array<i64: 20>, scalar_prefetch = 0 : i64, scratch_operands = 0 : i64, tpu.core_type = #tpu.core_type<tc>, window_params = [{transform_indices = @transform_0, window_bounds = array<i64: 64, 5120>}, {transform_indices = @transform_1, window_bounds = array<i64: 5120, 128>}]} {
    %get3A = arith.constant 0 : index
    %get3A_0 = arith.constant 0 : index
    %get3A_1 = vector.load %arg1[%get3A, %get3A_0] : memref<64x5120xf32, #tpu.memory_space<vmem>>, vector<64x5120xf32>
    %transpose3A = tpu.transpose %get3A_1, [1, 0] : vector<64x5120xf32> -> vector<5120x64xf32>
    %swap3A = arith.constant 0 : index
    %swap3A_2 = arith.constant 0 : index
    %swap3A_3 = vector.load %arg2[%swap3A, %swap3A_2] : memref<5120x128xf32, #tpu.memory_space<vmem>>, vector<5120x64xf32>
    tpu.vector_store %arg2[%swap3A, %swap3A_2], %transpose3A {strides = array<i32>} : memref<5120x128xf32, #tpu.memory_space<vmem>>, vector<5120x64xf32>,
    %broadcast_in_dim3A = arith.constant 0.000000e+00 : f32
    %broadcast_in_dim3A_4 = vector.broadcast %broadcast_in_dim3A : f32 to vector<5120x64xf32>
    %swap3A_5 = arith.constant 0 : index
    %swap3A_6 = arith.constant 64 : index
    %swap3A_7 = vector.load %arg2[%swap3A_5, %swap3A_6] : memref<5120x128xf32, #tpu.memory_space<vmem>>, vector<5120x64xf32>
    tpu.vector_store %arg2[%swap3A_5, %swap3A_6], %broadcast_in_dim3A_4 {strides = array<i32>} : memref<5120x128xf32, #tpu.memory_space<vmem>>, vector<5120x64xf32>,
    return
  }
  func.func @transform_0(%arg0: i32) -> (i32, i32) {
    %c0_i32 = arith.constant 0 : i32
    %c0_i32_0 = arith.constant 0 : i32
    return %c0_i32, %arg0 : i32, i32
  }
  func.func @transform_1(%arg0: i32) -> (i32, i32) {
    %c0_i32 = arith.constant 0 : i32
    %c0_i32_0 = arith.constant 0 : i32
    return %arg0, %c0_i32 : i32, i32
  }
}

module attributes {stable_mosaic.version = 14 : i64} {
  func.func @_kout_body(%arg0: i32, %arg1: memref<5120x128xf32, #tpu.memory_space<vmem>>, %arg2: memref<64x5120xf32, #tpu.memory_space<vmem>>) attributes {dimension_semantics = [#tpu.dimension_semantics<arbitrary>], iteration_bounds = array<i64: 20>, scalar_prefetch = 0 : i64, scratch_operands = 0 : i64, tpu.core_type = #tpu.core_type<tc>, window_params = [{transform_indices = @transform_0, window_bounds = array<i64: 5120, 128>}, {transform_indices = @transform_1, window_bounds = array<i64: 64, 5120>}]} {
    %get3A = arith.constant 0 : index
    %get3A_0 = arith.constant 0 : index
    %get3A_1 = vector.load %arg1[%get3A, %get3A_0] : memref<5120x128xf32, #tpu.memory_space<vmem>>, vector<5120x128xf32>
    %slice3A = vector.extract_strided_slice %get3A_1 {offsets = [0, 0], sizes = [5120, 64], strides = [1, 1]} : vector<5120x128xf32> to vector<5120x64xf32>
    %transpose3A = tpu.transpose %slice3A, [1, 0] : vector<5120x64xf32> -> vector<64x5120xf32>
    %swap3A = arith.constant 0 : index
    %swap3A_2 = arith.constant 0 : index
    %swap3A_3 = vector.load %arg2[%swap3A, %swap3A_2] : memref<64x5120xf32, #tpu.memory_space<vmem>>, vector<64x5120xf32>
    tpu.vector_store %arg2[%swap3A, %swap3A_2], %transpose3A {strides = array<i32>} : memref<64x5120xf32, #tpu.memory_space<vmem>>, vector<64x5120xf32>,
    return
  }
  func.func @transform_0(%arg0: i32) -> (i32, i32) {
    %c0_i32 = arith.constant 0 : i32
    %c0_i32_0 = arith.constant 0 : i32
    return %arg0, %c0_i32 : i32, i32
  }
  func.func @transform_1(%arg0: i32) -> (i32, i32) {
    %c0_i32 = arith.constant 0 : i32
    %c0_i32_0 = arith.constant 0 : i32
    return %c0_i32, %arg0 : i32, i32
  }
}

module attributes {stable_mosaic.version = 14 : i64} {
  func.func @_k2_body(%arg0: i32, %arg1: memref<2048x128xf32, #tpu.memory_space<vmem>>, %arg2: memref<2048x1xf32, #tpu.memory_space<vmem>>, %arg3: memref<2048x128xf32, #tpu.memory_space<vmem>>, %arg4: memref<64x130xf32, #tpu.memory_space<vmem>>, %arg5: memref<1x64xf32, #tpu.memory_space<vmem>>, %arg6: memref<1x64xf32, #tpu.memory_space<vmem>>, %arg7: memref<1x64xf32, #tpu.memory_space<vmem>>, %arg8: memref<1x1xf32, #tpu.memory_space<vmem>>, %arg9: memref<1x64xf32, #tpu.memory_space<vmem>>, %arg10: memref<64x64xf32, #tpu.memory_space<vmem>>, %arg11: memref<1x64xf32, #tpu.memory_space<vmem>>, %arg12: memref<2048x128xf32, #tpu.memory_space<vmem>>) attributes {dimension_semantics = [#tpu.dimension_semantics<arbitrary>], iteration_bounds = array<i64: 8>, scalar_prefetch = 0 : i64, scratch_operands = 0 : i64, tpu.core_type = #tpu.core_type<tc>, window_params = [{transform_indices = @transform_0, window_bounds = array<i64: 2048, 128>}, {transform_indices = @transform_1, window_bounds = array<i64: 2048, 1>}, {transform_indices = @transform_2, window_bounds = array<i64: 2048, 128>}, {pipeline_mode = #tpu.pipeline_mode<synchronous>, transform_indices = @transform_3, window_bounds = array<i64: 64, 130>}, {pipeline_mode = #tpu.pipeline_mode<synchronous>, transform_indices = @transform_4, window_bounds = array<i64: 1, 64>}, {pipeline_mode = #tpu.pipeline_mode<synchronous>, transform_indices = @transform_5, window_bounds = array<i64: 1, 64>}, {pipeline_mode = #tpu.pipeline_mode<synchronous>, transform_indices = @transform_6, window_bounds = array<i64: 1, 64>}, {pipeline_mode = #tpu.pipeline_mode<synchronous>, transform_indices = @transform_7, window_bounds = array<i64: 1, 1>}, {pipeline_mode = #tpu.pipeline_mode<synchronous>, transform_indices = @transform_8, window_bounds = array<i64: 1, 64>}, {pipeline_mode = #tpu.pipeline_mode<synchronous>, transform_indices = @transform_9, window_bounds = array<i64: 64, 64>}, {pipeline_mode = #tpu.pipeline_mode<synchronous>, transform_indices = @transform_10, window_bounds = array<i64: 1, 64>}, {transform_indices = @transform_11, window_bounds = array<i64: 2048, 128>}]} {
    %get3A = arith.constant 0 : index
    %get3A_0 = arith.constant 0 : index
    %get3A_1 = vector.load %arg1[%get3A, %get3A_0] : memref<2048x128xf32, #tpu.memory_space<vmem>>, vector<2048x128xf32>
    %get3A_2 = arith.constant 0 : index
    %get3A_3 = arith.constant 0 : index
    %get3A_4 = vector.load %arg3[%get3A_2, %get3A_3] : memref<2048x128xf32, #tpu.memory_space<vmem>>, vector<2048x128xf32>
    %slice3A = vector.extract_strided_slice %get3A_4 {offsets = [0, 0], sizes = [2048, 64], strides = [1, 1]} : vector<2048x128xf32> to vector<2048x64xf32>
    %get3A_5 = arith.constant 0 : index
    %get3A_6 = arith.constant 0 : index
    %get3A_7 = vector.load %arg4[%get3A_5, %get3A_6] : memref<64x130xf32, #tpu.memory_space<vmem>>, vector<64x130xf32>
    %slice3A_8 = vector.extract_strided_slice %get3A_7 {offsets = [0, 0], sizes = [64, 128], strides = [1, 1]} : vector<64x130xf32> to vector<64x128xf32>
    %dot_general3A = arith.constant dense<0.000000e+00> : vector<2048x64xf32>
    %dot_general3A_9 = tpu.matmul %get3A_1, %slice3A_8, %dot_general3A {dimension_numbers = #tpu.dot_dimension_numbers<[1], [1], [0], [0], [0, 0, 1, 0], [], []>, transpose_lhs_hint = false} : vector<2048x128xf32>, vector<64x128xf32>, vector<2048x64xf32> -> vector<2048x64xf32>
    %get3A_10 = arith.constant 0 : index
    %get3A_11 = arith.constant 0 : index
    %get3A_12 = vector.load %arg5[%get3A_10, %get3A_11] : memref<1x64xf32, #tpu.memory_space<vmem>>, vector<1x64xf32>
    %add3A = vector.broadcast %get3A_12 : vector<1x64xf32> to vector<2048x64xf32>
    %add3A_13 = arith.addf %dot_general3A_9, %add3A : vector<2048x64xf32>
    %get3A_14 = arith.constant 0 : index
    %get3A_15 = arith.constant 0 : index
    %get3A_16 = vector.load %arg10[%get3A_14, %get3A_15] : memref<64x64xf32, #tpu.memory_space<vmem>>, vector<64x64xf32>
    %dot_general3A_17 = arith.constant dense<0.000000e+00> : vector<2048x64xf32>
    %dot_general3A_18 = tpu.matmul %add3A_13, %get3A_16, %dot_general3A_17 {dimension_numbers = #tpu.dot_dimension_numbers<[1], [1], [0], [0], [0, 0, 1, 0], [], []>, transpose_lhs_hint = false} : vector<2048x64xf32>, vector<64x64xf32>, vector<2048x64xf32> -> vector<2048x64xf32>
    %get3A_19 = arith.constant 0 : index
    %get3A_20 = arith.constant 0 : index
    %get3A_21 = vector.load %arg11[%get3A_19, %get3A_20] : memref<1x64xf32, #tpu.memory_space<vmem>>, vector<1x64xf32>
    %add3A_22 = vector.broadcast %get3A_21 : vector<1x64xf32> to vector<2048x64xf32>
    %add3A_23 = arith.addf %dot_general3A_18, %add3A_22 : vector<2048x64xf32>
    %mul3A = arith.mulf %slice3A, %slice3A : vector<2048x64xf32>
    %reduce_sum3A = arith.constant dense<0.000000e+00> : vector<2048xf32>
    %reduce_sum3A_24 = vector.multi_reduction <add>, %mul3A, %reduce_sum3A [1] : vector<2048x64xf32> to vector<2048xf32>
    %broadcast_in_dim3A = vector.shape_cast %reduce_sum3A_24 : vector<2048xf32> to vector<2048x1xf32>
    %sqrt3A = math.sqrt %broadcast_in_dim3A : vector<2048x1xf32>
    %div3A = arith.constant 8.000000e+00 : f32
    %div3A_25 = vector.broadcast %div3A : f32 to vector<2048x1xf32>
    %div3A_26 = arith.divf %sqrt3A, %div3A_25 : vector<2048x1xf32>
    %get3A_27 = arith.constant 0 : index
    %get3A_28 = arith.constant 0 : index
    %get3A_29 = vector.load %arg6[%get3A_27, %get3A_28] : memref<1x64xf32, #tpu.memory_space<vmem>>, vector<1x64xf32>
    %add3A_30 = arith.constant 9.99999993E-9 : f32
    %add3A_31 = vector.broadcast %add3A_30 : f32 to vector<2048x1xf32>
    %add3A_32 = arith.addf %div3A_26, %add3A_31 : vector<2048x1xf32>
    %div3A_33 = vector.broadcast %add3A_32 : vector<2048x1xf32> to vector<2048x64xf32>
    %div3A_34 = arith.divf %slice3A, %div3A_33 : vector<2048x64xf32>
    %mul3A_35 = vector.broadcast %get3A_29 : vector<1x64xf32> to vector<2048x64xf32>
    %mul3A_36 = arith.mulf %mul3A_35, %div3A_34 : vector<2048x64xf32>
    %get3A_37 = arith.constant 0 : index
    %get3A_38 = arith.constant 0 : index
    %get3A_39 = vector.load %arg7[%get3A_37, %get3A_38] : memref<1x64xf32, #tpu.memory_space<vmem>>, vector<1x64xf32>
    %mul3A_40 = vector.broadcast %get3A_39 : vector<1x64xf32> to vector<2048x64xf32>
    %mul3A_41 = arith.mulf %mul3A_36, %mul3A_40 : vector<2048x64xf32>
    %reduce_sum3A_42 = arith.constant dense<0.000000e+00> : vector<2048xf32>
    %reduce_sum3A_43 = vector.multi_reduction <add>, %mul3A_41, %reduce_sum3A_42 [1] : vector<2048x64xf32> to vector<2048xf32>
    %broadcast_in_dim3A_44 = vector.shape_cast %reduce_sum3A_43 : vector<2048xf32> to vector<2048x1xf32>
    %get3A_45 = arith.constant 0 : index
    %get3A_46 = arith.constant 0 : index
    %get3A_47 = vector.load %arg8[%get3A_45, %get3A_46] : memref<1x1xf32, #tpu.memory_space<vmem>>, vector<1x1xf32>
    %get3A_48 = vector.extract %get3A_47[0, 0] : f32 from vector<1x1xf32>
    %add3A_49 = vector.broadcast %get3A_48 : f32 to vector<2048x1xf32>
    %add3A_50 = arith.addf %broadcast_in_dim3A_44, %add3A_49 : vector<2048x1xf32>
    %custom_jvp_call3A = arith.constant 0.000000e+00 : f32
    %max3A = vector.broadcast %custom_jvp_call3A : f32 to vector<2048x1xf32>
    %max3A_51 = arith.maximumf %add3A_50, %max3A : vector<2048x1xf32>
    %sub3A = vector.broadcast %custom_jvp_call3A : f32 to vector<2048x1xf32>
    %sub3A_52 = arith.subf %add3A_50, %sub3A : vector<2048x1xf32>
    %ne3A = arith.cmpf one, %sub3A_52, %sub3A_52 : vector<2048x1xf32>
    %add3A_53 = vector.broadcast %custom_jvp_call3A : f32 to vector<2048x1xf32>
    %add3A_54 = arith.addf %add3A_50, %add3A_53 : vector<2048x1xf32>
    %abs3A = math.absf %sub3A_52 : vector<2048x1xf32>
    %neg3A = arith.constant 0.000000e+00 : f32
    %neg3A_55 = vector.broadcast %neg3A : f32 to vector<2048x1xf32>
    %neg3A_56 = arith.subf %neg3A_55, %abs3A : vector<2048x1xf32>
    %exp3A = math.exp %neg3A_56 : vector<2048x1xf32>
    %log1p3A = math.log1p %exp3A : vector<2048x1xf32>
    %add3A_57 = arith.addf %max3A_51, %log1p3A : vector<2048x1xf32>
    %select_n3A = arith.select %ne3A, %add3A_54, %add3A_57 : vector<2048x1xi1>, vector<2048x1xf32>
    %get3A_58 = arith.constant 0 : index
    %get3A_59 = arith.constant 0 : index
    %get3A_60 = vector.load %arg2[%get3A_58, %get3A_59] : memref<2048x1xf32, #tpu.memory_space<vmem>>, vector<2048x1xf32>
    %mul3A_61 = arith.mulf %select_n3A, %get3A_60 : vector<2048x1xf32>
    %get3A_62 = arith.constant 0 : index
    %get3A_63 = arith.constant 0 : index
    %get3A_64 = vector.load %arg9[%get3A_62, %get3A_63] : memref<1x64xf32, #tpu.memory_space<vmem>>, vector<1x64xf32>
    %exp3A_65 = math.exp %get3A_64 : vector<1x64xf32>
    %neg3A_66 = arith.constant 0.000000e+00 : f32
    %neg3A_67 = vector.broadcast %neg3A_66 : f32 to vector<1x64xf32>
    %neg3A_68 = arith.subf %neg3A_67, %exp3A_65 : vector<1x64xf32>
    %mul3A_69 = vector.broadcast %neg3A_68 : vector<1x64xf32> to vector<2048x64xf32>
    %mul3A_70 = vector.broadcast %mul3A_61 : vector<2048x1xf32> to vector<2048x64xf32>
    %mul3A_71 = arith.mulf %mul3A_69, %mul3A_70 : vector<2048x64xf32>
    %exp3A_72 = math.exp %mul3A_71 : vector<2048x64xf32>
    %mul3A_73 = arith.mulf %exp3A_72, %slice3A : vector<2048x64xf32>
    %mul3A_74 = vector.broadcast %mul3A_61 : vector<2048x1xf32> to vector<2048x64xf32>
    %mul3A_75 = arith.mulf %mul3A_74, %add3A_23 : vector<2048x64xf32>
    %add3A_76 = arith.addf %mul3A_73, %mul3A_75 : vector<2048x64xf32>
    %swap3A = arith.constant 0 : index
    %swap3A_77 = arith.constant 0 : index
    %swap3A_78 = vector.load %arg12[%swap3A, %swap3A_77] : memref<2048x128xf32, #tpu.memory_space<vmem>>, vector<2048x64xf32>
    tpu.vector_store %arg12[%swap3A, %swap3A_77], %add3A_76 {strides = array<i32>} : memref<2048x128xf32, #tpu.memory_space<vmem>>, vector<2048x64xf32>,
    return
  }
  func.func @transform_0(%arg0: i32) -> (i32, i32) {
    %c0_i32 = arith.constant 0 : i32
    %c0_i32_0 = arith.constant 0 : i32
    return %arg0, %c0_i32 : i32, i32
  }
  func.func @transform_1(%arg0: i32) -> (i32, i32) {
    %c0_i32 = arith.constant 0 : i32
    %c0_i32_0 = arith.constant 0 : i32
    return %arg0, %c0_i32 : i32, i32
  }
  func.func @transform_2(%arg0: i32) -> (i32, i32) {
    %c0_i32 = arith.constant 0 : i32
    %c0_i32_0 = arith.constant 0 : i32
    return %arg0, %c0_i32 : i32, i32
  }
  func.func @transform_3(%arg0: i32) -> (i32, i32) {
    %c0_i32 = arith.constant 0 : i32
    %c0_i32_0 = arith.constant 0 : i32
    %c0_i32_1 = arith.constant 0 : i32
    return %c0_i32, %c0_i32_0 : i32, i32
  }
  func.func @transform_4(%arg0: i32) -> (i32, i32) {
    %c0_i32 = arith.constant 0 : i32
    %c0_i32_0 = arith.constant 0 : i32
    %c0_i32_1 = arith.constant 0 : i32
    return %c0_i32, %c0_i32_0 : i32, i32
  }
  func.func @transform_5(%arg0: i32) -> (i32, i32) {
    %c0_i32 = arith.constant 0 : i32
    %c0_i32_0 = arith.constant 0 : i32
    %c0_i32_1 = arith.constant 0 : i32
    return %c0_i32, %c0_i32_0 : i32, i32
  }
  func.func @transform_6(%arg0: i32) -> (i32, i32) {
    %c0_i32 = arith.constant 0 : i32
    %c0_i32_0 = arith.constant 0 : i32
    %c0_i32_1 = arith.constant 0 : i32
    return %c0_i32, %c0_i32_0 : i32, i32
  }
  func.func @transform_7(%arg0: i32) -> (i32, i32) {
    %c0_i32 = arith.constant 0 : i32
    %c0_i32_0 = arith.constant 0 : i32
    %c0_i32_1 = arith.constant 0 : i32
    return %c0_i32, %c0_i32_0 : i32, i32
  }
  func.func @transform_8(%arg0: i32) -> (i32, i32) {
    %c0_i32 = arith.constant 0 : i32
    %c0_i32_0 = arith.constant 0 : i32
    %c0_i32_1 = arith.constant 0 : i32
    return %c0_i32, %c0_i32_0 : i32, i32
  }
  func.func @transform_9(%arg0: i32) -> (i32, i32) {
    %c0_i32 = arith.constant 0 : i32
    %c0_i32_0 = arith.constant 0 : i32
    %c0_i32_1 = arith.constant 0 : i32
    return %c0_i32, %c0_i32_0 : i32, i32
  }
  func.func @transform_10(%arg0: i32) -> (i32, i32) {
    %c0_i32 = arith.constant 0 : i32
    %c0_i32_0 = arith.constant 0 : i32
    %c0_i32_1 = arith.constant 0 : i32
    return %c0_i32, %c0_i32_0 : i32, i32
  }
  func.func @transform_11(%arg0: i32) -> (i32, i32) {
    %c0_i32 = arith.constant 0 : i32
    %c0_i32_0 = arith.constant 0 : i32
    return %arg0, %c0_i32 : i32, i32
  }
}

</mosaic_0001>

<sc_bundles>
// kernel: kernel.11.cloned.1.call-start
scs
__scs_entry_jumppad:
0x0: {  	(pc) =	sbr.rel $0x88, $3  }
0x1: {  	(tag) =	ssettag $0x0;
	lr =	simm.s32 $0x1  }
0x2: {  	[smem:$0x3F95] =	sst lr;
	_ =	strace $0xD0000000  }
0x3: {  	_ = 	snop  }
0x4: {  	_ = 	snop  }
0x5: {  	_ = 	snop  }
0x6: {  	_ = 	snop  }
0x7: {  	_ = 	snop  }
__scs_overlays_trampoline_lowered:
0x8: {  	[smem:$0x3FA4] =	sst s0  }
0x9: {  	[smem:$0x3FA5] =	sst s1  }
0xa: {  	[smem:$0x3FA6] =	sst s2  }
0xb: {  	[smem:$0x3FA7] =	sst s3  }
0xc: {  	[smem:$0x3FA8] =	sst s4  }
0xd: {  	[smem:$0x3FA9] =	sst s5  }
0xe: {  	[smem:$0x3FAA] =	sst s6  }
0xf: {  	[smem:$0x3FAB] =	sst s7  }
0x10: {  	[smem:$0x3FAC] =	sst s8  }
0x11: {  	[smem:$0x3FAD] =	sst s9;
	s0 =	simm.s32 @!p0 $0x0  }
0x12: {  	s1 =	sld [smem:$0x3F93];
	s0 =	simm.s32 @p0 $0x1  }
0x13: {  	[smem:$0x3FAE] =	sst s0;
	s0 =	simm.s32 @!p1 $0x0  }
0x14: {  	s2 =	sld [smem:$0x3F92];
	s0 =	simm.s32 @p1 $0x1  }
0x15: {  	[smem:$0x3FAF] =	sst s0;
	s0 =	simm.s32 @!p2 $0x0  }
0x16: {  	s3 =	sld [smem:$0x3FDB];
	s0 =	simm.s32 @p2 $0x1  }
0x17: {  	s4 =	simm.s32 $0x1BF5;
	[smem:$0x3FB1] =	sst s0  }
0x18: {  	s0 =	sld [smem:$0x3F94];
	_ =	swait.ge [sflag:s4], $0x0  }
0x19: {  	s7 =	sld [smem:$0x3F95]  }
0x1a: {  	s8 =	sadd.s32 $0xFFFFE003, lr  }
0x1b: {  	s9 =	sadd.s32 $0xFFFFFEF7, lr;
	s5 =	simm.s32 $0xFFFFFFFF;
	p2 =	slt.u32 s8, $0xFFFFF086  }
0x1c: {  	p1 =	slt.u32 s9, $0xF7A;
	s5 =	simm.s32 @!p2 $0x0  }
0x1d: {  	s5 =	simm.s32 @p1 $0x1;
	p0 =	seq.s32 s7, s2  }
0x1e: {  	s7 =	smul.u32 @!p0 $0xF7A, s2;
	p2 =	seq.s32 @!p0 s5, $0x0  }
0x1f: {  	s9 =	smul.u32 $0xF7A, s1;
	s8 =	simm.s32 @!p0 $0x1BF5;
	p2 =	por !p2, p0  }
0x20: {  	[sflag:s8] =	ssyncset.s32 @!p0 $0xFFFFF086;
	s6 =	sadd.s32 @!p0 s3, s7;
	s7 =	simm.s32 @!p0 $0x108  }
0x21: {  	s3 =	sadd.s32 s3, s9;
	s6 =	sadd.s32 @!p0 $0x88, s6;
	s7 =	simm.s32 @p2 $0x1082  }
0x22: {  	[simem:s7], [sflag:s8] =	dma.local @!p0 [hbm:s6], $0xF7A  }
0x23: {  	s9 =	sor.u32 $0xD0000000, s2;
	s6 =	simm.s32 $0x108;
	_ =	swait.ge @!p0 [sflag:s8], $0x0  }
0x24: {  	s3 =	sadd.s32 $0x88, s3;
	s6 =	simm.s32 @!p1 $0x1082;
	[sflag:s4] =	ssyncset.s32 $0xFFFFF086  }
0x25: {  	[simem:s6], [sflag:s4] =	dma.local [hbm:s3], $0xF7A  }
0x26: {  	[smem:$0x3F95] =	sst s1;
	(tag) =	ssettag s2;
	_ =	strace s9  }
0x27: {  	s1 =	sld [smem:$0x3FA5]  }
0x28: {  	s2 =	sld [smem:$0x3FA6]  }
0x29: {  	s4 =	sld [smem:$0x3FA8]  }
0x2a: {  	p0 =	seq.s32 s5, $0x0;
	s5 =	sld [smem:$0x3FA9]  }
0x2b: {  	s6 =	sld [smem:$0x3FAA]  }
0x2c: {  	s7 =	sld [smem:$0x3FAB]  }
0x2d: {  	s3 =	simm.s32 $0x108;
	s8 =	sld [smem:$0x3FAC]  }
0x2e: {  	s3 =	simm.s32 @!p0 $0x1082;
	s9 =	sld [smem:$0x3FAD]  }
0x2f: {  	lr =	sadd.s32 s0, s3;
	s0 =	sld [smem:$0x3FA4]  }
0x30: {  	s3 =	sld [smem:$0x3FA7]  }
0x31: {  	[smem:$0x3FB0] =	sst s10  }
0x32: {  	s10 =	sld [smem:$0x3FAE];
	_ =	sdelay $0x3  }
0x33: {  	p0 =	seq.s32 s10, $0x1;
	s10 =	sld [smem:$0x3FB0];
	_ =	sdelay $0x3  }
0x34: {  	[smem:$0x3FB0] =	sst s10  }
0x35: {  	s10 =	sld [smem:$0x3FAF];
	_ =	sdelay $0x3  }
0x36: {  	p1 =	seq.s32 s10, $0x1;
	s10 =	sld [smem:$0x3FB0];
	_ =	sdelay $0x3  }
0x37: {  	[smem:$0x3FB0] =	sst s10  }
0x38: {  	s10 =	sld [smem:$0x3FB1]  }
0x39: {  	_ = 	snop;
	(pc) =	sbr.ind lr, $3  }
0x3a: {  	_ = 	snop  }
0x3b: {  	_ = 	snop  }
0x3c: {  	p2 =	seq.s32 s10, $0x1;
	s10 =	sld [smem:$0x3FB0]  }
0x3d: {  	_ =	shalt  }
0x3e: {  	_ =	shalt  }
0x3f: {  	_ =	shalt  }
0x40: {  	_ =	shalt  }
0x41: {  	_ =	shalt  }
0x42: {  	_ =	shalt  }
0x43: {  	_ =	shalt  }
0x44: {  	_ =	shalt  }
0x45: {  	_ =	shalt  }
0x46: {  	_ =	shalt  }
0x47: {  	_ =	shalt  }
0x48: {  	_ =	shalt  }
0x49: {  	_ =	shalt  }
0x4a: {  	_ =	shalt  }
0x4b: {  	_ =	shalt  }
0x4c: {  	_ =	shalt  }
0x4d: {  	_ =	shalt  }
0x4e: {  	_ =	shalt  }
0x4f: {  	_ =	shalt  }
0x50: {  	_ =	shalt  }
0x51: {  	_ =	shalt  }
0x52: {  	_ =	shalt  }
0x53: {  	_ =	shalt  }
0x54: {  	_ =	shalt  }
0x55: {  	_ =	shalt  }
0x56: {  	_ =	shalt  }
0x57: {  	_ =	shalt  }
0x58: {  	_ =	shalt  }
0x59: {  	_ =	shalt  }
0x5a: {  	_ =	shalt  }
0x5b: {  	_ =	shalt  }
0x5c: {  	_ =	shalt  }
0x5d: {  	_ =	shalt  }
0x5e: {  	_ =	shalt  }
0x5f: {  	_ =	shalt  }
0x60: {  	_ =	shalt  }
0x61: {  	_ =	shalt  }
0x62: {  	_ =	shalt  }
0x63: {  	_ =	shalt  }
0x64: {  	_ =	shalt  }
0x65: {  	_ =	shalt  }
0x66: {  	_ =	shalt  }
0x67: {  	_ =	shalt  }
0x68: {  	_ =	shalt  }
0x69: {  	_ =	shalt  }
0x6a: {  	_ =	shalt  }
0x6b: {  	_ =	shalt  }
0x6c: {  	_ =	shalt  }
0x6d: {  	_ =	shalt  }
0x6e: {  	_ =	shalt  }
0x6f: {  	_ =	shalt  }
0x70: {  	_ =	shalt  }
0x71: {  	_ =	shalt  }
0x72: {  	_ =	shalt  }
0x73: {  	_ =	shalt  }
0x74: {  	_ =	shalt  }
0x75: {  	_ =	shalt  }
0x76: {  	_ =	shalt  }
0x77: {  	_ =	shalt  }
0x78: {  	_ =	shalt  }
0x79: {  	_ =	shalt  }
0x7a: {  	_ =	shalt  }
0x7b: {  	_ =	shalt  }
0x7c: {  	_ =	shalt  }
0x7d: {  	_ =	shalt  }
0x7e: {  	_ =	shalt  }
0x7f: {  	_ =	shalt  }
0x80: {  	_ =	shalt  }
0x81: {  	_ =	shalt  }
0x82: {  	_ =	shalt  }
0x83: {  	_ =	shalt  }
0x84: {  	_ =	shalt  }
0x85: {  	_ =	shalt  }
0x86: {  	_ =	shalt  }
0x87: {  	_ =	shalt  }
.Lfunc_end0:
.L_simem_size_0:
called_computation.1_lowered:
.L_overlay_start_0:
0x88: {  	s2 =	sld [smem:$0x3FD9]  }
0x89: {  	s3 =	sld [smem:$0x3FFE];
	_ =	sdelay $0x1  }
0x8a: {  	s1 =	srdreg.scid  }
0x8b: {  	s0 =	sand.u32 $0x1, s1  }
0x8c: {  	s17 =	sshll.u32 s0, $0xA;
	s2 =	sadd.s32 s3, s2  }
0x8d: {  	s2 =	sadd.s32 s2, s17  }
0x8e: {  	[smem:$0x3FBC] =	sst s2  }
0x8f: {  	_ = 	snop  }
0x90: {  	s2 =	sld [smem:$0x3FC7];
	(tm) =	ssettm $0x1  }
0x91: {  	s18 =	sld [smem:$0x3FFB];
	_ =	sdelay $0x3  }
0x92: {  	_ =	strace s18  }
0x93: {  	s3 =	sld [smem:$0x3FFC];
	_ =	sdelay $0x3  }
0x94: {  	_ =	strace s3  }
0x95: {  	s3 =	sld [smem:$0x3FFD];
	_ =	sdelay $0x3  }
0x96: {  	_ =	strace s3  }
0x97: {  	_ =	strace $0x8FFFFFFF  }
0x98: {  	s19 =	sld [smem:$0x3FDB];
	_ =	sdelay $0x1  }
0x99: {  	s4 =	simm.s32 $_scs_section_size  }
0x9a: {  	s5 =	simm.s32 $_size__tile_overlayer_lowered;
	s6 =	simm.s32 $_tile_overlayer_lowered  }
0x9b: {  	s22 =	simm.s32 $0x1BFF;
	s21 =	sshll.u32 s6, $0x1;
	s3 =	sadd.s32 s4, s19  }
0x9c: {  	s7 =	simm.s32 $0x0;
	s20 =	sshll.u32 s5, $0x1;
	s5 =	sadd.s32 s21, s3  }
0x9d: {  	[timem:s7], [sflag:s22] =	dma.local [hbm:s5], s20  }
0x9e: {  	_ =	swait.ge [sflag:s22], s20  }
0x9f: {  	s4 =	ssub.s32 $0x0, s20;
	[sflag:s22] =	ssyncset.done $0x0  }
0xa0: {  	[sflag:s22] =	ssyncadd.s32 s4;
	_ =	sdelay $0x1  }
0xa1: {  	s23 =	simm.s32 $0x1B8B  }
0xa2: {  	_ =	swait.ge [sflag:s23], $0x1  }
0xa3: {  	[sflag:s23] =	ssyncset.done $0x0  }
0xa4: {  	s25 =	simm.s32 $0x1B8E;
	s24 =	sld [smem:$0x3FFE];
	[sflag:s23] =	ssyncadd.s32 $0xFFFFFFFF  }
0xa5: {  	s26 =	simm.s32 $execute0_lowered;
	[smem:$0x3FD2] =	sst s25  }
0xa6: {  	s5 =	sshll.u32 s26, $0x1;
	_ =	strace $0x80000049;
	[dreg:$0x1] =	wrdreg $0xFFFFFFFF  }
0xa7: {  	s28 =	simm.s32 $_size_execute0_lowered;
	s3 =	sadd.s32 s3, s5;
	[dreg:$0x0] =	wrdreg $0x0  }
0xa8: {  	s5 =	sshll.u32 s28, $0x1;
	[dreg:$0x2] =	wrdreg s3  }
0xa9: {  	[dreg:$0x3] =	wrdreg s5  }
0xaa: {  	[dreg:$0x4] =	wrdreg $0xC0  }
0xab: {  	_ =	task [dreg:s7], $0x5FFFF  }
0xac: {  	[dreg:$0x1] =	wrdreg $0xFFFFFFFF  }
0xad: {  	[dreg:$0x0] =	wrdreg $0x60  }
0xae: {  	[dreg:$0x2] =	wrdreg s2  }
0xaf: {  	[dreg:$0x3] =	wrdreg s24  }
0xb0: {  	[dreg:$0x4] =	wrdreg $0x9  }
0xb1: {  	_ =	task.clear_ibuf [dreg:s7], $0x5FFFF;
	_ =	strace $0x90000049  }
0xb2: {  	s29 =	simm.s32 $0x9;
	_ =	strace $0x8000004B  }
0xb3: {  	_ =	swait.ge [sflag:s29], $0x1  }
0xb4: {  	[sflag:s29] =	ssyncadd.s32 $0xFFFFFFFF  }
0xb5: {  	_ =	strace $0x9000004B  }
0xb6: {  	_ =	sfence  }
0xb7: {  	s30 =	sld [smem:$0x0];
	_ =	sdelay $0x2  }
0xb8: {  	s31 =	sshll.u32 s1, $0xD;
	s1 =	sshrl.u32 s1, $0x2  }
0xb9: {  	s3 =	sand.u32 $0x4000, s31;
	s1 =	sadd.s32 s1, s30  }
0xba: {  	s0 =	sor.u32 s3, s0;
	s1 =	sshll.u32 s1, $0x11  }
0xbb: {  	s0 =	sor.u32 s1, s0  }
0xbc: {  	s0 =	sadd.s32 $0x8F2B, s0  }
0xbd: {  	[sflag:s0] =	ssyncadd.remote.s32 $0x1  }
0xbe: {  	_ =	sfence.sel $0xFFFF  }
0xbf: {  	[dreg:$0x0] =	wrdreg $0xFFFFFFFF;
	(pc) =	sbr.abs _section_cstart, $3  }
0xc0: {  	[dreg:$0x1] =	wrdreg $0xFFFFFFFF  }
0xc1: {  	_ =	task.clear_ibuf [dreg:s7], $0x2FFFF;
	_ =	strace $0x9FFFFFFF  }
0xc2: {  	(tm) =	ssettm $0x7FFFFFFF  }
0xc3: {  	_ =	shalt  }
tec
execute0_lowered:
.L_overlay_start_1:
0x0: {  	(tag) =	ssettag $0x1  }
0x1: {  	s1 =	srdreg.scid  }
0x2: {  	s3 =	rddreg [dreg:$0x0];
	s0 =	stileid.u32;
	s14 =	sand.u32 $0x1, s1  }
0x3: {  	s15 =	rddreg [dreg:$0x1];
	s4 =	sshll.u32 s0, $0xA;
	s5 =	sshll.u32 s14, $0x9  }
0x4: {  	s2 =	simm.s32 $0x0;
	s1 =	rddreg [dreg:$0x2];
	s16 =	sor.u32 s5, s4  }
0x5: {  	[smem:$0x7FF] =	sst s2;
	s4 =	sshrl.u32 s16, $0x3  }
0x6: {  	_ =	strace $0x8000004A;
	s4 =	sadd.s32 s3, s4;
	s3 =	simm.s32 $0x2  }
0x7: {  	[tilespmem:s2], [sflag:$0x2] =	stream.linear.gather [hbm4b:s4+s2], $0x200, $0x38;
	[tilespmem:$0x10200] =	vst v63  }
0x8: {  	_ =	swait.ge [sflag:s3], $0x200  }
0x9: {  	s6 =	simm.s32 $0x80;
	[sflag:s3] =	ssyncset.done $0x0  }
0xa: {  	s7 =	simm.s32 $0x200;
	s5 =	sadd.s32 $0xAC00, s15;
	[sflag:s3] =	ssyncadd.s32 $0xFFFFFE00  }
0xb: {  	[tilespmem:s7], [sflag:$0x1] =	stream.indirect.gather [hbm4b:s5+s6], $0x80, s2, s6, $0xb8;
	[tilespmem:$0x10200] =	vst v63  }
0xc: {  	s8 =	simm.s32 $0x4200  }
0xd: {  	[tilespmem:s8], [sflag:$0x1] =	stream.indirect.gather [hbm4b:s5+s6], $0x80, s6, s6, $0xb8;
	[tilespmem:$0x10200] =	vst v63  }
0xe: {  	s9 =	simm.s32 $0x100;
	s10 =	simm.s32 $0x8200  }
0xf: {  	[tilespmem:s10], [sflag:$0x1] =	stream.indirect.gather [hbm4b:s5+s6], $0x80, s9, s6, $0xb8;
	[tilespmem:$0x10200] =	vst v63  }
0x10: {  	s11 =	simm.s32 $0x180;
	s12 =	simm.s32 $0xC200;
	s13 =	simm.s32 $0x1  }
0x11: {  	[tilespmem:s12], [sflag:$0x1] =	stream.indirect.gather [hbm4b:s5+s6], $0x80, s11, s6, $0xb8;
	[tilespmem:$0x10200] =	vst v63  }
0x12: {  	_ =	swait.ge [sflag:s13], $0x4000  }
0x13: {  	[sflag:s13] =	ssyncset.done $0x0  }
0x14: {  	[sflag:s13] =	ssyncadd.s32 $0xFFFFC000  }
0x15: {  	_ =	swait.ge [sflag:s13], $0x4000  }
0x16: {  	[sflag:s13] =	ssyncset.done $0x0  }
0x17: {  	s14 =	ssub.s32 $0x2, s14;
	[sflag:s13] =	ssyncadd.s32 $0xFFFFC000  }
0x18: {  	s17 =	sshrl.u32 s14, $0x1;
	_ =	swait.ge [sflag:s13], $0x4000  }
0x19: {  	s30 =	ssub.s32 s14, s17;
	[sflag:s13] =	ssyncset.done $0x0  }
0x1a: {  	s31 =	smax.u32 s30, $0x1;
	[sflag:s13] =	ssyncadd.s32 $0xFFFFC000  }
0x1b: {  	s16 =	sshll.u32 s16, $0x4;
	p0 =	sne.s32 s31, $0x1;
	_ =	swait.ge [sflag:s13], $0x4000  }
.Ltmp0:
0x1c: {  	s15 =	sadd.s32 s16, s15;
	[sflag:s13] =	ssyncset.done $0x0;
	(pc) =	sbr.rel @!p0 .LBB2_2-.Ltmp0, $4  }
0x1d: {  	s14 =	sadd.s32 $0x191600, s15;
	[sflag:s13] =	ssyncadd.s32 $0xFFFFC000  }
0x1e: {  	[hbm4b:s14+s2] =	stream.linear.scatter [tilespmem:s7], [sflag:$0x2], $0x10000, $0x38;
	[tilespmem:$0x10200] =	vst v63  }
0x1f: {  	_ =	swait.ge [sflag:s3], $0x10000  }
0x20: {  	s15 =	sadd.s32 $0xFFFFFFFF, s31;
	[sflag:s3] =	ssyncset.done $0x0  }
.LBB2_1:
0x21: {  	p0 =	sne.s32 s15, $0x1;
	s15 =	sadd.s32 $0xFFFFFFFF, s15;
	[sflag:s3] =	ssyncadd.s32 $0xFFFF0000  }
0x22: {  	[tilespmem:s2], [sflag:$0x2] =	stream.linear.gather [hbm4b:s4+s2], $0x200, $0x38;
	[tilespmem:$0x10200] =	vst v63  }
0x23: {  	_ =	swait.ge [sflag:s3], $0x200  }
0x24: {  	[sflag:s3] =	ssyncset.done $0x0  }
0x25: {  	[sflag:s3] =	ssyncadd.s32 $0xFFFFFE00  }
0x26: {  	[tilespmem:s7], [sflag:$0x1] =	stream.indirect.gather [hbm4b:s5+s6], $0x80, s2, s6, $0xb8;
	[tilespmem:$0x10200] =	vst v63  }
0x27: {  	_ = 	snop  }
0x28: {  	[tilespmem:s8], [sflag:$0x1] =	stream.indirect.gather [hbm4b:s5+s6], $0x80, s6, s6, $0xb8;
	[tilespmem:$0x10200] =	vst v63  }
0x29: {  	_ = 	snop  }
0x2a: {  	[tilespmem:s10], [sflag:$0x1] =	stream.indirect.gather [hbm4b:s5+s6], $0x80, s9, s6, $0xb8;
	[tilespmem:$0x10200] =	vst v63  }
0x2b: {  	_ = 	snop  }
0x2c: {  	[tilespmem:s12], [sflag:$0x1] =	stream.indirect.gather [hbm4b:s5+s6], $0x80, s11, s6, $0xb8;
	[tilespmem:$0x10200] =	vst v63  }
0x2d: {  	_ =	swait.ge [sflag:s13], $0x4000  }
0x2e: {  	[sflag:s13] =	ssyncset.done $0x0  }
0x2f: {  	[sflag:s13] =	ssyncadd.s32 $0xFFFFC000  }
0x30: {  	_ =	swait.ge [sflag:s13], $0x4000  }
0x31: {  	[sflag:s13] =	ssyncset.done $0x0  }
0x32: {  	[sflag:s13] =	ssyncadd.s32 $0xFFFFC000  }
0x33: {  	_ =	swait.ge [sflag:s13], $0x4000  }
0x34: {  	[sflag:s13] =	ssyncset.done $0x0  }
0x35: {  	[sflag:s13] =	ssyncadd.s32 $0xFFFFC000  }
0x36: {  	_ =	swait.ge [sflag:s13], $0x4000  }
.Ltmp1:
0x37: {  	[sflag:s13] =	ssyncset.done $0x0;
	(pc) =	sbr.rel @p0 .LBB2_1-.Ltmp1, $4  }
0x38: {  	[sflag:s13] =	ssyncadd.s32 $0xFFFFC000  }
0x39: {  	[hbm4b:s14+s2] =	stream.linear.scatter [tilespmem:s7], [sflag:$0x2], $0x10000, $0x38;
	[tilespmem:$0x10200] =	vst v63  }
0x3a: {  	_ =	swait.ge [sflag:s3], $0x10000  }
0x3b: {  	[sflag:s3] =	ssyncset.done $0x0  }
.LBB2_2:
0x3c: {  	[sflag:s3] =	ssyncadd.s32 $0xFFFF0000  }
0x3d: {  	_ =	sfence.sel $0x180000  }
0x3e: {  	[bflag:$0x0] =	sbarrier.arrive $0xFFFF  }
0x3f: {  	p0 =	sne.s32 s0, $0x0;
	_ =	strace $0x9000004A  }
0x40: {  	s0 =	sadd.s32 @!p0 $0x100000, s1;
	[bflag:$0x2] =	sbarrier.arrive $0xFFFF  }
0x41: {  	[sflag:s0] =	ssyncadd.tile.s32 @!p0 $0x1;
	_ =	shalt  }
.Lfunc_end2:
_tile_overlayer_lowered:
.L_overlay_start_2:
0x42: {  	(tag) =	ssettag $0x2  }
0x43: {  	s0 =	rddreg [dreg:$0x0];
	s2 =	stileid.u32  }
0x44: {  	s1 =	rddreg [dreg:$0x1];
	p0 =	sne.s32 s2, $0x0  }
0x45: {  	s3 =	rddreg [dreg:$0x2];
	[bflag:$0x3] =	sbarrier.arrive $0xFFFF;
	s2 =	simm.s32 @!p0 $0x1C02  }
0x46: {  	[timem:s3], [sflag:s2] =	dma.local @!p0 [hbm:s0], s1  }
0x47: {  	s0 =	simm.s32 @!p0 $0x2  }
0x48: {  	_ =	swait.ge @!p0 [sflag:s0], s1  }
0x49: {  	s1 =	ssub.s32 @!p0 $0x0, s1;
	[sflag:s0] =	ssyncset.done @!p0 $0x0  }
0x4a: {  	[sflag:s0] =	ssyncadd.s32 @!p0 s1  }
0x4b: {  	[bflag:$0x3] =	sbarrier.arrive $0xFFFF  }
0x4c: {  	_ =	shalt  }

// kernel: kernel.14.cloned.1.call-start
scs
__scs_entry_jumppad:
0x0: {  	(pc) =	sbr.rel $0x88, $3  }
0x1: {  	(tag) =	ssettag $0x0;
	lr =	simm.s32 $0x1  }
0x2: {  	[smem:$0x3F95] =	sst lr;
	_ =	strace $0xD0000000  }
0x3: {  	_ = 	snop  }
0x4: {  	_ = 	snop  }
0x5: {  	_ = 	snop  }
0x6: {  	_ = 	snop  }
0x7: {  	_ = 	snop  }
__scs_overlays_trampoline_lowered:
0x8: {  	[smem:$0x3FA4] =	sst s0  }
0x9: {  	[smem:$0x3FA5] =	sst s1  }
0xa: {  	[smem:$0x3FA6] =	sst s2  }
0xb: {  	[smem:$0x3FA7] =	sst s3  }
0xc: {  	[smem:$0x3FA8] =	sst s4  }
0xd: {  	[smem:$0x3FA9] =	sst s5  }
0xe: {  	[smem:$0x3FAA] =	sst s6  }
0xf: {  	[smem:$0x3FAB] =	sst s7  }
0x10: {  	[smem:$0x3FAC] =	sst s8  }
0x11: {  	[smem:$0x3FAD] =	sst s9;
	s0 =	simm.s32 @!p0 $0x0  }
0x12: {  	s1 =	sld [smem:$0x3F93];
	s0 =	simm.s32 @p0 $0x1  }
0x13: {  	[smem:$0x3FAE] =	sst s0;
	s0 =	simm.s32 @!p1 $0x0  }
0x14: {  	s2 =	sld [smem:$0x3F92];
	s0 =	simm.s32 @p1 $0x1  }
0x15: {  	[smem:$0x3FAF] =	sst s0;
	s0 =	simm.s32 @!p2 $0x0  }
0x16: {  	s3 =	sld [smem:$0x3FDB];
	s0 =	simm.s32 @p2 $0x1  }
0x17: {  	s4 =	simm.s32 $0x1BF5;
	[smem:$0x3FB1] =	sst s0  }
0x18: {  	s0 =	sld [smem:$0x3F94];
	_ =	swait.ge [sflag:s4], $0x0  }
0x19: {  	s7 =	sld [smem:$0x3F95]  }
0x1a: {  	s8 =	sadd.s32 $0xFFFFE003, lr  }
0x1b: {  	s9 =	sadd.s32 $0xFFFFFEF7, lr;
	s5 =	simm.s32 $0xFFFFFFFF;
	p2 =	slt.u32 s8, $0xFFFFF086  }
0x1c: {  	p1 =	slt.u32 s9, $0xF7A;
	s5 =	simm.s32 @!p2 $0x0  }
0x1d: {  	s5 =	simm.s32 @p1 $0x1;
	p0 =	seq.s32 s7, s2  }
0x1e: {  	s7 =	smul.u32 @!p0 $0xF7A, s2;
	p2 =	seq.s32 @!p0 s5, $0x0  }
0x1f: {  	s9 =	smul.u32 $0xF7A, s1;
	s8 =	simm.s32 @!p0 $0x1BF5;
	p2 =	por !p2, p0  }
0x20: {  	[sflag:s8] =	ssyncset.s32 @!p0 $0xFFFFF086;
	s6 =	sadd.s32 @!p0 s3, s7;
	s7 =	simm.s32 @!p0 $0x108  }
0x21: {  	s3 =	sadd.s32 s3, s9;
	s6 =	sadd.s32 @!p0 $0x88, s6;
	s7 =	simm.s32 @p2 $0x1082  }
0x22: {  	[simem:s7], [sflag:s8] =	dma.local @!p0 [hbm:s6], $0xF7A  }
0x23: {  	s9 =	sor.u32 $0xD0000000, s2;
	s6 =	simm.s32 $0x108;
	_ =	swait.ge @!p0 [sflag:s8], $0x0  }
0x24: {  	s3 =	sadd.s32 $0x88, s3;
	s6 =	simm.s32 @!p1 $0x1082;
	[sflag:s4] =	ssyncset.s32 $0xFFFFF086  }
0x25: {  	[simem:s6], [sflag:s4] =	dma.local [hbm:s3], $0xF7A  }
0x26: {  	[smem:$0x3F95] =	sst s1;
	(tag) =	ssettag s2;
	_ =	strace s9  }
0x27: {  	s1 =	sld [smem:$0x3FA5]  }
0x28: {  	s2 =	sld [smem:$0x3FA6]  }
0x29: {  	s4 =	sld [smem:$0x3FA8]  }
0x2a: {  	p0 =	seq.s32 s5, $0x0;
	s5 =	sld [smem:$0x3FA9]  }
0x2b: {  	s6 =	sld [smem:$0x3FAA]  }
0x2c: {  	s7 =	sld [smem:$0x3FAB]  }
0x2d: {  	s3 =	simm.s32 $0x108;
	s8 =	sld [smem:$0x3FAC]  }
0x2e: {  	s3 =	simm.s32 @!p0 $0x1082;
	s9 =	sld [smem:$0x3FAD]  }
0x2f: {  	lr =	sadd.s32 s0, s3;
	s0 =	sld [smem:$0x3FA4]  }
0x30: {  	s3 =	sld [smem:$0x3FA7]  }
0x31: {  	[smem:$0x3FB0] =	sst s10  }
0x32: {  	s10 =	sld [smem:$0x3FAE];
	_ =	sdelay $0x3  }
0x33: {  	p0 =	seq.s32 s10, $0x1;
	s10 =	sld [smem:$0x3FB0];
	_ =	sdelay $0x3  }
0x34: {  	[smem:$0x3FB0] =	sst s10  }
0x35: {  	s10 =	sld [smem:$0x3FAF];
	_ =	sdelay $0x3  }
0x36: {  	p1 =	seq.s32 s10, $0x1;
	s10 =	sld [smem:$0x3FB0];
	_ =	sdelay $0x3  }
0x37: {  	[smem:$0x3FB0] =	sst s10  }
0x38: {  	s10 =	sld [smem:$0x3FB1]  }
0x39: {  	_ = 	snop;
	(pc) =	sbr.ind lr, $3  }
0x3a: {  	_ = 	snop  }
0x3b: {  	_ = 	snop  }
0x3c: {  	p2 =	seq.s32 s10, $0x1;
	s10 =	sld [smem:$0x3FB0]  }
0x3d: {  	_ =	shalt  }
0x3e: {  	_ =	shalt  }
0x3f: {  	_ =	shalt  }
0x40: {  	_ =	shalt  }
0x41: {  	_ =	shalt  }
0x42: {  	_ =	shalt  }
0x43: {  	_ =	shalt  }
0x44: {  	_ =	shalt  }
0x45: {  	_ =	shalt  }
0x46: {  	_ =	shalt  }
0x47: {  	_ =	shalt  }
0x48: {  	_ =	shalt  }
0x49: {  	_ =	shalt  }
0x4a: {  	_ =	shalt  }
0x4b: {  	_ =	shalt  }
0x4c: {  	_ =	shalt  }
0x4d: {  	_ =	shalt  }
0x4e: {  	_ =	shalt  }
0x4f: {  	_ =	shalt  }
0x50: {  	_ =	shalt  }
0x51: {  	_ =	shalt  }
0x52: {  	_ =	shalt  }
0x53: {  	_ =	shalt  }
0x54: {  	_ =	shalt  }
0x55: {  	_ =	shalt  }
0x56: {  	_ =	shalt  }
0x57: {  	_ =	shalt  }
0x58: {  	_ =	shalt  }
0x59: {  	_ =	shalt  }
0x5a: {  	_ =	shalt  }
0x5b: {  	_ =	shalt  }
0x5c: {  	_ =	shalt  }
0x5d: {  	_ =	shalt  }
0x5e: {  	_ =	shalt  }
0x5f: {  	_ =	shalt  }
0x60: {  	_ =	shalt  }
0x61: {  	_ =	shalt  }
0x62: {  	_ =	shalt  }
0x63: {  	_ =	shalt  }
0x64: {  	_ =	shalt  }
0x65: {  	_ =	shalt  }
0x66: {  	_ =	shalt  }
0x67: {  	_ =	shalt  }
0x68: {  	_ =	shalt  }
0x69: {  	_ =	shalt  }
0x6a: {  	_ =	shalt  }
0x6b: {  	_ =	shalt  }
0x6c: {  	_ =	shalt  }
0x6d: {  	_ =	shalt  }
0x6e: {  	_ =	shalt  }
0x6f: {  	_ =	shalt  }
0x70: {  	_ =	shalt  }
0x71: {  	_ =	shalt  }
0x72: {  	_ =	shalt  }
0x73: {  	_ =	shalt  }
0x74: {  	_ =	shalt  }
0x75: {  	_ =	shalt  }
0x76: {  	_ =	shalt  }
0x77: {  	_ =	shalt  }
0x78: {  	_ =	shalt  }
0x79: {  	_ =	shalt  }
0x7a: {  	_ =	shalt  }
0x7b: {  	_ =	shalt  }
0x7c: {  	_ =	shalt  }
0x7d: {  	_ =	shalt  }
0x7e: {  	_ =	shalt  }
0x7f: {  	_ =	shalt  }
0x80: {  	_ =	shalt  }
0x81: {  	_ =	shalt  }
0x82: {  	_ =	shalt  }
0x83: {  	_ =	shalt  }
0x84: {  	_ =	shalt  }
0x85: {  	_ =	shalt  }
0x86: {  	_ =	shalt  }
0x87: {  	_ =	shalt  }
.Lfunc_end0:
.L_simem_size_0:
called_computation.2_lowered:
.L_overlay_start_0:
0x88: {  	s2 =	sld [smem:$0x3FD9]  }
0x89: {  	s3 =	sld [smem:$0x3FFE];
	_ =	sdelay $0x1  }
0x8a: {  	s1 =	srdreg.scid  }
0x8b: {  	s0 =	sand.u32 $0x1, s1  }
0x8c: {  	s17 =	sshll.u32 s0, $0xA;
	s2 =	sadd.s32 s3, s2  }
0x8d: {  	s2 =	sadd.s32 s2, s17  }
0x8e: {  	[smem:$0x3FBC] =	sst s2  }
0x8f: {  	_ = 	snop  }
0x90: {  	s2 =	sld [smem:$0x3FD0];
	(tm) =	ssettm $0x1  }
0x91: {  	s18 =	sld [smem:$0x3FFB];
	_ =	sdelay $0x3  }
0x92: {  	_ =	strace s18  }
0x93: {  	s3 =	sld [smem:$0x3FFC];
	_ =	sdelay $0x3  }
0x94: {  	_ =	strace s3  }
0x95: {  	s3 =	sld [smem:$0x3FFD];
	_ =	sdelay $0x3  }
0x96: {  	_ =	strace s3  }
0x97: {  	_ =	strace $0x8FFFFFFF  }
0x98: {  	s19 =	sld [smem:$0x3FDB];
	_ =	sdelay $0x1  }
0x99: {  	s4 =	simm.s32 $_scs_section_size  }
0x9a: {  	s5 =	simm.s32 $_size__tile_overlayer_lowered;
	s6 =	simm.s32 $_tile_overlayer_lowered  }
0x9b: {  	s22 =	simm.s32 $0x1BFF;
	s21 =	sshll.u32 s6, $0x1;
	s3 =	sadd.s32 s4, s19  }
0x9c: {  	s7 =	simm.s32 $0x0;
	s20 =	sshll.u32 s5, $0x1;
	s5 =	sadd.s32 s21, s3  }
0x9d: {  	[timem:s7], [sflag:s22] =	dma.local [hbm:s5], s20  }
0x9e: {  	_ =	swait.ge [sflag:s22], s20  }
0x9f: {  	s4 =	ssub.s32 $0x0, s20;
	[sflag:s22] =	ssyncset.done $0x0  }
0xa0: {  	[sflag:s22] =	ssyncadd.s32 s4;
	_ =	sdelay $0x1  }
0xa1: {  	s23 =	simm.s32 $0x1B8B  }
0xa2: {  	_ =	swait.ge [sflag:s23], $0x1  }
0xa3: {  	[sflag:s23] =	ssyncset.done $0x0  }
0xa4: {  	s25 =	simm.s32 $0x1B8E;
	s24 =	sld [smem:$0x3FFE];
	[sflag:s23] =	ssyncadd.s32 $0xFFFFFFFF  }
0xa5: {  	s26 =	simm.s32 $execute0_lowered;
	[smem:$0x3FD2] =	sst s25  }
0xa6: {  	s5 =	sshll.u32 s26, $0x1;
	_ =	strace $0x8000004C;
	[dreg:$0x1] =	wrdreg $0xFFFFFFFF  }
0xa7: {  	s28 =	simm.s32 $_size_execute0_lowered;
	s3 =	sadd.s32 s3, s5;
	[dreg:$0x0] =	wrdreg $0x0  }
0xa8: {  	s5 =	sshll.u32 s28, $0x1;
	[dreg:$0x2] =	wrdreg s3  }
0xa9: {  	[dreg:$0x3] =	wrdreg s5  }
0xaa: {  	[dreg:$0x4] =	wrdreg $0xC0  }
0xab: {  	_ =	task [dreg:s7], $0x5FFFF  }
0xac: {  	[dreg:$0x1] =	wrdreg $0xFFFFFFFF  }
0xad: {  	[dreg:$0x0] =	wrdreg $0x60  }
0xae: {  	[dreg:$0x2] =	wrdreg s2  }
0xaf: {  	[dreg:$0x3] =	wrdreg s24  }
0xb0: {  	[dreg:$0x4] =	wrdreg $0x9  }
0xb1: {  	_ =	task.clear_ibuf [dreg:s7], $0x5FFFF;
	_ =	strace $0x9000004C  }
0xb2: {  	s29 =	simm.s32 $0x9;
	_ =	strace $0x8000004E  }
0xb3: {  	_ =	swait.ge [sflag:s29], $0x1  }
0xb4: {  	[sflag:s29] =	ssyncadd.s32 $0xFFFFFFFF  }
0xb5: {  	_ =	strace $0x9000004E  }
0xb6: {  	_ =	sfence  }
0xb7: {  	s30 =	sld [smem:$0x0];
	_ =	sdelay $0x2  }
0xb8: {  	s31 =	sshll.u32 s1, $0xD;
	s1 =	sshrl.u32 s1, $0x2  }
0xb9: {  	s3 =	sand.u32 $0x4000, s31;
	s1 =	sadd.s32 s1, s30  }
0xba: {  	s0 =	sor.u32 s3, s0;
	s1 =	sshll.u32 s1, $0x11  }
0xbb: {  	s0 =	sor.u32 s1, s0  }
0xbc: {  	s0 =	sadd.s32 $0x8F2B, s0  }
0xbd: {  	[sflag:s0] =	ssyncadd.remote.s32 $0x1  }
0xbe: {  	_ =	sfence.sel $0xFFFF  }
0xbf: {  	[dreg:$0x0] =	wrdreg $0xFFFFFFFF;
	(pc) =	sbr.abs _section_cstart, $3  }
0xc0: {  	[dreg:$0x1] =	wrdreg $0xFFFFFFFF  }
0xc1: {  	_ =	task.clear_ibuf [dreg:s7], $0x2FFFF;
	_ =	strace $0x9FFFFFFF  }
0xc2: {  	(tm) =	ssettm $0x7FFFFFFF  }
0xc3: {  	_ =	shalt  }
tec
execute0_lowered:
.L_overlay_start_1:
0x0: {  	(tag) =	ssettag $0x1  }
0x1: {  	s2 =	rddreg [dreg:$0x0]  }
0x2: {  	s4 =	rddreg [dreg:$0x1]  }
0x3: {  	s0 =	rddreg [dreg:$0x2]  }
0x4: {  	s5 =	srdreg.scid;
	s1 =	stileid.u32  }
0x5: {  	s3 =	simm.s32 $0x0;
	s10 =	simm.s32 $0x1000;
	s11 =	simm.s32 $0x2000  }
0x6: {  	s12 =	simm.s32 $0x1;
	s13 =	simm.s32 $0x80;
	s14 =	simm.s32 $0x2080  }
0x7: {  	s15 =	simm.s32 $0x6080;
	s16 =	simm.s32 $0xA080;
	s17 =	simm.s32 $0xE080  }
0x8: {  	s18 =	simm.s32 $0x2;
	s19 =	simm.s32 $0x3;
	s20 =	simm.s32 $0x4  }
0x9: {  	s21 =	simm.s32 $0x5;
	s5 =	sand.u32 $0x1, s5;
	s6 =	sshll.u32 s1, $0x1  }
0xa: {  	s22 =	simm.s32 $0x0;
	[smem:$0x7FF] =	sst s3;
	s6 =	sor.u32 s5, s6  }
.Ltmp0:
0xb: {  	_ =	strace $0x8000004D;
	s5 =	ssub.s32 $0x2, s5;
	(pc) =	sbr.rel .LBB2_1-.Ltmp0, $4  }
0xc: {  	s7 =	sshll.u32 s6, $0x9;
	s6 =	sshll.u32 s6, $0x4;
	s8 =	sshrl.u32 s5, $0x1  }
0xd: {  	s7 =	sadd.s32 s7, s4;
	s9 =	sadd.s32 s6, s4;
	s4 =	sadd.s32 $0xAC00, s4  }
0xe: {  	s8 =	ssub.s32 s5, s8;
	s5 =	sadd.s32 $0x2A00, s7;
	s6 =	sadd.s32 $0x6A00, s7  }
0xf: {  	s7 =	sadd.s32 $0xAA00, s9;
	s8 =	smax.u32 s8, $0x1;
	s9 =	simm.s32 $0x6  }
.LBB2_5:
0x10: {  	s23 =	sshra.s32 s23, $0x2;
	[sflag:s21] =	ssyncadd.s32 @p0 $0xFFFFC000  }
0x11: {  	[tilespmem:s14], [sflag:$0x1] =	stream.indirect.gather [hbm4b:s2+s13], $0x80, s23, s13, $0xb8;
	[tilespmem:$0x12080] =	vst v63  }
0x12: {  	s24 =	sadd.s32 $0x80, s23  }
0x13: {  	[tilespmem:s15], [sflag:$0x2] =	stream.indirect.gather [hbm4b:s2+s13], $0x80, s24, s13, $0xb8;
	[tilespmem:$0x12080] =	vst v63  }
0x14: {  	s26 =	sadd.s32 $0x100, s23  }
0x15: {  	[tilespmem:s16], [sflag:$0x3] =	stream.indirect.gather [hbm4b:s2+s13], $0x80, s26, s13, $0xb8;
	[tilespmem:$0x12080] =	vst v63  }
0x16: {  	s28 =	sadd.s32 $0x180, s23  }
0x17: {  	[tilespmem:s17], [sflag:$0x4] =	stream.indirect.gather [hbm4b:s2+s13], $0x80, s28, s13, $0xb8;
	[tilespmem:$0x12080] =	vst v63  }
0x18: {  	_ =	swait.ge [sflag:s12], $0x4000  }
0x19: {  	[sflag:s12] =	ssyncset.done $0x0  }
0x1a: {  	s29 =	sadd.s32 $0x1000, s23;
	[sflag:s12] =	ssyncadd.s32 $0xFFFFC000  }
0x1b: {  	[hbm4b:s4+s13] =	stream.indirect.scatter [tilespmem:s14], [sflag:$0x5], $0x80, s29, s13, $0xb8;
	[tilespmem:$0x12080] =	vst v63  }
0x1c: {  	_ =	swait.ge [sflag:s18], $0x4000  }
0x1d: {  	[sflag:s18] =	ssyncset.done $0x0  }
0x1e: {  	s30 =	sadd.s32 $0x1080, s23;
	[sflag:s18] =	ssyncadd.s32 $0xFFFFC000  }
0x1f: {  	[hbm4b:s4+s13] =	stream.indirect.scatter [tilespmem:s15], [sflag:$0x5], $0x80, s30, s13, $0xb8;
	[tilespmem:$0x12080] =	vst v63  }
0x20: {  	_ =	swait.ge [sflag:s19], $0x4000  }
0x21: {  	[sflag:s19] =	ssyncset.done $0x0  }
0x22: {  	s31 =	sadd.s32 $0x1100, s23;
	[sflag:s19] =	ssyncadd.s32 $0xFFFFC000  }
0x23: {  	[hbm4b:s4+s13] =	stream.indirect.scatter [tilespmem:s16], [sflag:$0x5], $0x80, s31, s13, $0xb8;
	[tilespmem:$0x12080] =	vst v63  }
0x24: {  	_ =	swait.ge [sflag:s20], $0x4000  }
0x25: {  	[sflag:s20] =	ssyncset.done $0x0  }
0x26: {  	s23 =	sadd.s32 $0x1180, s23;
	[sflag:s20] =	ssyncadd.s32 $0xFFFFC000  }
0x27: {  	[hbm4b:s4+s13] =	stream.indirect.scatter [tilespmem:s17], [sflag:$0x5], $0x80, s23, s13, $0xb8;
	[tilespmem:$0x12080] =	vst v63  }
0x28: {  	_ =	swait.ge [sflag:s21], $0x4000  }
0x29: {  	[sflag:s21] =	ssyncset.done $0x0  }
0x2a: {  	[sflag:s21] =	ssyncadd.s32 $0xFFFFC000  }
0x2b: {  	_ =	swait.ge [sflag:s21], $0x4000  }
0x2c: {  	[sflag:s21] =	ssyncset.done $0x0  }
0x2d: {  	[sflag:s21] =	ssyncadd.s32 $0xFFFFC000  }
0x2e: {  	_ =	swait.ge [sflag:s21], $0x4000  }
0x2f: {  	[sflag:s21] =	ssyncset.done $0x0  }
0x30: {  	[sflag:s21] =	ssyncadd.s32 $0xFFFFC000  }
0x31: {  	_ =	swait.ge [sflag:s21], $0x4000  }
0x32: {  	[sflag:s21] =	ssyncset.done $0x0  }
0x33: {  	[sflag:s21] =	ssyncadd.s32 $0xFFFFC000  }
.LBB2_6:
0x34: {  	s22 =	sadd.s32 $0x1, s22  }
0x35: {  	p0 =	sne.s32 s22, s8  }
.Ltmp1:
0x36: {  	_ = 	snop;
	(pc) =	sbr.rel @!p0 .LBB2_7-.Ltmp1, $1  }
0x37: {  	_ =	sdelay $0x3  }
.LBB2_1:
0x38: {  	[tilespmem:s3], [sflag:$0x6] =	stream.linear.gather [hbm4b:s5+s3], $0x1000, $0x38;
	[tilespmem:$0x12080] =	vst v63  }
0x39: {  	_ =	swait.ge [sflag:s9], $0x1000  }
0x3a: {  	[sflag:s9] =	ssyncset.done $0x0  }
0x3b: {  	[sflag:s9] =	ssyncadd.s32 $0xFFFFF000  }
0x3c: {  	[tilespmem:s10], [sflag:$0x6] =	stream.linear.gather [hbm4b:s6+s3], $0x1000, $0x38;
	[tilespmem:$0x12080] =	vst v63  }
0x3d: {  	_ =	swait.ge [sflag:s9], $0x1000  }
0x3e: {  	[sflag:s9] =	ssyncset.done $0x0  }
0x3f: {  	[sflag:s9] =	ssyncadd.s32 $0xFFFFF000  }
0x40: {  	[tilespmem:s11], [sflag:$0x6] =	stream.linear.gather [hbm4b:s7+s3], $0x10, $0x38;
	[tilespmem:$0x12080] =	vst v63  }
0x41: {  	_ =	swait.ge [sflag:s9], $0x10  }
0x42: {  	[sflag:s9] =	ssyncset.done $0x0  }
0x43: {  	[sflag:s9] =	ssyncadd.s32 $0xFFFFFFF0  }
0x44: {  	v0 =	vld [tilespmem:$0x2000];
	_ =	sdelay $0x4  }
0x45: {  	(v2sf) =	vpush v0, $0x0;
	_ =	sdelay $0xe  }
0x46: {  	s23 =	spop (v2sf)  }
0x47: {  	s23 =	sadd.s32 $0x1FF, s23  }
0x48: {  	s24 =	sand.u32 $0x1FF, s23  }
0x49: {  	s31 =	sshra.s32 s23, $0x1F;
	p1 =	slt.s32 s23, $0x1;
	p0 =	sne.s32 s24, $0x0  }
0x4a: {  	s24 =	sshrl.u32 s31, $0x17;
	p0 =	por !p1, !p0  }
0x4b: {  	s23 =	sadd.s32 s24, s23;
	s24 =	simm.s32 $0x1;
	p0 =	por !p0, !p0  }
0x4c: {  	s23 =	sshra.s32 s23, $0x9;
	s24 =	simm.s32 @!p0 $0x0  }
0x4d: {  	s23 =	ssub.s32 s23, s24  }
0x4e: {  	p0 =	slt.s32 s23, $0x1  }
.Ltmp2:
0x4f: {  	_ = 	snop;
	(pc) =	sbr.rel @p0 .LBB2_6-.Ltmp2, $1  }
0x50: {  	_ =	sdelay $0x3  }
0x51: {  	p1 =	sne.s32 s23, $0x1  }
.Ltmp3:
0x52: {  	_ = 	snop;
	(pc) =	sbr.rel @!p1 .LBB2_5-.Ltmp3, $2  }
0x53: {  	_ =	sdelay $0x2  }
0x54: {  	s24 =	sadd.s32 $0xFFFFFFFF, s23;
	p0 =	por $0x0, $0x0;
	s23 =	simm.s32 $0x0  }
0x55: {  	s23 =	sshra.s32 s3, $0x2  }
0x56: {  	[tilespmem:s14], [sflag:$0x1] =	stream.indirect.gather [hbm4b:s2+s13], $0x80, s23, s13, $0xb8;
	[tilespmem:$0x12080] =	vst v63  }
0x57: {  	s25 =	sadd.s32 $0x80, s23  }
0x58: {  	[tilespmem:s15], [sflag:$0x2] =	stream.indirect.gather [hbm4b:s2+s13], $0x80, s25, s13, $0xb8;
	[tilespmem:$0x12080] =	vst v63  }
0x59: {  	s26 =	sadd.s32 $0x100, s23  }
0x5a: {  	[tilespmem:s16], [sflag:$0x3] =	stream.indirect.gather [hbm4b:s2+s13], $0x80, s26, s13, $0xb8;
	[tilespmem:$0x12080] =	vst v63  }
0x5b: {  	s28 =	sadd.s32 $0x180, s23  }
0x5c: {  	[tilespmem:s17], [sflag:$0x4] =	stream.indirect.gather [hbm4b:s2+s13], $0x80, s28, s13, $0xb8;
	[tilespmem:$0x12080] =	vst v63  }
0x5d: {  	_ =	swait.ge [sflag:s12], $0x4000  }
0x5e: {  	[sflag:s12] =	ssyncset.done $0x0  }
0x5f: {  	s29 =	sadd.s32 $0x1000, s23;
	[sflag:s12] =	ssyncadd.s32 $0xFFFFC000  }
0x60: {  	[hbm4b:s4+s13] =	stream.indirect.scatter [tilespmem:s14], [sflag:$0x5], $0x80, s29, s13, $0xb8;
	[tilespmem:$0x12080] =	vst v63  }
0x61: {  	_ =	swait.ge [sflag:s18], $0x4000  }
0x62: {  	[sflag:s18] =	ssyncset.done $0x0  }
0x63: {  	s30 =	sadd.s32 $0x1080, s23;
	[sflag:s18] =	ssyncadd.s32 $0xFFFFC000  }
0x64: {  	[hbm4b:s4+s13] =	stream.indirect.scatter [tilespmem:s15], [sflag:$0x5], $0x80, s30, s13, $0xb8;
	[tilespmem:$0x12080] =	vst v63  }
0x65: {  	_ =	swait.ge [sflag:s19], $0x4000  }
0x66: {  	[sflag:s19] =	ssyncset.done $0x0  }
0x67: {  	s31 =	sadd.s32 $0x1100, s23;
	[sflag:s19] =	ssyncadd.s32 $0xFFFFC000  }
0x68: {  	[hbm4b:s4+s13] =	stream.indirect.scatter [tilespmem:s16], [sflag:$0x5], $0x80, s31, s13, $0xb8;
	[tilespmem:$0x12080] =	vst v63  }
0x69: {  	_ =	swait.ge [sflag:s20], $0x4000  }
0x6a: {  	[sflag:s20] =	ssyncset.done $0x0  }
0x6b: {  	s23 =	sadd.s32 $0x1180, s23;
	[sflag:s20] =	ssyncadd.s32 $0xFFFFC000  }
0x6c: {  	[hbm4b:s4+s13] =	stream.indirect.scatter [tilespmem:s17], [sflag:$0x5], $0x80, s23, s13, $0xb8;
	[tilespmem:$0x12080] =	vst v63  }
0x6d: {  	_ =	swait.ge [sflag:s21], $0x4000  }
0x6e: {  	[sflag:s21] =	ssyncset.done $0x0  }
0x6f: {  	[sflag:s21] =	ssyncadd.s32 $0xFFFFC000  }
0x70: {  	_ =	swait.ge [sflag:s21], $0x4000  }
0x71: {  	[sflag:s21] =	ssyncset.done $0x0  }
0x72: {  	p1 =	sne.s32 s24, $0x1;
	[sflag:s21] =	ssyncadd.s32 $0xFFFFC000  }
.Ltmp4:
0x73: {  	_ =	swait.ge [sflag:s21], $0x4000;
	(pc) =	sbr.rel @!p1 .LBB2_5-.Ltmp4, $4  }
0x74: {  	[sflag:s21] =	ssyncset.done $0x0  }
0x75: {  	[sflag:s21] =	ssyncadd.s32 $0xFFFFC000  }
0x76: {  	s24 =	sadd.s32 $0xFFFFFFFF, s24;
	_ =	swait.ge [sflag:s21], $0x4000  }
0x77: {  	p0 =	por $0x1, $0x1;
	s23 =	sadd.s32 $0x800, s3;
	[sflag:s21] =	ssyncset.done $0x0  }
.LBB2_4:
0x78: {  	p1 =	sne.s32 s24, $0x1;
	s25 =	sshra.s32 s23, $0x2;
	[sflag:s21] =	ssyncadd.s32 $0xFFFFC000  }
0x79: {  	[tilespmem:s14], [sflag:$0x1] =	stream.indirect.gather [hbm4b:s2+s13], $0x80, s25, s13, $0xb8;
	[tilespmem:$0x12080] =	vst v63  }
0x7a: {  	s24 =	sadd.s32 $0xFFFFFFFF, s24;
	s26 =	sadd.s32 $0x80, s25  }
0x7b: {  	[tilespmem:s15], [sflag:$0x2] =	stream.indirect.gather [hbm4b:s2+s13], $0x80, s26, s13, $0xb8;
	[tilespmem:$0x12080] =	vst v63  }
0x7c: {  	s26 =	sadd.s32 $0x100, s25  }
0x7d: {  	[tilespmem:s16], [sflag:$0x3] =	stream.indirect.gather [hbm4b:s2+s13], $0x80, s26, s13, $0xb8;
	[tilespmem:$0x12080] =	vst v63  }
0x7e: {  	s26 =	sadd.s32 $0x180, s25  }
0x7f: {  	[tilespmem:s17], [sflag:$0x4] =	stream.indirect.gather [hbm4b:s2+s13], $0x80, s26, s13, $0xb8;
	[tilespmem:$0x12080] =	vst v63  }
0x80: {  	_ =	swait.ge [sflag:s12], $0x4000  }
0x81: {  	[sflag:s12] =	ssyncset.done $0x0  }
0x82: {  	s26 =	sadd.s32 $0x1000, s25;
	[sflag:s12] =	ssyncadd.s32 $0xFFFFC000  }
0x83: {  	[hbm4b:s4+s13] =	stream.indirect.scatter [tilespmem:s14], [sflag:$0x5], $0x80, s26, s13, $0xb8;
	[tilespmem:$0x12080] =	vst v63  }
0x84: {  	_ =	swait.ge [sflag:s18], $0x4000  }
0x85: {  	[sflag:s18] =	ssyncset.done $0x0  }
0x86: {  	s26 =	sadd.s32 $0x1080, s25;
	[sflag:s18] =	ssyncadd.s32 $0xFFFFC000  }
0x87: {  	[hbm4b:s4+s13] =	stream.indirect.scatter [tilespmem:s15], [sflag:$0x5], $0x80, s26, s13, $0xb8;
	[tilespmem:$0x12080] =	vst v63  }
0x88: {  	_ =	swait.ge [sflag:s19], $0x4000  }
0x89: {  	[sflag:s19] =	ssyncset.done $0x0  }
0x8a: {  	s26 =	sadd.s32 $0x1100, s25;
	[sflag:s19] =	ssyncadd.s32 $0xFFFFC000  }
0x8b: {  	[hbm4b:s4+s13] =	stream.indirect.scatter [tilespmem:s16], [sflag:$0x5], $0x80, s26, s13, $0xb8;
	[tilespmem:$0x12080] =	vst v63  }
0x8c: {  	_ =	swait.ge [sflag:s20], $0x4000  }
0x8d: {  	[sflag:s20] =	ssyncset.done $0x0  }
0x8e: {  	s25 =	sadd.s32 $0x1180, s25;
	[sflag:s20] =	ssyncadd.s32 $0xFFFFC000  }
0x8f: {  	[hbm4b:s4+s13] =	stream.indirect.scatter [tilespmem:s17], [sflag:$0x5], $0x80, s25, s13, $0xb8;
	[tilespmem:$0x12080] =	vst v63  }
0x90: {  	_ =	swait.ge [sflag:s21], $0x4000  }
0x91: {  	[sflag:s21] =	ssyncset.done $0x0  }
0x92: {  	[sflag:s21] =	ssyncadd.s32 $0xFFFFC000  }
0x93: {  	_ =	swait.ge [sflag:s21], $0x4000  }
0x94: {  	[sflag:s21] =	ssyncset.done $0x0  }
0x95: {  	[sflag:s21] =	ssyncadd.s32 $0xFFFFC000  }
.Ltmp5:
0x96: {  	_ =	swait.ge [sflag:s21], $0x4000;
	(pc) =	sbr.rel @p1 .LBB2_4-.Ltmp5, $4  }
0x97: {  	[sflag:s21] =	ssyncset.done $0x0  }
0x98: {  	[sflag:s21] =	ssyncadd.s32 $0xFFFFC000  }
0x99: {  	_ =	swait.ge [sflag:s21], $0x4000  }
0x9a: {  	s23 =	sadd.s32 $0x800, s23;
	[sflag:s21] =	ssyncset.done $0x0  }
.Ltmp6:
0x9b: {  	_ = 	snop;
	(pc) =	sbr.rel .LBB2_5-.Ltmp6, $1  }
0x9c: {  	_ =	sdelay $0x3  }
.LBB2_7:
0x9d: {  	_ =	sfence.sel $0x180000  }
0x9e: {  	[bflag:$0x0] =	sbarrier.arrive $0xFFFF  }
0x9f: {  	p0 =	sne.s32 s1, $0x0;
	_ =	strace $0x9000004D  }
0xa0: {  	s0 =	sadd.s32 @!p0 $0x100000, s0;
	[bflag:$0x2] =	sbarrier.arrive $0xFFFF  }
0xa1: {  	[sflag:s0] =	ssyncadd.tile.s32 @!p0 $0x1;
	_ =	shalt  }
.Lfunc_end2:
_tile_overlayer_lowered:
.L_overlay_start_2:
0xa2: {  	(tag) =	ssettag $0x2  }
0xa3: {  	s0 =	rddreg [dreg:$0x0];
	s2 =	stileid.u32  }
0xa4: {  	s1 =	rddreg [dreg:$0x1];
	p0 =	sne.s32 s2, $0x0  }
0xa5: {  	s3 =	rddreg [dreg:$0x2];
	[bflag:$0x3] =	sbarrier.arrive $0xFFFF;
	s2 =	simm.s32 @!p0 $0x1C06  }
0xa6: {  	[timem:s3], [sflag:s2] =	dma.local @!p0 [hbm:s0], s1  }
0xa7: {  	s0 =	simm.s32 @!p0 $0x6  }
0xa8: {  	_ =	swait.ge @!p0 [sflag:s0], s1  }
0xa9: {  	s1 =	ssub.s32 @!p0 $0x0, s1;
	[sflag:s0] =	ssyncset.done @!p0 $0x0  }
0xaa: {  	[sflag:s0] =	ssyncadd.s32 @!p0 s1  }
0xab: {  	[bflag:$0x3] =	sbarrier.arrive $0xFFFF  }
0xac: {  	_ =	shalt  }

// kernel: kernel.8.cloned.1.call-start
scs
__scs_entry_jumppad:
0x0: {  	(pc) =	sbr.rel $0x88, $3  }
0x1: {  	(tag) =	ssettag $0x0;
	lr =	simm.s32 $0x1  }
0x2: {  	[smem:$0x3F95] =	sst lr;
	_ =	strace $0xD0000000  }
0x3: {  	_ = 	snop  }
0x4: {  	_ = 	snop  }
0x5: {  	_ = 	snop  }
0x6: {  	_ = 	snop  }
0x7: {  	_ = 	snop  }
__scs_overlays_trampoline_lowered:
0x8: {  	[smem:$0x3FA4] =	sst s0  }
0x9: {  	[smem:$0x3FA5] =	sst s1  }
0xa: {  	[smem:$0x3FA6] =	sst s2  }
0xb: {  	[smem:$0x3FA7] =	sst s3  }
0xc: {  	[smem:$0x3FA8] =	sst s4  }
0xd: {  	[smem:$0x3FA9] =	sst s5  }
0xe: {  	[smem:$0x3FAA] =	sst s6  }
0xf: {  	[smem:$0x3FAB] =	sst s7  }
0x10: {  	[smem:$0x3FAC] =	sst s8  }
0x11: {  	[smem:$0x3FAD] =	sst s9;
	s0 =	simm.s32 @!p0 $0x0  }
0x12: {  	s1 =	sld [smem:$0x3F93];
	s0 =	simm.s32 @p0 $0x1  }
0x13: {  	[smem:$0x3FAE] =	sst s0;
	s0 =	simm.s32 @!p1 $0x0  }
0x14: {  	s2 =	sld [smem:$0x3F92];
	s0 =	simm.s32 @p1 $0x1  }
0x15: {  	[smem:$0x3FAF] =	sst s0;
	s0 =	simm.s32 @!p2 $0x0  }
0x16: {  	s3 =	sld [smem:$0x3FDB];
	s0 =	simm.s32 @p2 $0x1  }
0x17: {  	s4 =	simm.s32 $0x1BF5;
	[smem:$0x3FB1] =	sst s0  }
0x18: {  	s0 =	sld [smem:$0x3F94];
	_ =	swait.ge [sflag:s4], $0x0  }
0x19: {  	s7 =	sld [smem:$0x3F95]  }
0x1a: {  	s8 =	sadd.s32 $0xFFFFE003, lr  }
0x1b: {  	s9 =	sadd.s32 $0xFFFFFEF7, lr;
	s5 =	simm.s32 $0xFFFFFFFF;
	p2 =	slt.u32 s8, $0xFFFFF086  }
0x1c: {  	p1 =	slt.u32 s9, $0xF7A;
	s5 =	simm.s32 @!p2 $0x0  }
0x1d: {  	s5 =	simm.s32 @p1 $0x1;
	p0 =	seq.s32 s7, s2  }
0x1e: {  	s7 =	smul.u32 @!p0 $0xF7A, s2;
	p2 =	seq.s32 @!p0 s5, $0x0  }
0x1f: {  	s9 =	smul.u32 $0xF7A, s1;
	s8 =	simm.s32 @!p0 $0x1BF5;
	p2 =	por !p2, p0  }
0x20: {  	[sflag:s8] =	ssyncset.s32 @!p0 $0xFFFFF086;
	s6 =	sadd.s32 @!p0 s3, s7;
	s7 =	simm.s32 @!p0 $0x108  }
0x21: {  	s3 =	sadd.s32 s3, s9;
	s6 =	sadd.s32 @!p0 $0x88, s6;
	s7 =	simm.s32 @p2 $0x1082  }
0x22: {  	[simem:s7], [sflag:s8] =	dma.local @!p0 [hbm:s6], $0xF7A  }
0x23: {  	s9 =	sor.u32 $0xD0000000, s2;
	s6 =	simm.s32 $0x108;
	_ =	swait.ge @!p0 [sflag:s8], $0x0  }
0x24: {  	s3 =	sadd.s32 $0x88, s3;
	s6 =	simm.s32 @!p1 $0x1082;
	[sflag:s4] =	ssyncset.s32 $0xFFFFF086  }
0x25: {  	[simem:s6], [sflag:s4] =	dma.local [hbm:s3], $0xF7A  }
0x26: {  	[smem:$0x3F95] =	sst s1;
	(tag) =	ssettag s2;
	_ =	strace s9  }
0x27: {  	s1 =	sld [smem:$0x3FA5]  }
0x28: {  	s2 =	sld [smem:$0x3FA6]  }
0x29: {  	s4 =	sld [smem:$0x3FA8]  }
0x2a: {  	p0 =	seq.s32 s5, $0x0;
	s5 =	sld [smem:$0x3FA9]  }
0x2b: {  	s6 =	sld [smem:$0x3FAA]  }
0x2c: {  	s7 =	sld [smem:$0x3FAB]  }
0x2d: {  	s3 =	simm.s32 $0x108;
	s8 =	sld [smem:$0x3FAC]  }
0x2e: {  	s3 =	simm.s32 @!p0 $0x1082;
	s9 =	sld [smem:$0x3FAD]  }
0x2f: {  	lr =	sadd.s32 s0, s3;
	s0 =	sld [smem:$0x3FA4]  }
0x30: {  	s3 =	sld [smem:$0x3FA7]  }
0x31: {  	[smem:$0x3FB0] =	sst s10  }
0x32: {  	s10 =	sld [smem:$0x3FAE];
	_ =	sdelay $0x3  }
0x33: {  	p0 =	seq.s32 s10, $0x1;
	s10 =	sld [smem:$0x3FB0];
	_ =	sdelay $0x3  }
0x34: {  	[smem:$0x3FB0] =	sst s10  }
0x35: {  	s10 =	sld [smem:$0x3FAF];
	_ =	sdelay $0x3  }
0x36: {  	p1 =	seq.s32 s10, $0x1;
	s10 =	sld [smem:$0x3FB0];
	_ =	sdelay $0x3  }
0x37: {  	[smem:$0x3FB0] =	sst s10  }
0x38: {  	s10 =	sld [smem:$0x3FB1]  }
0x39: {  	_ = 	snop;
	(pc) =	sbr.ind lr, $3  }
0x3a: {  	_ = 	snop  }
0x3b: {  	_ = 	snop  }
0x3c: {  	p2 =	seq.s32 s10, $0x1;
	s10 =	sld [smem:$0x3FB0]  }
0x3d: {  	_ =	shalt  }
0x3e: {  	_ =	shalt  }
0x3f: {  	_ =	shalt  }
0x40: {  	_ =	shalt  }
0x41: {  	_ =	shalt  }
0x42: {  	_ =	shalt  }
0x43: {  	_ =	shalt  }
0x44: {  	_ =	shalt  }
0x45: {  	_ =	shalt  }
0x46: {  	_ =	shalt  }
0x47: {  	_ =	shalt  }
0x48: {  	_ =	shalt  }
0x49: {  	_ =	shalt  }
0x4a: {  	_ =	shalt  }
0x4b: {  	_ =	shalt  }
0x4c: {  	_ =	shalt  }
0x4d: {  	_ =	shalt  }
0x4e: {  	_ =	shalt  }
0x4f: {  	_ =	shalt  }
0x50: {  	_ =	shalt  }
0x51: {  	_ =	shalt  }
0x52: {  	_ =	shalt  }
0x53: {  	_ =	shalt  }
0x54: {  	_ =	shalt  }
0x55: {  	_ =	shalt  }
0x56: {  	_ =	shalt  }
0x57: {  	_ =	shalt  }
0x58: {  	_ =	shalt  }
0x59: {  	_ =	shalt  }
0x5a: {  	_ =	shalt  }
0x5b: {  	_ =	shalt  }
0x5c: {  	_ =	shalt  }
0x5d: {  	_ =	shalt  }
0x5e: {  	_ =	shalt  }
0x5f: {  	_ =	shalt  }
0x60: {  	_ =	shalt  }
0x61: {  	_ =	shalt  }
0x62: {  	_ =	shalt  }
0x63: {  	_ =	shalt  }
0x64: {  	_ =	shalt  }
0x65: {  	_ =	shalt  }
0x66: {  	_ =	shalt  }
0x67: {  	_ =	shalt  }
0x68: {  	_ =	shalt  }
0x69: {  	_ =	shalt  }
0x6a: {  	_ =	shalt  }
0x6b: {  	_ =	shalt  }
0x6c: {  	_ =	shalt  }
0x6d: {  	_ =	shalt  }
0x6e: {  	_ =	shalt  }
0x6f: {  	_ =	shalt  }
0x70: {  	_ =	shalt  }
0x71: {  	_ =	shalt  }
0x72: {  	_ =	shalt  }
0x73: {  	_ =	shalt  }
0x74: {  	_ =	shalt  }
0x75: {  	_ =	shalt  }
0x76: {  	_ =	shalt  }
0x77: {  	_ =	shalt  }
0x78: {  	_ =	shalt  }
0x79: {  	_ =	shalt  }
0x7a: {  	_ =	shalt  }
0x7b: {  	_ =	shalt  }
0x7c: {  	_ =	shalt  }
0x7d: {  	_ =	shalt  }
0x7e: {  	_ =	shalt  }
0x7f: {  	_ =	shalt  }
0x80: {  	_ =	shalt  }
0x81: {  	_ =	shalt  }
0x82: {  	_ =	shalt  }
0x83: {  	_ =	shalt  }
0x84: {  	_ =	shalt  }
0x85: {  	_ =	shalt  }
0x86: {  	_ =	shalt  }
0x87: {  	_ =	shalt  }
.Lfunc_end0:
.L_simem_size_0:
called_computation_lowered:
.L_overlay_start_0:
0x88: {  	s2 =	sld [smem:$0x3FD9]  }
0x89: {  	s3 =	sld [smem:$0x3FFE];
	_ =	sdelay $0x1  }
0x8a: {  	s1 =	srdreg.scid  }
0x8b: {  	s0 =	sand.u32 $0x1, s1  }
0x8c: {  	s17 =	sshll.u32 s0, $0xA;
	s2 =	sadd.s32 s3, s2  }
0x8d: {  	s2 =	sadd.s32 s2, s17  }
0x8e: {  	[smem:$0x3FBC] =	sst s2  }
0x8f: {  	_ = 	snop  }
0x90: {  	s2 =	sld [smem:$0x3FC7];
	(tm) =	ssettm $0x1  }
0x91: {  	s18 =	sld [smem:$0x3FFB];
	_ =	sdelay $0x3  }
0x92: {  	_ =	strace s18  }
0x93: {  	s3 =	sld [smem:$0x3FFC];
	_ =	sdelay $0x3  }
0x94: {  	_ =	strace s3  }
0x95: {  	s3 =	sld [smem:$0x3FFD];
	_ =	sdelay $0x3  }
0x96: {  	_ =	strace s3  }
0x97: {  	_ =	strace $0x8FFFFFFF  }
0x98: {  	s19 =	sld [smem:$0x3FDB];
	_ =	sdelay $0x1  }
0x99: {  	s4 =	simm.s32 $_scs_section_size  }
0x9a: {  	s5 =	simm.s32 $_size__tile_overlayer_lowered;
	s6 =	simm.s32 $_tile_overlayer_lowered  }
0x9b: {  	s22 =	simm.s32 $0x1BFF;
	s21 =	sshll.u32 s6, $0x1;
	s3 =	sadd.s32 s4, s19  }
0x9c: {  	s7 =	simm.s32 $0x0;
	s20 =	sshll.u32 s5, $0x1;
	s5 =	sadd.s32 s21, s3  }
0x9d: {  	[timem:s7], [sflag:s22] =	dma.local [hbm:s5], s20  }
0x9e: {  	_ =	swait.ge [sflag:s22], s20  }
0x9f: {  	s4 =	ssub.s32 $0x0, s20;
	[sflag:s22] =	ssyncset.done $0x0  }
0xa0: {  	[sflag:s22] =	ssyncadd.s32 s4;
	_ =	sdelay $0x1  }
0xa1: {  	s23 =	simm.s32 $0x1B8B  }
0xa2: {  	_ =	swait.ge [sflag:s23], $0x1  }
0xa3: {  	[sflag:s23] =	ssyncset.done $0x0  }
0xa4: {  	s25 =	simm.s32 $0x1B8E;
	s24 =	sld [smem:$0x3FFE];
	[sflag:s23] =	ssyncadd.s32 $0xFFFFFFFF  }
0xa5: {  	s26 =	simm.s32 $execute0_lowered;
	[smem:$0x3FD2] =	sst s25  }
0xa6: {  	s5 =	sshll.u32 s26, $0x1;
	_ =	strace $0x80000046;
	[dreg:$0x1] =	wrdreg $0xFFFFFFFF  }
0xa7: {  	s28 =	simm.s32 $_size_execute0_lowered;
	s3 =	sadd.s32 s3, s5;
	[dreg:$0x0] =	wrdreg $0x0  }
0xa8: {  	s5 =	sshll.u32 s28, $0x1;
	[dreg:$0x2] =	wrdreg s3  }
0xa9: {  	[dreg:$0x3] =	wrdreg s5  }
0xaa: {  	[dreg:$0x4] =	wrdreg $0xC0  }
0xab: {  	_ =	task [dreg:s7], $0x5FFFF  }
0xac: {  	[dreg:$0x1] =	wrdreg $0xFFFFFFFF  }
0xad: {  	[dreg:$0x0] =	wrdreg $0x60  }
0xae: {  	[dreg:$0x2] =	wrdreg s2  }
0xaf: {  	[dreg:$0x3] =	wrdreg s24  }
0xb0: {  	[dreg:$0x4] =	wrdreg $0x9  }
0xb1: {  	_ =	task.clear_ibuf [dreg:s7], $0x5FFFF;
	_ =	strace $0x90000046  }
0xb2: {  	s29 =	simm.s32 $0x9;
	_ =	strace $0x80000048  }
0xb3: {  	_ =	swait.ge [sflag:s29], $0x1  }
0xb4: {  	[sflag:s29] =	ssyncadd.s32 $0xFFFFFFFF  }
0xb5: {  	_ =	strace $0x90000048  }
0xb6: {  	_ =	sfence  }
0xb7: {  	s30 =	sld [smem:$0x0];
	_ =	sdelay $0x2  }
0xb8: {  	s31 =	sshll.u32 s1, $0xD;
	s1 =	sshrl.u32 s1, $0x2  }
0xb9: {  	s3 =	sand.u32 $0x4000, s31;
	s1 =	sadd.s32 s1, s30  }
0xba: {  	s0 =	sor.u32 s3, s0;
	s1 =	sshll.u32 s1, $0x11  }
0xbb: {  	s0 =	sor.u32 s1, s0  }
0xbc: {  	s0 =	sadd.s32 $0x8F2B, s0  }
0xbd: {  	[sflag:s0] =	ssyncadd.remote.s32 $0x1  }
0xbe: {  	_ =	sfence.sel $0xFFFF  }
0xbf: {  	[dreg:$0x0] =	wrdreg $0xFFFFFFFF;
	(pc) =	sbr.abs _section_cstart, $3  }
0xc0: {  	[dreg:$0x1] =	wrdreg $0xFFFFFFFF  }
0xc1: {  	_ =	task.clear_ibuf [dreg:s7], $0x2FFFF;
	_ =	strace $0x9FFFFFFF  }
0xc2: {  	(tm) =	ssettm $0x7FFFFFFF  }
0xc3: {  	_ =	shalt  }
tec
execute0_lowered:
.L_overlay_start_1:
0x0: {  	(tag) =	ssettag $0x1  }
0x1: {  	s2 =	rddreg [dreg:$0x0]  }
0x2: {  	s4 =	rddreg [dreg:$0x1]  }
0x3: {  	s0 =	rddreg [dreg:$0x2]  }
0x4: {  	s5 =	srdreg.scid;
	s1 =	stileid.u32  }
0x5: {  	s3 =	simm.s32 $0x0;
	v0 =	vimm.s32 $0xFFEDCBA9;
	v1 =	vimm.s32 $0x87654321;
	s10 =	simm.s32 $0x4C80;
	s11 =	simm.s32 $0x5C80  }
0x6: {  	s12 =	simm.s32 $0x6C80;
	s5 =	sand.u32 $0x1, s5;
	s6 =	sshll.u32 s1, $0x1;
	v0 =	vunpack.c.l.s4.s8 v0;
	v1 =	vunpack.c.l.s4.s8 v1  }
0x7: {  	s13 =	simm.s32 $0x0;
	[smem:$0x7FF] =	sst s3;
	s8 =	sor.u32 s5, s6  }
.Ltmp0:
0x8: {  	_ =	strace $0x80000047;
	s5 =	ssub.s32 $0x2, s5;
	v0 =	vunpack.c.0.s8.s32 v0;
	v1 =	vunpack.c.0.s8.s32 v1;
	(pc) =	sbr.rel .LBB2_1-.Ltmp0, $4  }
0x9: {  	s6 =	sshll.u32 s8, $0x4;
	s7 =	sshll.u32 s8, $0x9;
	s9 =	sshrl.u32 s5, $0x1  }
0xa: {  	s6 =	sadd.s32 s6, s4;
	s7 =	sadd.s32 s7, s4;
	s9 =	ssub.s32 s5, s9;
	v3 =	vcombine.low v1, v0  }
0xb: {  	v2 =	vlaneseq.u32;
	vm0 =	vcmask $0x3F3C;
	v4 =	vimm.s32 $0x0;
	s4 =	sadd.s32 $0xAA00, s6;
	s5 =	sadd.s32 $0x2A00, s7;
	s6 =	sadd.s32 $0x6A00, s7  }
0xc: {  	s7 =	smax.u32 s9, $0x1;
	v0 =	vmov s8;
	s8 =	simm.s32 $0x1;
	v1 =	vimm.s32 $0xFFFFFFFF;
	s9 =	simm.s32 $0x4000;
	v3 =	vand.u32 $0xF, v3  }
.LBB2_10:
0xd: {  	_ =	sdelay $0x3  }
0xe: {  	[tilespmem:v9+s10+$0x0] =	vst.idx.msk $0xffff, v5  }
0xf: {  	[tilespmem:v9+s11+$0x0] =	vst.idx.msk $0xffff, v6  }
0x10: {  	[tilespmem:v8+s10+$0x0] =	vst.idx.msk $0xffff, v5  }
0x11: {  	[tilespmem:v8+s11+$0x0] =	vst.idx.msk $0xffff, v6  }
0x12: {  	[tilespmem:v7+s10+$0x0] =	vst.idx.msk $0xffff, v5  }
0x13: {  	[tilespmem:v7+s11+$0x0] =	vst.idx.msk $0xffff, v6  }
.LBB2_11:
0x14: {  	v5 =	vmov s14  }
0x15: {  	[tilespmem:$0x6C80] =	vst v5  }
0x16: {  	[hbm4b:s4+s3] =	stream.linear.scatter [tilespmem:s12], [sflag:$0x1], $0x10, $0x38;
	[tilespmem:$0x6D00] =	vst v63  }
0x17: {  	_ =	swait.ge [sflag:s8], $0x10  }
0x18: {  	[sflag:s8] =	ssyncset.done $0x0  }
0x19: {  	[sflag:s8] =	ssyncadd.s32 $0xFFFFFFF0  }
0x1a: {  	[hbm4b:s5+s3] =	stream.linear.scatter [tilespmem:s10], [sflag:$0x1], $0x1000, $0x38;
	[tilespmem:$0x6D00] =	vst v63  }
0x1b: {  	s13 =	sadd.s32 $0x1, s13;
	_ =	swait.ge [sflag:s8], $0x1000  }
0x1c: {  	p0 =	sne.s32 s13, s7;
	[sflag:s8] =	ssyncset.done $0x0  }
.Ltmp1:
0x1d: {  	[sflag:s8] =	ssyncadd.s32 $0xFFFFF000;
	(pc) =	sbr.rel @!p0 .LBB2_12-.Ltmp1, $4  }
0x1e: {  	[hbm4b:s6+s3] =	stream.linear.scatter [tilespmem:s11], [sflag:$0x1], $0x1000, $0x38;
	[tilespmem:$0x6D00] =	vst v63  }
0x1f: {  	_ =	swait.ge [sflag:s8], $0x1000  }
0x20: {  	[sflag:s8] =	ssyncset.done $0x0  }
0x21: {  	[sflag:s8] =	ssyncadd.s32 $0xFFFFF000  }
.LBB2_1:
0x22: {  	[tilespmem:s3], [sflag:$0x1] =	stream.linear.gather [hbm4b:s2+s3], $0x4000, $0x38;
	[tilespmem:$0x6D00] =	vst v63  }
0x23: {  	_ =	swait.ge [sflag:s8], $0x4000  }
0x24: {  	[sflag:s8] =	ssyncset.done $0x0  }
0x25: {  	s14 =	simm.s32 $0x4040;
	[sflag:s8] =	ssyncadd.s32 $0xFFFFC000  }
0x26: {  	[tilespmem:s14+$0xFFFFFFC0] =	vst v1  }
0x27: {  	[tilespmem:s14+$0x30] =	vst v1  }
0x28: {  	[tilespmem:s14+$0x20] =	vst v1  }
0x29: {  	[tilespmem:s14+$0x10] =	vst v1  }
0x2a: {  	[tilespmem:s14+$0x0] =	vst v1  }
0x2b: {  	[tilespmem:s14+$0xFFFFFFF0] =	vst v1  }
0x2c: {  	s15 =	simm.s32 $0x0;
	[tilespmem:s14+$0xFFFFFFE0] =	vst v1  }
.LBB2_2:
0x2d: {  	s15 =	sadd.s32 $0x8, s15;
	[tilespmem:s14+$0xFFFFFFD0] =	vst v1;
	s14 =	sadd.s32 $0x80, s14  }
0x2e: {  	[tilespmem:s14+$0xFFFFFFC0] =	vst v1;
	p0 =	slt.u32 s15, $0xB8  }
0x2f: {  	[tilespmem:s14+$0x30] =	vst v1  }
.Ltmp2:
0x30: {  	[tilespmem:s14+$0x20] =	vst v1;
	(pc) =	sbr.rel @p0 .LBB2_2-.Ltmp2, $4  }
0x31: {  	[tilespmem:s14+$0x10] =	vst v1  }
0x32: {  	[tilespmem:s14+$0x0] =	vst v1  }
0x33: {  	[tilespmem:s14+$0xFFFFFFF0] =	vst v1  }
0x34: {  	[tilespmem:s14+$0xFFFFFFE0] =	vst v1  }
0x35: {  	[tilespmem:s14+$0xFFFFFFD0] =	vst v1  }
0x36: {  	[tilespmem:$0x4C00] =	vst v1  }
0x37: {  	[tilespmem:$0x4C10] =	vst v1  }
0x38: {  	s15 =	simm.s32 $0xFFFFFFFC;
	s14 =	simm.s32 $0x0;
	[tilespmem:$0x4C20] =	vst v1  }
0x39: {  	s16 =	simm.s32 $0x20;
	s17 =	simm.s32 $0x0;
	s18 =	simm.s32 $0xFFFFFFFC;
	[tilespmem:$0x4C30] =	vst v1  }
.LBB2_4:
0x3a: {  	v5 =	vld [tilespmem:s16+$0xFFFFFFE0];
	_ =	sdelay $0x4  }
0x3b: {  	v6 =	vshll.u32 v5, $0x9  }
0x3c: {  	v6 =	vand.u32 $0xFFFFC000, v6  }
0x3d: {  	v5 =	vand.u32 $0x1F, v5;
	v6 =	vor.u32 s17, v6  }
0x3e: {  	vm1 =	veq.s32 v5, v0;
	v5 =	vor.u32 v2, v6  }
0x3f: {  	v5 =	vnsel vm1, $0x7FFFFFFF, v5  }
0x40: {  	v6 =	vxor.u32 $0x80000000, v5  }
0x41: {  	(xrf1) =	vsort.ascd.msk.u32 $0xffff, v6, v5;
	_ =	sdelay $0xd  }
0x42: {  	v5, _, _ =	vpop (xrf1)  }
0x43: {  	v6 =	vxor.u32 $0x80000000, v5  }
0x44: {  	v7 =	vperm.xlane v6, v3;
	_ =	sdelay $0x1  }
0x45: {  	v8 =	vshrl.u32 v6, $0xE;
	v7 =	vshrl.u32 v7, $0xE  }
0x46: {  	vm1 =	vne.s32 v8, v7  }
0x47: {  	vm2 =	vne.s32 v5, $0xFFFFFFFF;
	vm1 =	vmor vm1, vm0  }
0x48: {  	vm1 =	vmand vm2, vm1;
	_ =	sdelay $0x5  }
0x49: {  	[tilespmem:v8+s9+$0x0] =	vst.idx.msk vm1, v6  }
0x4a: {  	v5 =	vld [tilespmem:s16+$0xFFFFFFF0];
	_ =	sdelay $0x4  }
0x4b: {  	v6 =	vshll.u32 v5, $0x9  }
0x4c: {  	s19 =	sadd.s32 $0x10, s17;
	v6 =	vand.u32 $0xFFFFC000, v6  }
0x4d: {  	v5 =	vand.u32 $0x1F, v5;
	v6 =	vor.u32 s19, v6  }
0x4e: {  	vm1 =	veq.s32 v5, v0;
	v5 =	vor.u32 v2, v6  }
0x4f: {  	v5 =	vnsel vm1, $0x7FFFFFFF, v5  }
0x50: {  	v6 =	vxor.u32 $0x80000000, v5  }
0x51: {  	(xrf1) =	vsort.ascd.msk.u32 $0xffff, v6, v5;
	_ =	sdelay $0xd  }
0x52: {  	v5, _, _ =	vpop (xrf1)  }
0x53: {  	v6 =	vxor.u32 $0x80000000, v5  }
0x54: {  	v7 =	vperm.xlane v6, v3;
	_ =	sdelay $0x1  }
0x55: {  	v61 =	vshrl.u32 v6, $0xE;
	v7 =	vshrl.u32 v7, $0xE  }
0x56: {  	vm1 =	vne.s32 v61, v7  }
0x57: {  	vm2 =	vne.s32 v5, $0xFFFFFFFF;
	vm1 =	vmor vm1, vm0  }
0x58: {  	vm1 =	vmand vm2, vm1;
	_ =	sdelay $0x5  }
0x59: {  	[tilespmem:v61+s9+$0x0] =	vst.idx.msk vm1, v6  }
0x5a: {  	v5 =	vld [tilespmem:s16+$0x0];
	_ =	sdelay $0x4  }
0x5b: {  	v6 =	vshll.u32 v5, $0x9  }
0x5c: {  	s30 =	sadd.s32 $0x20, s17;
	v6 =	vand.u32 $0xFFFFC000, v6  }
0x5d: {  	v5 =	vand.u32 $0x1F, v5;
	v6 =	vor.u32 s30, v6  }
0x5e: {  	vm1 =	veq.s32 v5, v0;
	v5 =	vor.u32 v2, v6  }
0x5f: {  	v5 =	vnsel vm1, $0x7FFFFFFF, v5  }
0x60: {  	v6 =	vxor.u32 $0x80000000, v5  }
0x61: {  	(xrf1) =	vsort.ascd.msk.u32 $0xffff, v6, v5;
	_ =	sdelay $0xd  }
0x62: {  	v5, _, _ =	vpop (xrf1)  }
0x63: {  	v6 =	vxor.u32 $0x80000000, v5  }
0x64: {  	v7 =	vperm.xlane v6, v3;
	_ =	sdelay $0x1  }
0x65: {  	v62 =	vshrl.u32 v6, $0xE;
	v7 =	vshrl.u32 v7, $0xE  }
0x66: {  	vm1 =	vne.s32 v62, v7  }
0x67: {  	vm2 =	vne.s32 v5, $0xFFFFFFFF;
	vm1 =	vmor vm1, vm0  }
0x68: {  	vm1 =	vmand vm2, vm1;
	_ =	sdelay $0x5  }
0x69: {  	[tilespmem:v62+s9+$0x0] =	vst.idx.msk vm1, v6  }
0x6a: {  	v5 =	vld [tilespmem:s16+$0x10];
	_ =	sdelay $0x4  }
0x6b: {  	v6 =	vshll.u32 v5, $0x9  }
0x6c: {  	s31 =	sadd.s32 $0x30, s17;
	v6 =	vand.u32 $0xFFFFC000, v6  }
0x6d: {  	v5 =	vand.u32 $0x1F, v5;
	v6 =	vor.u32 s31, v6  }
0x6e: {  	vm1 =	veq.s32 v5, v0;
	v5 =	vor.u32 v2, v6  }
0x6f: {  	v5 =	vnsel vm1, $0x7FFFFFFF, v5  }
0x70: {  	v6 =	vxor.u32 $0x80000000, v5  }
0x71: {  	(xrf1) =	vsort.ascd.msk.u32 $0xffff, v6, v5;
	_ =	sdelay $0xd  }
0x72: {  	v5, _, _ =	vpop (xrf1)  }
0x73: {  	v6 =	vxor.u32 $0x80000000, v5  }
0x74: {  	v7 =	vperm.xlane v6, v3;
	_ =	sdelay $0x1  }
0x75: {  	v63 =	vshrl.u32 v6, $0xE;
	v7 =	vshrl.u32 v7, $0xE  }
0x76: {  	vm1 =	vne.s32 v63, v7  }
0x77: {  	vm2 =	vne.s32 v5, $0xFFFFFFFF;
	vm1 =	vmor vm1, vm0  }
0x78: {  	s18 =	sadd.s32 $0x4, s18;
	vm1 =	vmand vm2, vm1  }
0x79: {  	p0 =	slt.u32 s18, $0x3FC  }
.Ltmp3:
0x7a: {  	_ = 	snop;
	(pc) =	sbr.rel @p0 .LBB2_4-.Ltmp3, $2  }
0x7b: {  	_ =	sdelay $0x2  }
0x7c: {  	s17 =	sadd.s32 $0x40, s17;
	s19 =	simm.s32 $0x4020;
	s16 =	sadd.s32 $0x40, s16;
	[tilespmem:v63+s9+$0x0] =	vst.idx.msk vm1, v6  }
0x7d: {  	v5 =	vld [tilespmem:s19+$0xFFFFFFE0];
	_ =	sdelay $0x4  }
0x7e: {  	vm1 =	vgt.s32 v5, $0xFFFFFFFF  }
0x7f: {  	v6 =	vsel vm1, $0x1, v4  }
0x80: {  	(xrf0) =	vadd.scan.msk.s32 $0xffff, v6;
	_ =	sdelay $0x5  }
0x81: {  	v6 =	vsel vm1, $0xFFFFFFFF, v4;
	v7, _, _ =	vpop (xrf0)  }
0x82: {  	v6 =	vadd.s32 s14, v6;
	v8 =	vxor.u32 $0x80000000, v7  }
0x83: {  	v6 =	vadd.s32 v7, v6;
	(xrf0) =	vmax.scan.msk.u32 $0xffff, v8;
	_ =	sdelay $0x2  }
0x84: {  	v7 =	vshrl.u32 v5, $0x9;
	v5 =	vand.u32 $0x3FFF, v5  }
0x85: {  	v7 =	vand.u32 $0x7FFFE0, v7  }
0x86: {  	v7 =	vor.u32 v0, v7;
	[tilespmem:v6+s10+$0x0] =	vst.idx.msk vm1, v5  }
0x87: {  	[tilespmem:v6+s11+$0x0] =	vst.idx.msk vm1, v7;
	v5, _, _ =	vpop (xrf0)  }
0x88: {  	v6 =	vld [tilespmem:s19+$0xFFFFFFF0];
	(v2sf) =	vpush v5, $0xF;
	_ =	sdelay $0x4  }
0x89: {  	vm1 =	vgt.s32 v6, $0xFFFFFFFF  }
0x8a: {  	v5 =	vsel vm1, $0x1, v4  }
0x8b: {  	(xrf0) =	vadd.scan.msk.s32 $0xffff, v5;
	_ =	sdelay $0x5  }
0x8c: {  	v5, _, _ =	vpop (xrf0)  }
0x8d: {  	v7 =	vxor.u32 $0x80000000, v5  }
0x8e: {  	(xrf0) =	vmax.scan.msk.u32 $0xffff, v7;
	s16 =	spop (v2sf)  }
0x8f: {  	v7 =	vsel vm1, $0xFFFFFFFF, v4;
	s29 =	sadd.s32 s16, s14  }
0x90: {  	v5 =	vadd.s32 v7, v5;
	s14 =	sadd.s32 $0x80000000, s29  }
0x91: {  	v5 =	vadd.s32 s14, v5;
	_ =	sdelay $0x2  }
0x92: {  	v7 =	vshrl.u32 v6, $0x9;
	v8, _, _ =	vpop (xrf0)  }
0x93: {  	v6 =	vand.u32 $0x3FFF, v6;
	v7 =	vand.u32 $0x7FFFE0, v7;
	(v2sf) =	vpush v8, $0xF  }
0x94: {  	v7 =	vor.u32 v0, v7;
	[tilespmem:v5+s10+$0x0] =	vst.idx.msk vm1, v6  }
0x95: {  	[tilespmem:v5+s11+$0x0] =	vst.idx.msk vm1, v7  }
0x96: {  	v5 =	vld [tilespmem:s19+$0x0];
	_ =	sdelay $0x4  }
0x97: {  	vm1 =	vgt.s32 v5, $0xFFFFFFFF  }
0x98: {  	v6 =	vsel vm1, $0x1, v4  }
0x99: {  	(xrf0) =	vadd.scan.msk.s32 $0xffff, v6;
	_ =	sdelay $0x4  }
0x9a: {  	s30 =	spop (v2sf)  }
0x9b: {  	v6 =	vsel vm1, $0xFFFFFFFF, v4;
	s14 =	sadd.s32 s30, s14;
	v7, _, _ =	vpop (xrf0)  }
0x9c: {  	s14 =	sadd.s32 $0x80000000, s14;
	v6 =	vadd.s32 v6, v7  }
0x9d: {  	v7 =	vxor.u32 $0x80000000, v7;
	v6 =	vadd.s32 s14, v6  }
0x9e: {  	(xrf0) =	vmax.scan.msk.u32 $0xffff, v7;
	_ =	sdelay $0x1  }
0x9f: {  	v8 =	vshrl.u32 v5, $0x9  }
0xa0: {  	v5 =	vand.u32 $0x3FFF, v5;
	v8 =	vand.u32 $0x7FFFE0, v8  }
0xa1: {  	v8 =	vor.u32 v0, v8;
	[tilespmem:v6+s10+$0x0] =	vst.idx.msk vm1, v5  }
0xa2: {  	[tilespmem:v6+s11+$0x0] =	vst.idx.msk vm1, v8  }
0xa3: {  	v6, _, _ =	vpop (xrf0);
	v5 =	vld [tilespmem:s19+$0x10]  }
0xa4: {  	(v2sf) =	vpush v6, $0xF;
	_ =	sdelay $0x3  }
0xa5: {  	vm1 =	vgt.s32 v5, $0xFFFFFFFF  }
0xa6: {  	v6 =	vsel vm1, $0x1, v4  }
0xa7: {  	(xrf0) =	vadd.scan.msk.s32 $0xffff, v6;
	_ =	sdelay $0x5  }
0xa8: {  	v6, _, _ =	vpop (xrf0)  }
0xa9: {  	v7 =	vxor.u32 $0x80000000, v6  }
0xaa: {  	(xrf0) =	vmax.scan.msk.u32 $0xffff, v7  }
0xab: {  	s31 =	spop (v2sf)  }
0xac: {  	v8 =	vsel vm1, $0xFFFFFFFF, v4;
	s14 =	sadd.s32 s31, s14  }
0xad: {  	v6 =	vadd.s32 v8, v6;
	s16 =	sadd.s32 $0x80000000, s14  }
0xae: {  	v6 =	vadd.s32 s16, v6;
	_ =	sdelay $0x1  }
0xaf: {  	v7, _, _ =	vpop (xrf0)  }
0xb0: {  	(v2sf) =	vpush v7, $0xF;
	v7 =	vshrl.u32 v5, $0x9  }
0xb1: {  	v5 =	vand.u32 $0x3FFF, v5;
	v7 =	vand.u32 $0x7FFFE0, v7  }
0xb2: {  	[tilespmem:v6+s10+$0x0] =	vst.idx.msk vm1, v5;
	v7 =	vor.u32 v0, v7  }
0xb3: {  	s14 =	sadd.s32 $0x40, s19;
	[tilespmem:v6+s11+$0x0] =	vst.idx.msk vm1, v7  }
0xb4: {  	v5 =	vld [tilespmem:s14+$0xFFFFFFE0];
	_ =	sdelay $0x4  }
0xb5: {  	vm1 =	vgt.s32 v5, $0xFFFFFFFF  }
0xb6: {  	v8 =	vsel vm1, $0x1, v4  }
0xb7: {  	(xrf0) =	vadd.scan.msk.s32 $0xffff, v8;
	_ =	sdelay $0x3  }
0xb8: {  	s15 =	sadd.s32 $0x4, s15;
	v6 =	vshrl.u32 v5, $0x9;
	s17 =	spop (v2sf)  }
0xb9: {  	s15 =	sadd.s32 $0x4, s15;
	v7 =	vsel vm1, $0xFFFFFFFF, v4;
	v6 =	vand.u32 $0x7FFFE0, v6;
	s16 =	sadd.s32 s17, s16  }
.LBB2_6:
0xba: {  	s15 =	sadd.s32 $0x4, s15;
	v8, _, _ =	vpop (xrf0);
	s16 =	sadd.s32 $0x80000000, s16  }
0xbb: {  	p0 =	slt.u32 s15, $0xC0;
	v7 =	vadd.s32 s16, v7;
	v9 =	vxor.u32 $0x80000000, v8  }
0xbc: {  	v7 =	vadd.s32 v8, v7;
	(xrf0) =	vmax.scan.msk.u32 $0xffff, v9;
	_ =	sdelay $0x3  }
0xbd: {  	v8 =	vand.u32 $0x3FFF, v5  }
0xbe: {  	v6 =	vor.u32 v0, v6;
	[tilespmem:v7+s10+$0x0] =	vst.idx.msk vm1, v8  }
0xbf: {  	[tilespmem:v7+s11+$0x0] =	vst.idx.msk vm1, v6;
	v5, _, _ =	vpop (xrf0)  }
0xc0: {  	v6 =	vld [tilespmem:s14+$0xFFFFFFF0];
	(v2sf) =	vpush v5, $0xF;
	_ =	sdelay $0x4  }
0xc1: {  	vm1 =	vgt.s32 v6, $0xFFFFFFFF;
	v5 =	vshrl.u32 v6, $0x9  }
0xc2: {  	v7 =	vsel vm1, $0x1, v4;
	v5 =	vand.u32 $0x7FFFE0, v5  }
0xc3: {  	(xrf0) =	vadd.scan.msk.s32 $0xffff, v7;
	_ =	sdelay $0x5  }
0xc4: {  	v7, _, _ =	vpop (xrf0)  }
0xc5: {  	v8 =	vxor.u32 $0x80000000, v7  }
0xc6: {  	s17 =	spop (v2sf);
	(xrf0) =	vmax.scan.msk.u32 $0xffff, v8  }
0xc7: {  	v8 =	vsel vm1, $0xFFFFFFFF, v4;
	s16 =	sadd.s32 s17, s16  }
0xc8: {  	v7 =	vadd.s32 v8, v7;
	s16 =	sadd.s32 $0x80000000, s16  }
0xc9: {  	v7 =	vadd.s32 s16, v7;
	_ =	sdelay $0x2  }
0xca: {  	v8, _, _ =	vpop (xrf0)  }
0xcb: {  	v6 =	vand.u32 $0x3FFF, v6;
	(v2sf) =	vpush v8, $0xF  }
0xcc: {  	v5 =	vor.u32 v0, v5;
	[tilespmem:v7+s10+$0x0] =	vst.idx.msk vm1, v6  }
0xcd: {  	[tilespmem:v7+s11+$0x0] =	vst.idx.msk vm1, v5  }
0xce: {  	v5 =	vld [tilespmem:s14+$0x0];
	_ =	sdelay $0x4  }
0xcf: {  	vm1 =	vgt.s32 v5, $0xFFFFFFFF;
	v6 =	vshrl.u32 v5, $0x9  }
0xd0: {  	v7 =	vsel vm1, $0x1, v4;
	v6 =	vand.u32 $0x7FFFE0, v6  }
0xd1: {  	(xrf0) =	vadd.scan.msk.s32 $0xffff, v7;
	_ =	sdelay $0x4  }
0xd2: {  	s17 =	spop (v2sf)  }
0xd3: {  	v7 =	vsel vm1, $0xFFFFFFFF, v4;
	s16 =	sadd.s32 s17, s16;
	v8, _, _ =	vpop (xrf0)  }
0xd4: {  	s16 =	sadd.s32 $0x80000000, s16;
	v7 =	vadd.s32 v7, v8;
	v8 =	vxor.u32 $0x80000000, v8  }
0xd5: {  	v7 =	vadd.s32 s16, v7;
	(xrf0) =	vmax.scan.msk.u32 $0xffff, v8;
	_ =	sdelay $0x3  }
0xd6: {  	v8 =	vand.u32 $0x3FFF, v5  }
0xd7: {  	v6 =	vor.u32 v0, v6;
	[tilespmem:v7+s10+$0x0] =	vst.idx.msk vm1, v8  }
0xd8: {  	[tilespmem:v7+s11+$0x0] =	vst.idx.msk vm1, v6;
	v5, _, _ =	vpop (xrf0)  }
0xd9: {  	v6 =	vld [tilespmem:s14+$0x10];
	(v2sf) =	vpush v5, $0xF;
	_ =	sdelay $0x4  }
0xda: {  	vm1 =	vgt.s32 v6, $0xFFFFFFFF;
	v5 =	vshrl.u32 v6, $0x9  }
0xdb: {  	v7 =	vsel vm1, $0x1, v4;
	v5 =	vand.u32 $0x7FFFE0, v5  }
0xdc: {  	(xrf0) =	vadd.scan.msk.s32 $0xffff, v7;
	_ =	sdelay $0x5  }
0xdd: {  	v7, _, _ =	vpop (xrf0)  }
0xde: {  	v8 =	vxor.u32 $0x80000000, v7  }
0xdf: {  	s17 =	spop (v2sf);
	(xrf0) =	vmax.scan.msk.u32 $0xffff, v8  }
0xe0: {  	s16 =	sadd.s32 s17, s16  }
0xe1: {  	v8 =	vsel vm1, $0xFFFFFFFF, v4  }
0xe2: {  	v7 =	vadd.s32 v8, v7;
	s16 =	sadd.s32 $0x80000000, s16  }
0xe3: {  	v7 =	vadd.s32 s16, v7;
	_ =	sdelay $0x1  }
0xe4: {  	v8, _, _ =	vpop (xrf0)  }
0xe5: {  	(v2sf) =	vpush v8, $0xF  }
0xe6: {  	v6 =	vand.u32 $0x3FFF, v6  }
0xe7: {  	v5 =	vor.u32 v0, v5;
	[tilespmem:v7+s10+$0x0] =	vst.idx.msk vm1, v6  }
0xe8: {  	s14 =	sadd.s32 $0x40, s14;
	[tilespmem:v7+s11+$0x0] =	vst.idx.msk vm1, v5  }
0xe9: {  	v5 =	vld [tilespmem:s14+$0xFFFFFFE0];
	_ =	sdelay $0x4  }
0xea: {  	vm1 =	vgt.s32 v5, $0xFFFFFFFF;
	v6 =	vshrl.u32 v5, $0x9  }
0xeb: {  	v7 =	vsel vm1, $0xFFFFFFFF, v4;
	v8 =	vsel vm1, $0x1, v4;
	v6 =	vand.u32 $0x7FFFE0, v6  }
0xec: {  	(xrf0) =	vadd.scan.msk.s32 $0xffff, v8  }
.Ltmp4:
0xed: {  	(pc) =	sbr.rel @p0 .LBB2_6-.Ltmp4, $3  }
0xee: {  	_ =	sdelay $0x1  }
0xef: {  	s17 =	spop (v2sf)  }
0xf0: {  	s16 =	sadd.s32 s17, s16  }
0xf1: {  	v8, _, _ =	vpop (xrf0);
	s15 =	sadd.s32 $0x80000000, s16  }
0xf2: {  	v7 =	vadd.s32 s15, v7;
	v9 =	vxor.u32 $0x80000000, v8  }
0xf3: {  	v7 =	vadd.s32 v8, v7;
	(xrf0) =	vmax.scan.msk.u32 $0xffff, v9;
	_ =	sdelay $0x2  }
0xf4: {  	v5 =	vand.u32 $0x3FFF, v5;
	_ =	sdelay $0x1  }
0xf5: {  	v6 =	vor.u32 v0, v6;
	[tilespmem:v7+s10+$0x0] =	vst.idx.msk vm1, v5  }
0xf6: {  	[tilespmem:v7+s11+$0x0] =	vst.idx.msk vm1, v6;
	v5, _, _ =	vpop (xrf0)  }
0xf7: {  	v6 =	vld [tilespmem:s14+$0xFFFFFFF0];
	(v2sf) =	vpush v5, $0xF;
	_ =	sdelay $0x4  }
0xf8: {  	vm1 =	vgt.s32 v6, $0xFFFFFFFF  }
0xf9: {  	v5 =	vsel vm1, $0x1, v4  }
0xfa: {  	(xrf0) =	vadd.scan.msk.s32 $0xffff, v5;
	_ =	sdelay $0x5  }
0xfb: {  	v5, _, _ =	vpop (xrf0)  }
0xfc: {  	v7 =	vxor.u32 $0x80000000, v5  }
0xfd: {  	s16 =	spop (v2sf);
	(xrf0) =	vmax.scan.msk.u32 $0xffff, v7  }
0xfe: {  	v7 =	vsel vm1, $0xFFFFFFFF, v4;
	s17 =	sadd.s32 s16, s15  }
0xff: {  	v5 =	vadd.s32 v7, v5;
	s18 =	sadd.s32 $0x80000000, s17  }
0x100: {  	v5 =	vadd.s32 s18, v5;
	_ =	sdelay $0x2  }
0x101: {  	v7 =	vshrl.u32 v6, $0x9;
	v61, _, _ =	vpop (xrf0)  }
0x102: {  	v6 =	vand.u32 $0x3FFF, v6;
	v7 =	vand.u32 $0x7FFFE0, v7;
	(v2sf) =	vpush v61, $0xF  }
0x103: {  	v7 =	vor.u32 v0, v7;
	[tilespmem:v5+s10+$0x0] =	vst.idx.msk vm1, v6  }
0x104: {  	[tilespmem:v5+s11+$0x0] =	vst.idx.msk vm1, v7  }
0x105: {  	v5 =	vld [tilespmem:s14+$0x0];
	_ =	sdelay $0x4  }
0x106: {  	vm1 =	vgt.s32 v5, $0xFFFFFFFF  }
0x107: {  	v6 =	vsel vm1, $0x1, v4  }
0x108: {  	(xrf0) =	vadd.scan.msk.s32 $0xffff, v6;
	_ =	sdelay $0x4  }
0x109: {  	s17 =	spop (v2sf)  }
0x10a: {  	v6 =	vsel vm1, $0xFFFFFFFF, v4;
	s18 =	sadd.s32 s17, s18;
	v7, _, _ =	vpop (xrf0)  }
0x10b: {  	s19 =	sadd.s32 $0x80000000, s18;
	v6 =	vadd.s32 v6, v7  }
0x10c: {  	v6 =	vadd.s32 s19, v6;
	_ =	sdelay $0x2  }
0x10d: {  	v62 =	vshrl.u32 v5, $0x9  }
0x10e: {  	v5 =	vand.u32 $0x3FFF, v5;
	v8 =	vand.u32 $0x7FFFE0, v62  }
0x10f: {  	v8 =	vor.u32 v0, v8;
	[tilespmem:v6+s10+$0x0] =	vst.idx.msk vm1, v5  }
0x110: {  	[tilespmem:v6+s11+$0x0] =	vst.idx.msk vm1, v8  }
0x111: {  	v5 =	vld [tilespmem:s14+$0x10];
	_ =	sdelay $0x4  }
0x112: {  	v6 =	vxor.u32 $0x80000000, v7;
	vm1 =	vgt.s32 v5, $0xFFFFFFFF  }
0x113: {  	(xrf0) =	vmax.scan.msk.u32 $0xffff, v6;
	v6 =	vsel vm1, $0x1, v4  }
0x114: {  	(xrf0) =	vadd.scan.msk.s32 $0xffff, v6;
	_ =	sdelay $0x4  }
0x115: {  	v6, _, _ =	vpop (xrf0)  }
0x116: {  	v7, _, _ =	vpop (xrf0)  }
0x117: {  	v63 =	vxor.u32 $0x80000000, v7  }
0x118: {  	(xrf0) =	vmax.scan.msk.u32 $0xffff, v63;
	_ =	sdelay $0x4  }
0x119: {  	(v2sf) =	vpush v6, $0xF  }
0x11a: {  	v6, _, _ =	vpop (xrf0)  }
0x11b: {  	(v2sf) =	vpush v6, $0xF;
	_ =	sdelay $0xc  }
0x11c: {  	s18 =	spop (v2sf)  }
0x11d: {  	v6 =	vsel vm1, $0xFFFFFFFF, v4;
	s31 =	sadd.s32 s18, s19  }
0x11e: {  	v6 =	vadd.s32 v6, v7;
	s14 =	sadd.s32 $0x80000000, s31;
	s19 =	spop (v2sf)  }
0x11f: {  	v6 =	vadd.s32 s14, v6;
	s14 =	sadd.s32 s19, s14  }
0x120: {  	s14 =	sadd.s32 $0x80000000, s14  }
0x121: {  	p0 =	slt.s32 s14, $0x1  }
.Ltmp5:
0x122: {  	_ = 	snop;
	(pc) =	sbr.rel @p0 .LBB2_11-.Ltmp5, $4  }
0x123: {  	v7 =	vshrl.u32 v5, $0x9  }
0x124: {  	v5 =	vand.u32 $0x3FFF, v5;
	v7 =	vand.u32 $0x7FFFE0, v7  }
0x125: {  	v7 =	vor.u32 v0, v7;
	[tilespmem:v6+s10+$0x0] =	vst.idx.msk vm1, v5  }
0x126: {  	[tilespmem:v6+s11+$0x0] =	vst.idx.msk vm1, v7  }
0x127: {  	s16 =	sadd.s32 s17, s16  }
0x128: {  	s16 =	sadd.s32 s18, s16  }
0x129: {  	s16 =	sadd.s32 s19, s16  }
0x12a: {  	s15 =	sadd.s32 s15, s16  }
0x12b: {  	s16 =	sadd.s32 $0x70, s15  }
0x12c: {  	s15 =	sadd.s32 $0xFFFFFF90, s16  }
0x12d: {  	v5 =	vld.msk [tilespmem:$0x4C80 ss:$0x0], $0xffff;
	v7 =	vadd.s32 s15, v2  }
0x12e: {  	v6 =	vld.msk [tilespmem:$0x5C80 ss:$0x0], $0xffff;
	s25 =	sadd.s32 $0xFFFFFFA0, s16  }
0x12f: {  	v8 =	vadd.s32 s25, v2  }
0x130: {  	s26 =	sadd.s32 $0xFFFFFFB0, s16  }
0x131: {  	v9 =	vadd.s32 s26, v2  }
0x132: {  	s28 =	sadd.s32 $0xFFFFFFC0, s16;
	[tilespmem:v7+s10+$0x0] =	vst.idx.msk $0xffff, v5  }
0x133: {  	[tilespmem:v7+s11+$0x0] =	vst.idx.msk $0xffff, v6;
	v7 =	vadd.s32 s28, v2  }
0x134: {  	s29 =	sadd.s32 $0xFFFFFFD0, s16;
	[tilespmem:v8+s10+$0x0] =	vst.idx.msk $0xffff, v5  }
0x135: {  	v10 =	vadd.s32 s29, v2;
	[tilespmem:v8+s11+$0x0] =	vst.idx.msk $0xffff, v6  }
0x136: {  	s30 =	sadd.s32 $0xFFFFFFE0, s16;
	[tilespmem:v9+s10+$0x0] =	vst.idx.msk $0xffff, v5  }
0x137: {  	[tilespmem:v9+s11+$0x0] =	vst.idx.msk $0xffff, v6;
	v9 =	vadd.s32 s30, v2  }
0x138: {  	s31 =	sadd.s32 $0xFFFFFFF0, s16;
	[tilespmem:v7+s10+$0x0] =	vst.idx.msk $0xffff, v5  }
0x139: {  	v8 =	vadd.s32 s31, v2;
	[tilespmem:v7+s11+$0x0] =	vst.idx.msk $0xffff, v6  }
0x13a: {  	[tilespmem:v10+s10+$0x0] =	vst.idx.msk $0xffff, v5  }
0x13b: {  	s15 =	simm.s32 $0x0;
	v7 =	vadd.s32 s16, v2;
	s16 =	sadd.s32 $0x80, s16;
	[tilespmem:v10+s11+$0x0] =	vst.idx.msk $0xffff, v6  }
.LBB2_9:
0x13c: {  	s17 =	sadd.s32 $0xFFFFFF90, s16;
	s15 =	sadd.s32 $0x8, s15;
	[tilespmem:v9+s10+$0x0] =	vst.idx.msk $0xffff, v5  }
0x13d: {  	v10 =	vadd.s32 s17, v2;
	p0 =	slt.u32 s15, $0x18;
	[tilespmem:v9+s11+$0x0] =	vst.idx.msk $0xffff, v6  }
0x13e: {  	s17 =	sadd.s32 $0xFFFFFFA0, s16;
	[tilespmem:v8+s10+$0x0] =	vst.idx.msk $0xffff, v5  }
0x13f: {  	v9 =	vadd.s32 s17, v2;
	[tilespmem:v8+s11+$0x0] =	vst.idx.msk $0xffff, v6  }
0x140: {  	s17 =	sadd.s32 $0xFFFFFFB0, s16;
	[tilespmem:v7+s10+$0x0] =	vst.idx.msk $0xffff, v5  }
0x141: {  	v8 =	vadd.s32 s17, v2;
	[tilespmem:v7+s11+$0x0] =	vst.idx.msk $0xffff, v6  }
0x142: {  	s17 =	sadd.s32 $0xFFFFFFC0, s16;
	[tilespmem:v10+s10+$0x0] =	vst.idx.msk $0xffff, v5  }
0x143: {  	v7 =	vadd.s32 s17, v2;
	[tilespmem:v10+s11+$0x0] =	vst.idx.msk $0xffff, v6  }
0x144: {  	s17 =	sadd.s32 $0xFFFFFFD0, s16;
	[tilespmem:v9+s10+$0x0] =	vst.idx.msk $0xffff, v5  }
0x145: {  	v10 =	vadd.s32 s17, v2;
	[tilespmem:v9+s11+$0x0] =	vst.idx.msk $0xffff, v6  }
0x146: {  	s17 =	sadd.s32 $0xFFFFFFE0, s16;
	[tilespmem:v8+s10+$0x0] =	vst.idx.msk $0xffff, v5  }
.Ltmp6:
0x147: {  	v9 =	vadd.s32 s17, v2;
	[tilespmem:v8+s11+$0x0] =	vst.idx.msk $0xffff, v6;
	(pc) =	sbr.rel @p0 .LBB2_9-.Ltmp6, $4  }
0x148: {  	s17 =	sadd.s32 $0xFFFFFFF0, s16;
	[tilespmem:v7+s10+$0x0] =	vst.idx.msk $0xffff, v5  }
0x149: {  	v8 =	vadd.s32 s17, v2;
	[tilespmem:v7+s11+$0x0] =	vst.idx.msk $0xffff, v6  }
0x14a: {  	[tilespmem:v10+s10+$0x0] =	vst.idx.msk $0xffff, v5  }
0x14b: {  	v7 =	vadd.s32 s16, v2;
	s16 =	sadd.s32 $0x80, s16;
	[tilespmem:v10+s11+$0x0] =	vst.idx.msk $0xffff, v6  }
.Ltmp7:
0x14c: {  	_ = 	snop;
	(pc) =	sbr.rel .LBB2_10-.Ltmp7, $1  }
0x14d: {  	_ =	sdelay $0x3  }
.LBB2_12:
0x14e: {  	_ =	sfence.sel $0x180000  }
0x14f: {  	[bflag:$0x0] =	sbarrier.arrive $0xFFFF  }
0x150: {  	p0 =	sne.s32 s1, $0x0;
	_ =	strace $0x90000047  }
0x151: {  	s0 =	sadd.s32 @!p0 $0x100000, s0;
	[bflag:$0x2] =	sbarrier.arrive $0xFFFF  }
0x152: {  	[sflag:s0] =	ssyncadd.tile.s32 @!p0 $0x1;
	_ =	shalt  }
.Lfunc_end2:
_tile_overlayer_lowered:
.L_overlay_start_2:
0x153: {  	(tag) =	ssettag $0x2  }
0x154: {  	s0 =	rddreg [dreg:$0x0];
	s2 =	stileid.u32  }
0x155: {  	s1 =	rddreg [dreg:$0x1];
	p0 =	sne.s32 s2, $0x0  }
0x156: {  	s3 =	rddreg [dreg:$0x2];
	[bflag:$0x3] =	sbarrier.arrive $0xFFFF;
	s2 =	simm.s32 @!p0 $0x1C01  }
0x157: {  	[timem:s3], [sflag:s2] =	dma.local @!p0 [hbm:s0], s1  }
0x158: {  	s0 =	simm.s32 @!p0 $0x1  }
0x159: {  	_ =	swait.ge @!p0 [sflag:s0], s1  }
0x15a: {  	s1 =	ssub.s32 @!p0 $0x0, s1;
	[sflag:s0] =	ssyncset.done @!p0 $0x0  }
0x15b: {  	[sflag:s0] =	ssyncadd.s32 @!p0 s1  }
0x15c: {  	[bflag:$0x3] =	sbarrier.arrive $0xFFFF  }
0x15d: {  	_ =	shalt  }

</sc_bundles>
